<compile_context>
chip_gen: v7x
topology: tpu7x:2x2x1
jax: 0.10.2.dev20260603
libtpu: 0.0.44.dev20260713+nightly
codegen_flags: <defaults>
</compile_context>

<pallas_src>
import functools

import jax
import jax.numpy as jnp
from jax.experimental import pallas as pl
from jax.experimental.pallas import tpu as pltpu
from jax.experimental.pallas import tpu_sc as plsc

T, N, F = 3, 4096, 128
BM = 512
NB = N // BM
L = 16
K8 = F // L



def _score_body(xt_ref, p_ref, z_ref):
    z_ref[0] = jax.lax.dot_general(
        p_ref[...], xt_ref[0], (((1,), (0,)), ((), ())),
        preferred_element_type=jnp.float32)


def _mega_body(a_ref, x_ref, w_ref, o_ref, res_ref, di_ref, u_ref, ub_ref):
    t = pl.program_id(0)
    i = pl.program_id(1)

    @pl.when((t > 0) & (i == 0))
    def _():
        di = di_ref[(t - 1) % 2]
        u = di * x_ref[0]
        u_ref[...] = u
        ub_ref[...] = u.astype(jnp.bfloat16)

    @pl.when(t > 0)
    def _():
        ab = res_ref[pl.ds(i * BM, BM), :]
        acc = jnp.dot(ab, ub_ref[...], preferred_element_type=jnp.float32)
        ur = u_ref[pl.ds(i * BM, BM), :]
        dib = di_ref[(t - 1) % 2, pl.ds(i * BM, BM), :]
        o_ref[0] = dib * jnp.dot(acc + ur, w_ref[0],
                                 preferred_element_type=jnp.float32)

    @pl.when(t < T)
    def _():
        a = a_ref[0]
        sm = jnp.sum(a, axis=1, keepdims=True) + 1.0
        di_ref[t % 2, pl.ds(i * BM, BM), :] = jnp.where(
            sm > 0, jax.lax.rsqrt(sm), 0.0)
        res_ref[pl.ds(i * BM, BM), :] = a.astype(jnp.bfloat16)


def _chain_body(xh_ref, zt_ref, p_ref, wih_ref, whh_ref, bih_ref, bhh_ref,
                w0_ref, wout_ref, h_ref):
    t = pl.program_id(0)
    p = p_ref[...]
    pn = jnp.sqrt(jnp.sum(p * p)) + 1e-16
    vals = jnp.tanh(zt_ref[0] / pn)
    xh = xh_ref[0] * vals

    @pl.when(t == 0)
    def _():
        h_ref[...] = w0_ref[0]

    h = h_ref[...]
    gi = jnp.dot(xh, wih_ref[...], preferred_element_type=jnp.float32) + bih_ref[...]
    gh = jnp.dot(h, whh_ref[...], preferred_element_type=jnp.float32) + bhh_ref[...]
    r = jax.nn.sigmoid(gi[:, :F] + gh[:, :F])
    z = jax.nn.sigmoid(gi[:, F:2 * F] + gh[:, F:2 * F])
    nn = jnp.tanh(gi[:, 2 * F:] + r * gh[:, 2 * F:])
    h1 = (1.0 - z) * nn + z * h
    h_ref[...] = h1
    wout_ref[0] = h1



def _merge_sorted16(kk, vv, ck, cv):
    new_k, new_v = [], []
    for j in range(K8):
        rk = jax.lax.rev(ck, (0,))
        rv = jax.lax.rev(cv, (0,))
        m = kk[j] >= rk
        hik = jnp.where(m, kk[j], rk)
        hiv = jnp.where(m, vv[j], rv)
        lok = jnp.where(m, rk, kk[j])
        lov = jnp.where(m, rv, vv[j])
        hik, hiv = plsc.sort_key_val(hik, hiv, descending=True)
        ck, cv = plsc.sort_key_val(lok, lov, descending=True)
        new_k.append(hik)
        new_v.append(hiv)
    return tuple(new_k), tuple(new_v)


def _sc_topk_body(z_hbm, xflat_hbm, xh_hbm, ztop_hbm, z_v, idx_v, zk_v,
                  rows_v, sem):
    cid = jax.lax.axis_index("c")
    sid = jax.lax.axis_index("s")
    iota = jax.lax.iota(jnp.int32, L)
    for t in range(T):
        @pl.when((cid == t % 2) & (sid == t // 2))
        def _():
            pltpu.sync_copy(z_hbm.at[pl.ds(t * N, N)], z_v)
            kk0 = tuple(jnp.full((L,), -jnp.inf, jnp.float32)
                        for _ in range(K8))
            vv0 = tuple(jnp.zeros((L,), jnp.int32) for _ in range(K8))

            def step(j, carry):
                kk, vv = carry
                ck = z_v[pl.ds(j * L, L)]
                cv = iota + j * L
                sk, sv = plsc.sort_key_val(ck, cv, descending=True)
                return _merge_sorted16(kk, vv, sk, sv)

            kk, vv = jax.lax.fori_loop(0, N // L, step, (kk0, vv0))
            for j in range(K8):
                zk_v[pl.ds(j * L, L)] = kk[j]
                idx_v[pl.ds(j * L, L)] = vv[j] + t * N
            pltpu.async_copy(xflat_hbm.at[idx_v], rows_v, sem).wait()
            pltpu.sync_copy(rows_v, xh_hbm.at[pl.ds(t * F, F)])
            pltpu.sync_copy(zk_v, ztop_hbm.at[pl.ds(t * F, F)])


_sc_topk = functools.partial(
    pl.kernel,
    out_type=(jax.ShapeDtypeStruct((T * F, F), jnp.float32),
              jax.ShapeDtypeStruct((T * F,), jnp.float32)),
    mesh=plsc.VectorSubcoreMesh(core_axis_name="c", subcore_axis_name="s",
                                num_cores=2, num_subcores=16),
    scratch_types=(pltpu.VMEM((N,), jnp.float32),
                   pltpu.VMEM((F,), jnp.int32),
                   pltpu.VMEM((F,), jnp.float32),
                   pltpu.VMEM((F, F), jnp.float32),
                   pltpu.SemaphoreType.DMA),
    compiler_params=pltpu.CompilerParams(needs_layout_passes=False),
)(_sc_topk_body)



@jax.jit
def _impl(x_seq, A_seq, p, W_ih, W_hh, b_ih, b_hh, W0):
    xT_seq = jnp.transpose(x_seq, (0, 2, 1))
    p2 = p.reshape(1, F)
    W_ihT = W_ih.T
    W_hhT = W_hh.T
    b_ih2 = b_ih.reshape(1, 3 * F)
    b_hh2 = b_hh.reshape(1, 3 * F)

    z3 = pl.pallas_call(
        _score_body,
        grid=(T,),
        in_specs=[
            pl.BlockSpec((1, F, N), lambda t: (t, 0, 0)),
            pl.BlockSpec((1, F), lambda t: (0, 0)),
        ],
        out_specs=pl.BlockSpec((1, 1, N), lambda t: (t, 0, 0)),
        out_shape=jax.ShapeDtypeStruct((T, 1, N), jnp.float32),
        compiler_params=pltpu.CompilerParams(
            dimension_semantics=("arbitrary",)),
    )(xT_seq, p2)

    xh_flat, ztop = _sc_topk(z3.reshape(T * N), x_seq.reshape(T * N, F))
    xh_all = xh_flat.reshape(T, F, F)

    W_all = pl.pallas_call(
        _chain_body,
        grid=(T,),
        in_specs=[
            pl.BlockSpec((1, F, F), lambda t: (t, 0, 0)),
            pl.BlockSpec((1, F, 1), lambda t: (t, 0, 0)),
            pl.BlockSpec((1, F), lambda t: (0, 0)),
            pl.BlockSpec((F, 3 * F), lambda t: (0, 0)),
            pl.BlockSpec((F, 3 * F), lambda t: (0, 0)),
            pl.BlockSpec((1, 3 * F), lambda t: (0, 0)),
            pl.BlockSpec((1, 3 * F), lambda t: (0, 0)),
            pl.BlockSpec((1, F, F), lambda t: (0, 0, 0)),
        ],
        out_specs=pl.BlockSpec((1, F, F), lambda t: (t, 0, 0)),
        out_shape=jax.ShapeDtypeStruct((T, F, F), jnp.float32),
        scratch_shapes=[pltpu.VMEM((F, F), jnp.float32)],
        compiler_params=pltpu.CompilerParams(
            dimension_semantics=("arbitrary",)),
    )(xh_all, ztop.reshape(T, F, 1), p2, W_ihT, W_hhT, b_ih2, b_hh2, W0)

    out = pl.pallas_call(
        _mega_body,
        grid=(T + 1, NB),
        in_specs=[
            pl.BlockSpec((1, BM, N), lambda t, i: (
                jnp.minimum(t, T - 1), jnp.where(t < T, i, NB - 1), 0)),
            pl.BlockSpec((1, N, F), lambda t, i: (jnp.maximum(t - 1, 0), 0, 0)),
            pl.BlockSpec((1, F, F), lambda t, i: (jnp.maximum(t - 1, 0), 0, 0)),
        ],
        out_specs=pl.BlockSpec((1, BM, F), lambda t, i: (
            jnp.maximum(t - 1, 0), jnp.where(t > 0, i, 0), 0)),
        out_shape=jax.ShapeDtypeStruct((T, N, F), jnp.float32),
        scratch_shapes=[
            pltpu.VMEM((N, N), jnp.bfloat16),
            pltpu.VMEM((2, N, 1), jnp.float32),
            pltpu.VMEM((N, F), jnp.float32),
            pltpu.VMEM((N, F), jnp.bfloat16),
        ],
        compiler_params=pltpu.CompilerParams(
            dimension_semantics=("arbitrary", "arbitrary"),
            vmem_limit_bytes=100 * 1024 * 1024),
    )(A_seq, x_seq, W_all)
    return out


def kernel(x_seq, A_seq, p, W_ih, W_hh, b_ih, b_hh, W0):
    return _impl(x_seq, A_seq, p, W_ih, W_hh, b_ih, b_hh, W0)

# --- scband reference (transcript-rebuilt; emitter-appended) ---
"""Pipeline reference for scband-egchunit-27109833572723 (READ-ONLY COPY).

The authoritative reference and input builder live on the scoring server;
editing this copy changes nothing except your own understanding.
"""

import jax, jax.numpy as jnp
import numpy as np

T, N, F = 3, 4096, 128


def setup_inputs(seed: int = 0) -> dict:
    key = jax.random.key(seed)
    ks = jax.random.split(key, 8)
    x_seq = jax.random.normal(ks[0], (T, N, F), dtype=jnp.float32)
    A_seq = jax.random.uniform(ks[1], (T, N, N), dtype=jnp.float32)
    g = 1.0 / np.sqrt(F)
    # TopKPooling projection vector
    p = jax.random.uniform(ks[2], (F,), minval=-g, maxval=g, dtype=jnp.float32)
    # GRU (num_layers=1, input_size=F, hidden_size=F)
    W_ih = jax.random.uniform(ks[3], (3 * F, F), minval=-g, maxval=g, dtype=jnp.float32)
    W_hh = jax.random.uniform(ks[4], (3 * F, F), minval=-g, maxval=g, dtype=jnp.float32)
    b_ih = jax.random.uniform(ks[5], (3 * F,), minval=-g, maxval=g, dtype=jnp.float32)
    b_hh = jax.random.uniform(ks[6], (3 * F,), minval=-g, maxval=g, dtype=jnp.float32)
    # glorot init for evolving GCN weight W0: (num_layers=1, F, F)
    std = np.sqrt(6.0 / (F + F))
    W0 = jax.random.uniform(ks[7], (1, F, F), minval=-std, maxval=std, dtype=jnp.float32)
    return {"x_seq": x_seq, "A_seq": A_seq, "p": p, "W_ih": W_ih, "W_hh": W_hh,
            "b_ih": b_ih, "b_hh": b_hh, "W0": W0}


def _gru_step(x, h, W_ih, W_hh, b_ih, b_hh, H):
    # single-layer, single-timestep torch.nn.GRU semantics
    gi = x @ W_ih.T + b_ih
    gh = h @ W_hh.T + b_hh
    r = jax.nn.sigmoid(gi[:, :H] + gh[:, :H])
    z = jax.nn.sigmoid(gi[:, H:2 * H] + gh[:, H:2 * H])
    n = jnp.tanh(gi[:, 2 * H:] + r * gh[:, 2 * H:])
    return (1.0 - z) * n + z * h


def reference(x_seq, A_seq, p, W_ih, W_hh, b_ih, b_hh, W0):
    H = W0.shape[-1]
    k = H  # TopKPooling with int ratio == out_features keeps k nodes
    W = W0
    outs = []
    for t in range(x_seq.shape[0]):
        x = x_seq[t]
        A = A_seq[t]
        # --- TopKPooling: score = tanh((x . p) / ||p||); keep top-k nodes, gate by score ---
        score = jnp.tanh((x @ p) / (jnp.linalg.norm(p) + 1e-16))
        top_vals, top_idx = jax.lax.top_k(score, k)
        x_hat = x[top_idx] * top_vals[:, None]  # [k, F], k == H == batch for GRU
        # --- RNN: evolve GCN weight, W acts as GRU hidden state [num_layers, H, H] ---
        h1 = _gru_step(x_hat, W[-1], W_ih, W_hh, b_ih, b_hh, H)
        W = h1[None, :, :]
        # --- GCNConv with fixed (evolved) weight: D^-1/2 (A+I) D^-1/2 x W_t ---
        A_hat = A + jnp.eye(A.shape[0], dtype=A.dtype)
        deg = A_hat.sum(axis=1)
        dinv = jnp.where(deg > 0, 1.0 / jnp.sqrt(deg), 0.0)
        norm = dinv[:, None] * A_hat * dinv[None, :]
        outs.append(norm @ (x @ W[-1]))
    return jnp.stack(outs, axis=0)

if __name__ == "__main__":
    import jax
    _d = setup_inputs()
    print(jax.jit(kernel)(*tuple(_d.values())))

</pallas_src>

<mosaic_0001>
#map = affine_map<(d0, d1) -> (0)>
#map1 = affine_map<(d0, d1) -> (0, 0)>
module attributes {stable_mosaic.version = 14 : i64} {
  func.func @_sc_topk_body(%arg0: i32, %arg1: i32, %arg2: memref<12288xf32, #tpu.memory_space<hbm>>, %arg3: memref<12288x128xf32, #tpu.memory_space<hbm>>, %arg4: memref<384x128xf32, #tpu.memory_space<hbm>>, %arg5: memref<384xf32, #tpu.memory_space<hbm>>, %arg6: memref<4096xf32, #tpu.memory_space<vmem>>, %arg7: memref<128xi32, #tpu.memory_space<vmem>>, %arg8: memref<128xf32, #tpu.memory_space<vmem>>, %arg9: memref<128x128xf32, #tpu.memory_space<vmem>>, %arg10: memref<!tpu.dma_semaphore, #tpu.memory_space<semaphore_mem>>) attributes {dimension_semantics = [#tpu.dimension_semantics<core_parallel>, #tpu.dimension_semantics<subcore_parallel>], iteration_bounds = array<i64: 2, 16>, scalar_prefetch = 0 : i64, scratch_operands = 5 : i64, tpu.core_type = #tpu.core_type<sc_vector_subcore>, window_params = [{transform_indices = #map}, {transform_indices = #map1}, {transform_indices = #map1}, {transform_indices = #map}]} {
    %iota3A = tpu.iota {dimensions = array<i32: 0>} : vector<16xi32>
    %eq3A = arith.constant 0 : i32
    %eq3A_0 = arith.cmpi eq, %arg0, %eq3A : i32
    %eq3A_1 = arith.constant 0 : i32
    %eq3A_2 = arith.cmpi eq, %arg1, %eq3A_1 : i32
    %and3A = arith.andi %eq3A_0, %eq3A_2 : i1
    %convert_element_type3A = arith.extui %and3A : i1 to i32
    %cond3A = arith.constant 0 : i32
    %cond3A_3 = arith.cmpi ne, %convert_element_type3A, %cond3A : i32
    scf.if %cond3A_3 {
      "tpu.region"() ({
        %run_scoped3A = tpu.sem_alloc : memref<!tpu.dma_semaphore, #tpu.memory_space<semaphore_mem>>
        %dma_start3A_114 = arith.constant 0 : i32
        %dma_start3A_115 = tpu.memref_slice %arg2[%dma_start3A_114] : memref<12288xf32, #tpu.memory_space<hbm>> -> memref<4096xf32, #tpu.memory_space<hbm>>
        %dma_start3A_116 = arith.constant 0 : i32
        %dma_start3A_117 = tpu.memref_slice %arg2[%dma_start3A_116] : memref<12288xf32, #tpu.memory_space<hbm>> -> memref<4096xf32, #tpu.memory_space<hbm>>
        tpu.enqueue_dma source(%dma_start3A_117 : memref<4096xf32, #tpu.memory_space<hbm>>) target(%arg6 : memref<4096xf32, #tpu.memory_space<vmem>>) target_semaphore(%run_scoped3A : memref<!tpu.dma_semaphore, #tpu.memory_space<semaphore_mem>>)
        %dma_wait3A_118 = arith.constant 0 : i32
        %dma_wait3A_119 = tpu.memref_slice %arg2[%dma_wait3A_118] : memref<12288xf32, #tpu.memory_space<hbm>> -> memref<4096xf32, #tpu.memory_space<hbm>>
        %dma_wait3A_120 = arith.constant 0 : i32
        %dma_wait3A_121 = tpu.memref_slice %arg2[%dma_wait3A_120] : memref<12288xf32, #tpu.memory_space<hbm>> -> memref<4096xf32, #tpu.memory_space<hbm>>
        tpu.wait_dma2 semaphore(%run_scoped3A : memref<!tpu.dma_semaphore, #tpu.memory_space<semaphore_mem>>) src(%dma_wait3A_121 : memref<4096xf32, #tpu.memory_space<hbm>>) dst(%arg6 : memref<4096xf32, #tpu.memory_space<vmem>>)
        tpu.yield
      }) : () -> ()
      %broadcast_in_dim3A = arith.constant 0xFF800000 : f32
      %broadcast_in_dim3A_20 = vector.broadcast %broadcast_in_dim3A : f32 to vector<16xf32>
      %broadcast_in_dim3A_21 = arith.constant 0xFF800000 : f32
      %broadcast_in_dim3A_22 = vector.broadcast %broadcast_in_dim3A_21 : f32 to vector<16xf32>
      %broadcast_in_dim3A_23 = arith.constant 0xFF800000 : f32
      %broadcast_in_dim3A_24 = vector.broadcast %broadcast_in_dim3A_23 : f32 to vector<16xf32>
      %broadcast_in_dim3A_25 = arith.constant 0xFF800000 : f32
      %broadcast_in_dim3A_26 = vector.broadcast %broadcast_in_dim3A_25 : f32 to vector<16xf32>
      %broadcast_in_dim3A_27 = arith.constant 0xFF800000 : f32
      %broadcast_in_dim3A_28 = vector.broadcast %broadcast_in_dim3A_27 : f32 to vector<16xf32>
      %broadcast_in_dim3A_29 = arith.constant 0xFF800000 : f32
      %broadcast_in_dim3A_30 = vector.broadcast %broadcast_in_dim3A_29 : f32 to vector<16xf32>
      %broadcast_in_dim3A_31 = arith.constant 0xFF800000 : f32
      %broadcast_in_dim3A_32 = vector.broadcast %broadcast_in_dim3A_31 : f32 to vector<16xf32>
      %broadcast_in_dim3A_33 = arith.constant 0xFF800000 : f32
      %broadcast_in_dim3A_34 = vector.broadcast %broadcast_in_dim3A_33 : f32 to vector<16xf32>
      %broadcast_in_dim3A_35 = arith.constant 0 : i32
      %broadcast_in_dim3A_36 = vector.broadcast %broadcast_in_dim3A_35 : i32 to vector<16xi32>
      %broadcast_in_dim3A_37 = arith.constant 0 : i32
      %broadcast_in_dim3A_38 = vector.broadcast %broadcast_in_dim3A_37 : i32 to vector<16xi32>
      %broadcast_in_dim3A_39 = arith.constant 0 : i32
      %broadcast_in_dim3A_40 = vector.broadcast %broadcast_in_dim3A_39 : i32 to vector<16xi32>
      %broadcast_in_dim3A_41 = arith.constant 0 : i32
      %broadcast_in_dim3A_42 = vector.broadcast %broadcast_in_dim3A_41 : i32 to vector<16xi32>
      %broadcast_in_dim3A_43 = arith.constant 0 : i32
      %broadcast_in_dim3A_44 = vector.broadcast %broadcast_in_dim3A_43 : i32 to vector<16xi32>
      %broadcast_in_dim3A_45 = arith.constant 0 : i32
      %broadcast_in_dim3A_46 = vector.broadcast %broadcast_in_dim3A_45 : i32 to vector<16xi32>
      %broadcast_in_dim3A_47 = arith.constant 0 : i32
      %broadcast_in_dim3A_48 = vector.broadcast %broadcast_in_dim3A_47 : i32 to vector<16xi32>
      %broadcast_in_dim3A_49 = arith.constant 0 : i32
      %broadcast_in_dim3A_50 = vector.broadcast %broadcast_in_dim3A_49 : i32 to vector<16xi32>
      %scan3A = arith.constant 0 : i32
      %scan3A_51 = arith.constant 256 : i32
      %scan3A_52 = arith.addi %scan3A, %scan3A_51 : i32
      %scan3A_53 = arith.constant 1 : i32
      %scan3A_54:16 = scf.for %scan3A_114 = %scan3A to %scan3A_52 step %scan3A_53 iter_args(%scan3A_115 = %broadcast_in_dim3A_20, %scan3A_116 = %broadcast_in_dim3A_22, %scan3A_117 = %broadcast_in_dim3A_24, %scan3A_118 = %broadcast_in_dim3A_26, %scan3A_119 = %broadcast_in_dim3A_28, %scan3A_120 = %broadcast_in_dim3A_30, %scan3A_121 = %broadcast_in_dim3A_32, %scan3A_122 = %broadcast_in_dim3A_34, %scan3A_123 = %broadcast_in_dim3A_36, %scan3A_124 = %broadcast_in_dim3A_38, %scan3A_125 = %broadcast_in_dim3A_40, %scan3A_126 = %broadcast_in_dim3A_42, %scan3A_127 = %broadcast_in_dim3A_44, %scan3A_128 = %broadcast_in_dim3A_46, %scan3A_129 = %broadcast_in_dim3A_48, %scan3A_130 = %broadcast_in_dim3A_50) -> (vector<16xf32>, vector<16xf32>, vector<16xf32>, vector<16xf32>, vector<16xf32>, vector<16xf32>, vector<16xf32>, vector<16xf32>, vector<16xi32>, vector<16xi32>, vector<16xi32>, vector<16xi32>, vector<16xi32>, vector<16xi32>, vector<16xi32>, vector<16xi32>)  : i32 {
        %mul3A = arith.constant 16 : i32
        %mul3A_131 = arith.muli %scan3A_114, %mul3A : i32
        %get3A = arith.index_cast %mul3A_131 : i32 to index
        %get3A_132 = tpu.vector_load %arg6[%get3A] {strides = array<i32>} : memref<4096xf32, #tpu.memory_space<vmem>>, vector<16xf32>,
        %mul3A_133 = arith.constant 16 : i32
        %mul3A_134 = arith.muli %scan3A_114, %mul3A_133 : i32
        %add3A_135 = vector.broadcast %mul3A_134 : i32 to vector<16xi32>
        %add3A_136 = arith.addi %iota3A, %add3A_135 : vector<16xi32>
        %masked_sort3A = arith.constant dense<true> : vector<16xi1>
        %masked_sort3A_137, %masked_sort3A_138, %masked_sort3A_139 = tpu.sort %get3A_132, %add3A_136 masked %masked_sort3A {descending = true} : (vector<16xf32>, vector<16xi32>, vector<16xi1>) -> (vector<16xi1>, vector<16xf32>, vector<16xi32>)
        %rev3A = arith.constant 15 : i32
        %rev3A_140 = vector.broadcast %rev3A : i32 to vector<16xi32>
        %rev3A_141 = tpu.iota {dimensions = array<i32: 0>} : vector<16xi32>
        %rev3A_142 = arith.subi %rev3A_140, %rev3A_141 : vector<16xi32>
        %rev3A_143 = tpu.dynamic_gather %masked_sort3A_138[%rev3A_142] in [0] : vector<16xf32>, vector<16xi32> -> vector<16xf32>
        %rev3A_144 = arith.constant 15 : i32
        %rev3A_145 = vector.broadcast %rev3A_144 : i32 to vector<16xi32>
        %rev3A_146 = tpu.iota {dimensions = array<i32: 0>} : vector<16xi32>
        %rev3A_147 = arith.subi %rev3A_145, %rev3A_146 : vector<16xi32>
        %rev3A_148 = tpu.dynamic_gather %masked_sort3A_139[%rev3A_147] in [0] : vector<16xi32>, vector<16xi32> -> vector<16xi32>
        %ge3A = arith.cmpf oge, %scan3A_115, %rev3A_143 : vector<16xf32>
        %select_n3A = arith.select %ge3A, %scan3A_115, %rev3A_143 : vector<16xi1>, vector<16xf32>
        %select_n3A_149 = arith.select %ge3A, %scan3A_123, %rev3A_148 : vector<16xi1>, vector<16xi32>
        %select_n3A_150 = arith.select %ge3A, %rev3A_143, %scan3A_115 : vector<16xi1>, vector<16xf32>
        %select_n3A_151 = arith.select %ge3A, %rev3A_148, %scan3A_123 : vector<16xi1>, vector<16xi32>
        %masked_sort3A_152 = arith.constant dense<true> : vector<16xi1>
        %masked_sort3A_153, %masked_sort3A_154, %masked_sort3A_155 = tpu.sort %select_n3A, %select_n3A_149 masked %masked_sort3A_152 {descending = true} : (vector<16xf32>, vector<16xi32>, vector<16xi1>) -> (vector<16xi1>, vector<16xf32>, vector<16xi32>)
        %masked_sort3A_156 = arith.constant dense<true> : vector<16xi1>
        %masked_sort3A_157, %masked_sort3A_158, %masked_sort3A_159 = tpu.sort %select_n3A_150, %select_n3A_151 masked %masked_sort3A_156 {descending = true} : (vector<16xf32>, vector<16xi32>, vector<16xi1>) -> (vector<16xi1>, vector<16xf32>, vector<16xi32>)
        %rev3A_160 = arith.constant 15 : i32
        %rev3A_161 = vector.broadcast %rev3A_160 : i32 to vector<16xi32>
        %rev3A_162 = tpu.iota {dimensions = array<i32: 0>} : vector<16xi32>
        %rev3A_163 = arith.subi %rev3A_161, %rev3A_162 : vector<16xi32>
        %rev3A_164 = tpu.dynamic_gather %masked_sort3A_158[%rev3A_163] in [0] : vector<16xf32>, vector<16xi32> -> vector<16xf32>
        %rev3A_165 = arith.constant 15 : i32
        %rev3A_166 = vector.broadcast %rev3A_165 : i32 to vector<16xi32>
        %rev3A_167 = tpu.iota {dimensions = array<i32: 0>} : vector<16xi32>
        %rev3A_168 = arith.subi %rev3A_166, %rev3A_167 : vector<16xi32>
        %rev3A_169 = tpu.dynamic_gather %masked_sort3A_159[%rev3A_168] in [0] : vector<16xi32>, vector<16xi32> -> vector<16xi32>
        %ge3A_170 = arith.cmpf oge, %scan3A_116, %rev3A_164 : vector<16xf32>
        %select_n3A_171 = arith.select %ge3A_170, %scan3A_116, %rev3A_164 : vector<16xi1>, vector<16xf32>
        %select_n3A_172 = arith.select %ge3A_170, %scan3A_124, %rev3A_169 : vector<16xi1>, vector<16xi32>
        %select_n3A_173 = arith.select %ge3A_170, %rev3A_164, %scan3A_116 : vector<16xi1>, vector<16xf32>
        %select_n3A_174 = arith.select %ge3A_170, %rev3A_169, %scan3A_124 : vector<16xi1>, vector<16xi32>
        %masked_sort3A_175 = arith.constant dense<true> : vector<16xi1>
        %masked_sort3A_176, %masked_sort3A_177, %masked_sort3A_178 = tpu.sort %select_n3A_171, %select_n3A_172 masked %masked_sort3A_175 {descending = true} : (vector<16xf32>, vector<16xi32>, vector<16xi1>) -> (vector<16xi1>, vector<16xf32>, vector<16xi32>)
        %masked_sort3A_179 = arith.constant dense<true> : vector<16xi1>
        %masked_sort3A_180, %masked_sort3A_181, %masked_sort3A_182 = tpu.sort %select_n3A_173, %select_n3A_174 masked %masked_sort3A_179 {descending = true} : (vector<16xf32>, vector<16xi32>, vector<16xi1>) -> (vector<16xi1>, vector<16xf32>, vector<16xi32>)
        %rev3A_183 = arith.constant 15 : i32
        %rev3A_184 = vector.broadcast %rev3A_183 : i32 to vector<16xi32>
        %rev3A_185 = tpu.iota {dimensions = array<i32: 0>} : vector<16xi32>
        %rev3A_186 = arith.subi %rev3A_184, %rev3A_185 : vector<16xi32>
        %rev3A_187 = tpu.dynamic_gather %masked_sort3A_181[%rev3A_186] in [0] : vector<16xf32>, vector<16xi32> -> vector<16xf32>
        %rev3A_188 = arith.constant 15 : i32
        %rev3A_189 = vector.broadcast %rev3A_188 : i32 to vector<16xi32>
        %rev3A_190 = tpu.iota {dimensions = array<i32: 0>} : vector<16xi32>
        %rev3A_191 = arith.subi %rev3A_189, %rev3A_190 : vector<16xi32>
        %rev3A_192 = tpu.dynamic_gather %masked_sort3A_182[%rev3A_191] in [0] : vector<16xi32>, vector<16xi32> -> vector<16xi32>
        %ge3A_193 = arith.cmpf oge, %scan3A_117, %rev3A_187 : vector<16xf32>
        %select_n3A_194 = arith.select %ge3A_193, %scan3A_117, %rev3A_187 : vector<16xi1>, vector<16xf32>
        %select_n3A_195 = arith.select %ge3A_193, %scan3A_125, %rev3A_192 : vector<16xi1>, vector<16xi32>
        %select_n3A_196 = arith.select %ge3A_193, %rev3A_187, %scan3A_117 : vector<16xi1>, vector<16xf32>
        %select_n3A_197 = arith.select %ge3A_193, %rev3A_192, %scan3A_125 : vector<16xi1>, vector<16xi32>
        %masked_sort3A_198 = arith.constant dense<true> : vector<16xi1>
        %masked_sort3A_199, %masked_sort3A_200, %masked_sort3A_201 = tpu.sort %select_n3A_194, %select_n3A_195 masked %masked_sort3A_198 {descending = true} : (vector<16xf32>, vector<16xi32>, vector<16xi1>) -> (vector<16xi1>, vector<16xf32>, vector<16xi32>)
        %masked_sort3A_202 = arith.constant dense<true> : vector<16xi1>
        %masked_sort3A_203, %masked_sort3A_204, %masked_sort3A_205 = tpu.sort %select_n3A_196, %select_n3A_197 masked %masked_sort3A_202 {descending = true} : (vector<16xf32>, vector<16xi32>, vector<16xi1>) -> (vector<16xi1>, vector<16xf32>, vector<16xi32>)
        %rev3A_206 = arith.constant 15 : i32
        %rev3A_207 = vector.broadcast %rev3A_206 : i32 to vector<16xi32>
        %rev3A_208 = tpu.iota {dimensions = array<i32: 0>} : vector<16xi32>
        %rev3A_209 = arith.subi %rev3A_207, %rev3A_208 : vector<16xi32>
        %rev3A_210 = tpu.dynamic_gather %masked_sort3A_204[%rev3A_209] in [0] : vector<16xf32>, vector<16xi32> -> vector<16xf32>
        %rev3A_211 = arith.constant 15 : i32
        %rev3A_212 = vector.broadcast %rev3A_211 : i32 to vector<16xi32>
        %rev3A_213 = tpu.iota {dimensions = array<i32: 0>} : vector<16xi32>
        %rev3A_214 = arith.subi %rev3A_212, %rev3A_213 : vector<16xi32>
        %rev3A_215 = tpu.dynamic_gather %masked_sort3A_205[%rev3A_214] in [0] : vector<16xi32>, vector<16xi32> -> vector<16xi32>
        %ge3A_216 = arith.cmpf oge, %scan3A_118, %rev3A_210 : vector<16xf32>
        %select_n3A_217 = arith.select %ge3A_216, %scan3A_118, %rev3A_210 : vector<16xi1>, vector<16xf32>
        %select_n3A_218 = arith.select %ge3A_216, %scan3A_126, %rev3A_215 : vector<16xi1>, vector<16xi32>
        %select_n3A_219 = arith.select %ge3A_216, %rev3A_210, %scan3A_118 : vector<16xi1>, vector<16xf32>
        %select_n3A_220 = arith.select %ge3A_216, %rev3A_215, %scan3A_126 : vector<16xi1>, vector<16xi32>
        %masked_sort3A_221 = arith.constant dense<true> : vector<16xi1>
        %masked_sort3A_222, %masked_sort3A_223, %masked_sort3A_224 = tpu.sort %select_n3A_217, %select_n3A_218 masked %masked_sort3A_221 {descending = true} : (vector<16xf32>, vector<16xi32>, vector<16xi1>) -> (vector<16xi1>, vector<16xf32>, vector<16xi32>)
        %masked_sort3A_225 = arith.constant dense<true> : vector<16xi1>
        %masked_sort3A_226, %masked_sort3A_227, %masked_sort3A_228 = tpu.sort %select_n3A_219, %select_n3A_220 masked %masked_sort3A_225 {descending = true} : (vector<16xf32>, vector<16xi32>, vector<16xi1>) -> (vector<16xi1>, vector<16xf32>, vector<16xi32>)
        %rev3A_229 = arith.constant 15 : i32
        %rev3A_230 = vector.broadcast %rev3A_229 : i32 to vector<16xi32>
        %rev3A_231 = tpu.iota {dimensions = array<i32: 0>} : vector<16xi32>
        %rev3A_232 = arith.subi %rev3A_230, %rev3A_231 : vector<16xi32>
        %rev3A_233 = tpu.dynamic_gather %masked_sort3A_227[%rev3A_232] in [0] : vector<16xf32>, vector<16xi32> -> vector<16xf32>
        %rev3A_234 = arith.constant 15 : i32
        %rev3A_235 = vector.broadcast %rev3A_234 : i32 to vector<16xi32>
        %rev3A_236 = tpu.iota {dimensions = array<i32: 0>} : vector<16xi32>
        %rev3A_237 = arith.subi %rev3A_235, %rev3A_236 : vector<16xi32>
        %rev3A_238 = tpu.dynamic_gather %masked_sort3A_228[%rev3A_237] in [0] : vector<16xi32>, vector<16xi32> -> vector<16xi32>
        %ge3A_239 = arith.cmpf oge, %scan3A_119, %rev3A_233 : vector<16xf32>
        %select_n3A_240 = arith.select %ge3A_239, %scan3A_119, %rev3A_233 : vector<16xi1>, vector<16xf32>
        %select_n3A_241 = arith.select %ge3A_239, %scan3A_127, %rev3A_238 : vector<16xi1>, vector<16xi32>
        %select_n3A_242 = arith.select %ge3A_239, %rev3A_233, %scan3A_119 : vector<16xi1>, vector<16xf32>
        %select_n3A_243 = arith.select %ge3A_239, %rev3A_238, %scan3A_127 : vector<16xi1>, vector<16xi32>
        %masked_sort3A_244 = arith.constant dense<true> : vector<16xi1>
        %masked_sort3A_245, %masked_sort3A_246, %masked_sort3A_247 = tpu.sort %select_n3A_240, %select_n3A_241 masked %masked_sort3A_244 {descending = true} : (vector<16xf32>, vector<16xi32>, vector<16xi1>) -> (vector<16xi1>, vector<16xf32>, vector<16xi32>)
        %masked_sort3A_248 = arith.constant dense<true> : vector<16xi1>
        %masked_sort3A_249, %masked_sort3A_250, %masked_sort3A_251 = tpu.sort %select_n3A_242, %select_n3A_243 masked %masked_sort3A_248 {descending = true} : (vector<16xf32>, vector<16xi32>, vector<16xi1>) -> (vector<16xi1>, vector<16xf32>, vector<16xi32>)
        %rev3A_252 = arith.constant 15 : i32
        %rev3A_253 = vector.broadcast %rev3A_252 : i32 to vector<16xi32>
        %rev3A_254 = tpu.iota {dimensions = array<i32: 0>} : vector<16xi32>
        %rev3A_255 = arith.subi %rev3A_253, %rev3A_254 : vector<16xi32>
        %rev3A_256 = tpu.dynamic_gather %masked_sort3A_250[%rev3A_255] in [0] : vector<16xf32>, vector<16xi32> -> vector<16xf32>
        %rev3A_257 = arith.constant 15 : i32
        %rev3A_258 = vector.broadcast %rev3A_257 : i32 to vector<16xi32>
        %rev3A_259 = tpu.iota {dimensions = array<i32: 0>} : vector<16xi32>
        %rev3A_260 = arith.subi %rev3A_258, %rev3A_259 : vector<16xi32>
        %rev3A_261 = tpu.dynamic_gather %masked_sort3A_251[%rev3A_260] in [0] : vector<16xi32>, vector<16xi32> -> vector<16xi32>
        %ge3A_262 = arith.cmpf oge, %scan3A_120, %rev3A_256 : vector<16xf32>
        %select_n3A_263 = arith.select %ge3A_262, %scan3A_120, %rev3A_256 : vector<16xi1>, vector<16xf32>
        %select_n3A_264 = arith.select %ge3A_262, %scan3A_128, %rev3A_261 : vector<16xi1>, vector<16xi32>
        %select_n3A_265 = arith.select %ge3A_262, %rev3A_256, %scan3A_120 : vector<16xi1>, vector<16xf32>
        %select_n3A_266 = arith.select %ge3A_262, %rev3A_261, %scan3A_128 : vector<16xi1>, vector<16xi32>
        %masked_sort3A_267 = arith.constant dense<true> : vector<16xi1>
        %masked_sort3A_268, %masked_sort3A_269, %masked_sort3A_270 = tpu.sort %select_n3A_263, %select_n3A_264 masked %masked_sort3A_267 {descending = true} : (vector<16xf32>, vector<16xi32>, vector<16xi1>) -> (vector<16xi1>, vector<16xf32>, vector<16xi32>)
        %masked_sort3A_271 = arith.constant dense<true> : vector<16xi1>
        %masked_sort3A_272, %masked_sort3A_273, %masked_sort3A_274 = tpu.sort %select_n3A_265, %select_n3A_266 masked %masked_sort3A_271 {descending = true} : (vector<16xf32>, vector<16xi32>, vector<16xi1>) -> (vector<16xi1>, vector<16xf32>, vector<16xi32>)
        %rev3A_275 = arith.constant 15 : i32
        %rev3A_276 = vector.broadcast %rev3A_275 : i32 to vector<16xi32>
        %rev3A_277 = tpu.iota {dimensions = array<i32: 0>} : vector<16xi32>
        %rev3A_278 = arith.subi %rev3A_276, %rev3A_277 : vector<16xi32>
        %rev3A_279 = tpu.dynamic_gather %masked_sort3A_273[%rev3A_278] in [0] : vector<16xf32>, vector<16xi32> -> vector<16xf32>
        %rev3A_280 = arith.constant 15 : i32
        %rev3A_281 = vector.broadcast %rev3A_280 : i32 to vector<16xi32>
        %rev3A_282 = tpu.iota {dimensions = array<i32: 0>} : vector<16xi32>
        %rev3A_283 = arith.subi %rev3A_281, %rev3A_282 : vector<16xi32>
        %rev3A_284 = tpu.dynamic_gather %masked_sort3A_274[%rev3A_283] in [0] : vector<16xi32>, vector<16xi32> -> vector<16xi32>
        %ge3A_285 = arith.cmpf oge, %scan3A_121, %rev3A_279 : vector<16xf32>
        %select_n3A_286 = arith.select %ge3A_285, %scan3A_121, %rev3A_279 : vector<16xi1>, vector<16xf32>
        %select_n3A_287 = arith.select %ge3A_285, %scan3A_129, %rev3A_284 : vector<16xi1>, vector<16xi32>
        %select_n3A_288 = arith.select %ge3A_285, %rev3A_279, %scan3A_121 : vector<16xi1>, vector<16xf32>
        %select_n3A_289 = arith.select %ge3A_285, %rev3A_284, %scan3A_129 : vector<16xi1>, vector<16xi32>
        %masked_sort3A_290 = arith.constant dense<true> : vector<16xi1>
        %masked_sort3A_291, %masked_sort3A_292, %masked_sort3A_293 = tpu.sort %select_n3A_286, %select_n3A_287 masked %masked_sort3A_290 {descending = true} : (vector<16xf32>, vector<16xi32>, vector<16xi1>) -> (vector<16xi1>, vector<16xf32>, vector<16xi32>)
        %masked_sort3A_294 = arith.constant dense<true> : vector<16xi1>
        %masked_sort3A_295, %masked_sort3A_296, %masked_sort3A_297 = tpu.sort %select_n3A_288, %select_n3A_289 masked %masked_sort3A_294 {descending = true} : (vector<16xf32>, vector<16xi32>, vector<16xi1>) -> (vector<16xi1>, vector<16xf32>, vector<16xi32>)
        %rev3A_298 = arith.constant 15 : i32
        %rev3A_299 = vector.broadcast %rev3A_298 : i32 to vector<16xi32>
        %rev3A_300 = tpu.iota {dimensions = array<i32: 0>} : vector<16xi32>
        %rev3A_301 = arith.subi %rev3A_299, %rev3A_300 : vector<16xi32>
        %rev3A_302 = tpu.dynamic_gather %masked_sort3A_296[%rev3A_301] in [0] : vector<16xf32>, vector<16xi32> -> vector<16xf32>
        %rev3A_303 = arith.constant 15 : i32
        %rev3A_304 = vector.broadcast %rev3A_303 : i32 to vector<16xi32>
        %rev3A_305 = tpu.iota {dimensions = array<i32: 0>} : vector<16xi32>
        %rev3A_306 = arith.subi %rev3A_304, %rev3A_305 : vector<16xi32>
        %rev3A_307 = tpu.dynamic_gather %masked_sort3A_297[%rev3A_306] in [0] : vector<16xi32>, vector<16xi32> -> vector<16xi32>
        %ge3A_308 = arith.cmpf oge, %scan3A_122, %rev3A_302 : vector<16xf32>
        %select_n3A_309 = arith.select %ge3A_308, %scan3A_122, %rev3A_302 : vector<16xi1>, vector<16xf32>
        %select_n3A_310 = arith.select %ge3A_308, %scan3A_130, %rev3A_307 : vector<16xi1>, vector<16xi32>
        %select_n3A_311 = arith.select %ge3A_308, %rev3A_302, %scan3A_122 : vector<16xi1>, vector<16xf32>
        %select_n3A_312 = arith.select %ge3A_308, %rev3A_307, %scan3A_130 : vector<16xi1>, vector<16xi32>
        %masked_sort3A_313 = arith.constant dense<true> : vector<16xi1>
        %masked_sort3A_314, %masked_sort3A_315, %masked_sort3A_316 = tpu.sort %select_n3A_309, %select_n3A_310 masked %masked_sort3A_313 {descending = true} : (vector<16xf32>, vector<16xi32>, vector<16xi1>) -> (vector<16xi1>, vector<16xf32>, vector<16xi32>)
        %masked_sort3A_317 = arith.constant dense<true> : vector<16xi1>
        %masked_sort3A_318, %masked_sort3A_319, %masked_sort3A_320 = tpu.sort %select_n3A_311, %select_n3A_312 masked %masked_sort3A_317 {descending = true} : (vector<16xf32>, vector<16xi32>, vector<16xi1>) -> (vector<16xi1>, vector<16xf32>, vector<16xi32>)
        scf.yield %masked_sort3A_154, %masked_sort3A_177, %masked_sort3A_200, %masked_sort3A_223, %masked_sort3A_246, %masked_sort3A_269, %masked_sort3A_292, %masked_sort3A_315, %masked_sort3A_155, %masked_sort3A_178, %masked_sort3A_201, %masked_sort3A_224, %masked_sort3A_247, %masked_sort3A_270, %masked_sort3A_293, %masked_sort3A_316 : vector<16xf32>, vector<16xf32>, vector<16xf32>, vector<16xf32>, vector<16xf32>, vector<16xf32>, vector<16xf32>, vector<16xf32>, vector<16xi32>, vector<16xi32>, vector<16xi32>, vector<16xi32>, vector<16xi32>, vector<16xi32>, vector<16xi32>, vector<16xi32>
      }
      %scan3A_55 = arith.constant 256 : i32
      %swap3A = arith.constant 0 : index
      %swap3A_56 = tpu.vector_load %arg8[%swap3A] {strides = array<i32>} : memref<128xf32, #tpu.memory_space<vmem>>, vector<16xf32>,
      tpu.vector_store %arg8[%swap3A], %scan3A_54#0 {strides = array<i32>} : memref<128xf32, #tpu.memory_space<vmem>>, vector<16xf32>,
      %add3A = arith.constant 0 : i32
      %add3A_57 = vector.broadcast %add3A : i32 to vector<16xi32>
      %add3A_58 = arith.addi %scan3A_54#8, %add3A_57 : vector<16xi32>
      %swap3A_59 = arith.constant 0 : index
      %swap3A_60 = tpu.vector_load %arg7[%swap3A_59] {strides = array<i32>} : memref<128xi32, #tpu.memory_space<vmem>>, vector<16xi32>,
      tpu.vector_store %arg7[%swap3A_59], %add3A_58 {strides = array<i32>} : memref<128xi32, #tpu.memory_space<vmem>>, vector<16xi32>,
      %swap3A_61 = arith.constant 16 : index
      %swap3A_62 = tpu.vector_load %arg8[%swap3A_61] {strides = array<i32>} : memref<128xf32, #tpu.memory_space<vmem>>, vector<16xf32>,
      tpu.vector_store %arg8[%swap3A_61], %scan3A_54#1 {strides = array<i32>} : memref<128xf32, #tpu.memory_space<vmem>>, vector<16xf32>,
      %add3A_63 = arith.constant 0 : i32
      %add3A_64 = vector.broadcast %add3A_63 : i32 to vector<16xi32>
      %add3A_65 = arith.addi %scan3A_54#9, %add3A_64 : vector<16xi32>
      %swap3A_66 = arith.constant 16 : index
      %swap3A_67 = tpu.vector_load %arg7[%swap3A_66] {strides = array<i32>} : memref<128xi32, #tpu.memory_space<vmem>>, vector<16xi32>,
      tpu.vector_store %arg7[%swap3A_66], %add3A_65 {strides = array<i32>} : memref<128xi32, #tpu.memory_space<vmem>>, vector<16xi32>,
      %swap3A_68 = arith.constant 32 : index
      %swap3A_69 = tpu.vector_load %arg8[%swap3A_68] {strides = array<i32>} : memref<128xf32, #tpu.memory_space<vmem>>, vector<16xf32>,
      tpu.vector_store %arg8[%swap3A_68], %scan3A_54#2 {strides = array<i32>} : memref<128xf32, #tpu.memory_space<vmem>>, vector<16xf32>,
      %add3A_70 = arith.constant 0 : i32
      %add3A_71 = vector.broadcast %add3A_70 : i32 to vector<16xi32>
      %add3A_72 = arith.addi %scan3A_54#10, %add3A_71 : vector<16xi32>
      %swap3A_73 = arith.constant 32 : index
      %swap3A_74 = tpu.vector_load %arg7[%swap3A_73] {strides = array<i32>} : memref<128xi32, #tpu.memory_space<vmem>>, vector<16xi32>,
      tpu.vector_store %arg7[%swap3A_73], %add3A_72 {strides = array<i32>} : memref<128xi32, #tpu.memory_space<vmem>>, vector<16xi32>,
      %swap3A_75 = arith.constant 48 : index
      %swap3A_76 = tpu.vector_load %arg8[%swap3A_75] {strides = array<i32>} : memref<128xf32, #tpu.memory_space<vmem>>, vector<16xf32>,
      tpu.vector_store %arg8[%swap3A_75], %scan3A_54#3 {strides = array<i32>} : memref<128xf32, #tpu.memory_space<vmem>>, vector<16xf32>,
      %add3A_77 = arith.constant 0 : i32
      %add3A_78 = vector.broadcast %add3A_77 : i32 to vector<16xi32>
      %add3A_79 = arith.addi %scan3A_54#11, %add3A_78 : vector<16xi32>
      %swap3A_80 = arith.constant 48 : index
      %swap3A_81 = tpu.vector_load %arg7[%swap3A_80] {strides = array<i32>} : memref<128xi32, #tpu.memory_space<vmem>>, vector<16xi32>,
      tpu.vector_store %arg7[%swap3A_80], %add3A_79 {strides = array<i32>} : memref<128xi32, #tpu.memory_space<vmem>>, vector<16xi32>,
      %swap3A_82 = arith.constant 64 : index
      %swap3A_83 = tpu.vector_load %arg8[%swap3A_82] {strides = array<i32>} : memref<128xf32, #tpu.memory_space<vmem>>, vector<16xf32>,
      tpu.vector_store %arg8[%swap3A_82], %scan3A_54#4 {strides = array<i32>} : memref<128xf32, #tpu.memory_space<vmem>>, vector<16xf32>,
      %add3A_84 = arith.constant 0 : i32
      %add3A_85 = vector.broadcast %add3A_84 : i32 to vector<16xi32>
      %add3A_86 = arith.addi %scan3A_54#12, %add3A_85 : vector<16xi32>
      %swap3A_87 = arith.constant 64 : index
      %swap3A_88 = tpu.vector_load %arg7[%swap3A_87] {strides = array<i32>} : memref<128xi32, #tpu.memory_space<vmem>>, vector<16xi32>,
      tpu.vector_store %arg7[%swap3A_87], %add3A_86 {strides = array<i32>} : memref<128xi32, #tpu.memory_space<vmem>>, vector<16xi32>,
      %swap3A_89 = arith.constant 80 : index
      %swap3A_90 = tpu.vector_load %arg8[%swap3A_89] {strides = array<i32>} : memref<128xf32, #tpu.memory_space<vmem>>, vector<16xf32>,
      tpu.vector_store %arg8[%swap3A_89], %scan3A_54#5 {strides = array<i32>} : memref<128xf32, #tpu.memory_space<vmem>>, vector<16xf32>,
      %add3A_91 = arith.constant 0 : i32
      %add3A_92 = vector.broadcast %add3A_91 : i32 to vector<16xi32>
      %add3A_93 = arith.addi %scan3A_54#13, %add3A_92 : vector<16xi32>
      %swap3A_94 = arith.constant 80 : index
      %swap3A_95 = tpu.vector_load %arg7[%swap3A_94] {strides = array<i32>} : memref<128xi32, #tpu.memory_space<vmem>>, vector<16xi32>,
      tpu.vector_store %arg7[%swap3A_94], %add3A_93 {strides = array<i32>} : memref<128xi32, #tpu.memory_space<vmem>>, vector<16xi32>,
      %swap3A_96 = arith.constant 96 : index
      %swap3A_97 = tpu.vector_load %arg8[%swap3A_96] {strides = array<i32>} : memref<128xf32, #tpu.memory_space<vmem>>, vector<16xf32>,
      tpu.vector_store %arg8[%swap3A_96], %scan3A_54#6 {strides = array<i32>} : memref<128xf32, #tpu.memory_space<vmem>>, vector<16xf32>,
      %add3A_98 = arith.constant 0 : i32
      %add3A_99 = vector.broadcast %add3A_98 : i32 to vector<16xi32>
      %add3A_100 = arith.addi %scan3A_54#14, %add3A_99 : vector<16xi32>
      %swap3A_101 = arith.constant 96 : index
      %swap3A_102 = tpu.vector_load %arg7[%swap3A_101] {strides = array<i32>} : memref<128xi32, #tpu.memory_space<vmem>>, vector<16xi32>,
      tpu.vector_store %arg7[%swap3A_101], %add3A_100 {strides = array<i32>} : memref<128xi32, #tpu.memory_space<vmem>>, vector<16xi32>,
      %swap3A_103 = arith.constant 112 : index
      %swap3A_104 = tpu.vector_load %arg8[%swap3A_103] {strides = array<i32>} : memref<128xf32, #tpu.memory_space<vmem>>, vector<16xf32>,
      tpu.vector_store %arg8[%swap3A_103], %scan3A_54#7 {strides = array<i32>} : memref<128xf32, #tpu.memory_space<vmem>>, vector<16xf32>,
      %add3A_105 = arith.constant 0 : i32
      %add3A_106 = vector.broadcast %add3A_105 : i32 to vector<16xi32>
      %add3A_107 = arith.addi %scan3A_54#15, %add3A_106 : vector<16xi32>
      %swap3A_108 = arith.constant 112 : index
      %swap3A_109 = tpu.vector_load %arg7[%swap3A_108] {strides = array<i32>} : memref<128xi32, #tpu.memory_space<vmem>>, vector<16xi32>,
      tpu.vector_store %arg7[%swap3A_108], %add3A_107 {strides = array<i32>} : memref<128xi32, #tpu.memory_space<vmem>>, vector<16xi32>,
      %dma_start3A = arith.constant 0 : i32
      %dma_start3A_110 = arith.constant 0 : i32
      %dma_start3A_111 = tpu.memref_slice %arg3[%dma_start3A, %dma_start3A_110] : memref<12288x128xf32, #tpu.memory_space<hbm>> -> memref<12288x128xf32, #tpu.memory_space<hbm>>
      tpu.enqueue_indirect_dma source(%dma_start3A_111 : memref<12288x128xf32, #tpu.memory_space<hbm>>) target(%arg9 : memref<128x128xf32, #tpu.memory_space<vmem>>) offsets(%arg7 : memref<128xi32, #tpu.memory_space<vmem>>) semaphore(%arg10 : memref<!tpu.dma_semaphore, #tpu.memory_space<semaphore_mem>>)
      %dma_wait3A = arith.constant 0 : i32
      %dma_wait3A_112 = arith.constant 0 : i32
      %dma_wait3A_113 = tpu.memref_slice %arg3[%dma_wait3A, %dma_wait3A_112] : memref<12288x128xf32, #tpu.memory_space<hbm>> -> memref<12288x128xf32, #tpu.memory_space<hbm>>
      tpu.wait_indirect_dma semaphore(%arg10 : memref<!tpu.dma_semaphore, #tpu.memory_space<semaphore_mem>>) src(%dma_wait3A_113 : memref<12288x128xf32, #tpu.memory_space<hbm>>) dst(%arg9 : memref<128x128xf32, #tpu.memory_space<vmem>>)
      "tpu.region"() ({
        %run_scoped3A = tpu.sem_alloc : memref<!tpu.dma_semaphore, #tpu.memory_space<semaphore_mem>>
        %dma_start3A_114 = arith.constant 0 : i32
        %dma_start3A_115 = arith.constant 0 : i32
        %dma_start3A_116 = tpu.memref_slice %arg4[%dma_start3A_114, %dma_start3A_115] : memref<384x128xf32, #tpu.memory_space<hbm>> -> memref<128x128xf32, #tpu.memory_space<hbm>>
        %dma_start3A_117 = arith.constant 0 : i32
        %dma_start3A_118 = arith.constant 0 : i32
        %dma_start3A_119 = tpu.memref_slice %arg4[%dma_start3A_117, %dma_start3A_118] : memref<384x128xf32, #tpu.memory_space<hbm>> -> memref<128x128xf32, #tpu.memory_space<hbm>>
        tpu.enqueue_dma source(%arg9 : memref<128x128xf32, #tpu.memory_space<vmem>>) target(%dma_start3A_119 : memref<128x128xf32, #tpu.memory_space<hbm>>) target_semaphore(%run_scoped3A : memref<!tpu.dma_semaphore, #tpu.memory_space<semaphore_mem>>)
        %dma_wait3A_120 = arith.constant 0 : i32
        %dma_wait3A_121 = arith.constant 0 : i32
        %dma_wait3A_122 = tpu.memref_slice %arg4[%dma_wait3A_120, %dma_wait3A_121] : memref<384x128xf32, #tpu.memory_space<hbm>> -> memref<128x128xf32, #tpu.memory_space<hbm>>
        %dma_wait3A_123 = arith.constant 0 : i32
        %dma_wait3A_124 = arith.constant 0 : i32
        %dma_wait3A_125 = tpu.memref_slice %arg4[%dma_wait3A_123, %dma_wait3A_124] : memref<384x128xf32, #tpu.memory_space<hbm>> -> memref<128x128xf32, #tpu.memory_space<hbm>>
        tpu.wait_dma2 semaphore(%run_scoped3A : memref<!tpu.dma_semaphore, #tpu.memory_space<semaphore_mem>>) src(%arg9 : memref<128x128xf32, #tpu.memory_space<vmem>>) dst(%dma_wait3A_125 : memref<128x128xf32, #tpu.memory_space<hbm>>)
        tpu.yield
      }) : () -> ()
      "tpu.region"() ({
        %run_scoped3A = tpu.sem_alloc : memref<!tpu.dma_semaphore, #tpu.memory_space<semaphore_mem>>
        %dma_start3A_114 = arith.constant 0 : i32
        %dma_start3A_115 = tpu.memref_slice %arg5[%dma_start3A_114] : memref<384xf32, #tpu.memory_space<hbm>> -> memref<128xf32, #tpu.memory_space<hbm>>
        %dma_start3A_116 = arith.constant 0 : i32
        %dma_start3A_117 = tpu.memref_slice %arg5[%dma_start3A_116] : memref<384xf32, #tpu.memory_space<hbm>> -> memref<128xf32, #tpu.memory_space<hbm>>
        tpu.enqueue_dma source(%arg8 : memref<128xf32, #tpu.memory_space<vmem>>) target(%dma_start3A_117 : memref<128xf32, #tpu.memory_space<hbm>>) target_semaphore(%run_scoped3A : memref<!tpu.dma_semaphore, #tpu.memory_space<semaphore_mem>>)
        %dma_wait3A_118 = arith.constant 0 : i32
        %dma_wait3A_119 = tpu.memref_slice %arg5[%dma_wait3A_118] : memref<384xf32, #tpu.memory_space<hbm>> -> memref<128xf32, #tpu.memory_space<hbm>>
        %dma_wait3A_120 = arith.constant 0 : i32
        %dma_wait3A_121 = tpu.memref_slice %arg5[%dma_wait3A_120] : memref<384xf32, #tpu.memory_space<hbm>> -> memref<128xf32, #tpu.memory_space<hbm>>
        tpu.wait_dma2 semaphore(%run_scoped3A : memref<!tpu.dma_semaphore, #tpu.memory_space<semaphore_mem>>) src(%arg8 : memref<128xf32, #tpu.memory_space<vmem>>) dst(%dma_wait3A_121 : memref<128xf32, #tpu.memory_space<hbm>>)
        tpu.yield
      }) : () -> ()
    } else {
    }
    %eq3A_4 = arith.constant 1 : i32
    %eq3A_5 = arith.cmpi eq, %arg0, %eq3A_4 : i32
    %eq3A_6 = arith.constant 0 : i32
    %eq3A_7 = arith.cmpi eq, %arg1, %eq3A_6 : i32
    %and3A_8 = arith.andi %eq3A_5, %eq3A_7 : i1
    %convert_element_type3A_9 = arith.extui %and3A_8 : i1 to i32
    %cond3A_10 = arith.constant 0 : i32
    %cond3A_11 = arith.cmpi ne, %convert_element_type3A_9, %cond3A_10 : i32
    scf.if %cond3A_11 {
      "tpu.region"() ({
        %run_scoped3A = tpu.sem_alloc : memref<!tpu.dma_semaphore, #tpu.memory_space<semaphore_mem>>
        %dma_start3A_114 = arith.constant 4096 : i32
        %dma_start3A_115 = tpu.memref_slice %arg2[%dma_start3A_114] : memref<12288xf32, #tpu.memory_space<hbm>> -> memref<4096xf32, #tpu.memory_space<hbm>>
        %dma_start3A_116 = arith.constant 4096 : i32
        %dma_start3A_117 = tpu.memref_slice %arg2[%dma_start3A_116] : memref<12288xf32, #tpu.memory_space<hbm>> -> memref<4096xf32, #tpu.memory_space<hbm>>
        tpu.enqueue_dma source(%dma_start3A_117 : memref<4096xf32, #tpu.memory_space<hbm>>) target(%arg6 : memref<4096xf32, #tpu.memory_space<vmem>>) target_semaphore(%run_scoped3A : memref<!tpu.dma_semaphore, #tpu.memory_space<semaphore_mem>>)
        %dma_wait3A_118 = arith.constant 4096 : i32
        %dma_wait3A_119 = tpu.memref_slice %arg2[%dma_wait3A_118] : memref<12288xf32, #tpu.memory_space<hbm>> -> memref<4096xf32, #tpu.memory_space<hbm>>
        %dma_wait3A_120 = arith.constant 4096 : i32
        %dma_wait3A_121 = tpu.memref_slice %arg2[%dma_wait3A_120] : memref<12288xf32, #tpu.memory_space<hbm>> -> memref<4096xf32, #tpu.memory_space<hbm>>
        tpu.wait_dma2 semaphore(%run_scoped3A : memref<!tpu.dma_semaphore, #tpu.memory_space<semaphore_mem>>) src(%dma_wait3A_121 : memref<4096xf32, #tpu.memory_space<hbm>>) dst(%arg6 : memref<4096xf32, #tpu.memory_space<vmem>>)
        tpu.yield
      }) : () -> ()
      %broadcast_in_dim3A = arith.constant 0xFF800000 : f32
      %broadcast_in_dim3A_20 = vector.broadcast %broadcast_in_dim3A : f32 to vector<16xf32>
      %broadcast_in_dim3A_21 = arith.constant 0xFF800000 : f32
      %broadcast_in_dim3A_22 = vector.broadcast %broadcast_in_dim3A_21 : f32 to vector<16xf32>
      %broadcast_in_dim3A_23 = arith.constant 0xFF800000 : f32
      %broadcast_in_dim3A_24 = vector.broadcast %broadcast_in_dim3A_23 : f32 to vector<16xf32>
      %broadcast_in_dim3A_25 = arith.constant 0xFF800000 : f32
      %broadcast_in_dim3A_26 = vector.broadcast %broadcast_in_dim3A_25 : f32 to vector<16xf32>
      %broadcast_in_dim3A_27 = arith.constant 0xFF800000 : f32
      %broadcast_in_dim3A_28 = vector.broadcast %broadcast_in_dim3A_27 : f32 to vector<16xf32>
      %broadcast_in_dim3A_29 = arith.constant 0xFF800000 : f32
      %broadcast_in_dim3A_30 = vector.broadcast %broadcast_in_dim3A_29 : f32 to vector<16xf32>
      %broadcast_in_dim3A_31 = arith.constant 0xFF800000 : f32
      %broadcast_in_dim3A_32 = vector.broadcast %broadcast_in_dim3A_31 : f32 to vector<16xf32>
      %broadcast_in_dim3A_33 = arith.constant 0xFF800000 : f32
      %broadcast_in_dim3A_34 = vector.broadcast %broadcast_in_dim3A_33 : f32 to vector<16xf32>
      %broadcast_in_dim3A_35 = arith.constant 0 : i32
      %broadcast_in_dim3A_36 = vector.broadcast %broadcast_in_dim3A_35 : i32 to vector<16xi32>
      %broadcast_in_dim3A_37 = arith.constant 0 : i32
      %broadcast_in_dim3A_38 = vector.broadcast %broadcast_in_dim3A_37 : i32 to vector<16xi32>
      %broadcast_in_dim3A_39 = arith.constant 0 : i32
      %broadcast_in_dim3A_40 = vector.broadcast %broadcast_in_dim3A_39 : i32 to vector<16xi32>
      %broadcast_in_dim3A_41 = arith.constant 0 : i32
      %broadcast_in_dim3A_42 = vector.broadcast %broadcast_in_dim3A_41 : i32 to vector<16xi32>
      %broadcast_in_dim3A_43 = arith.constant 0 : i32
      %broadcast_in_dim3A_44 = vector.broadcast %broadcast_in_dim3A_43 : i32 to vector<16xi32>
      %broadcast_in_dim3A_45 = arith.constant 0 : i32
      %broadcast_in_dim3A_46 = vector.broadcast %broadcast_in_dim3A_45 : i32 to vector<16xi32>
      %broadcast_in_dim3A_47 = arith.constant 0 : i32
      %broadcast_in_dim3A_48 = vector.broadcast %broadcast_in_dim3A_47 : i32 to vector<16xi32>
      %broadcast_in_dim3A_49 = arith.constant 0 : i32
      %broadcast_in_dim3A_50 = vector.broadcast %broadcast_in_dim3A_49 : i32 to vector<16xi32>
      %scan3A = arith.constant 0 : i32
      %scan3A_51 = arith.constant 256 : i32
      %scan3A_52 = arith.addi %scan3A, %scan3A_51 : i32
      %scan3A_53 = arith.constant 1 : i32
      %scan3A_54:16 = scf.for %scan3A_114 = %scan3A to %scan3A_52 step %scan3A_53 iter_args(%scan3A_115 = %broadcast_in_dim3A_20, %scan3A_116 = %broadcast_in_dim3A_22, %scan3A_117 = %broadcast_in_dim3A_24, %scan3A_118 = %broadcast_in_dim3A_26, %scan3A_119 = %broadcast_in_dim3A_28, %scan3A_120 = %broadcast_in_dim3A_30, %scan3A_121 = %broadcast_in_dim3A_32, %scan3A_122 = %broadcast_in_dim3A_34, %scan3A_123 = %broadcast_in_dim3A_36, %scan3A_124 = %broadcast_in_dim3A_38, %scan3A_125 = %broadcast_in_dim3A_40, %scan3A_126 = %broadcast_in_dim3A_42, %scan3A_127 = %broadcast_in_dim3A_44, %scan3A_128 = %broadcast_in_dim3A_46, %scan3A_129 = %broadcast_in_dim3A_48, %scan3A_130 = %broadcast_in_dim3A_50) -> (vector<16xf32>, vector<16xf32>, vector<16xf32>, vector<16xf32>, vector<16xf32>, vector<16xf32>, vector<16xf32>, vector<16xf32>, vector<16xi32>, vector<16xi32>, vector<16xi32>, vector<16xi32>, vector<16xi32>, vector<16xi32>, vector<16xi32>, vector<16xi32>)  : i32 {
        %mul3A = arith.constant 16 : i32
        %mul3A_131 = arith.muli %scan3A_114, %mul3A : i32
        %get3A = arith.index_cast %mul3A_131 : i32 to index
        %get3A_132 = tpu.vector_load %arg6[%get3A] {strides = array<i32>} : memref<4096xf32, #tpu.memory_space<vmem>>, vector<16xf32>,
        %mul3A_133 = arith.constant 16 : i32
        %mul3A_134 = arith.muli %scan3A_114, %mul3A_133 : i32
        %add3A_135 = vector.broadcast %mul3A_134 : i32 to vector<16xi32>
        %add3A_136 = arith.addi %iota3A, %add3A_135 : vector<16xi32>
        %masked_sort3A = arith.constant dense<true> : vector<16xi1>
        %masked_sort3A_137, %masked_sort3A_138, %masked_sort3A_139 = tpu.sort %get3A_132, %add3A_136 masked %masked_sort3A {descending = true} : (vector<16xf32>, vector<16xi32>, vector<16xi1>) -> (vector<16xi1>, vector<16xf32>, vector<16xi32>)
        %rev3A = arith.constant 15 : i32
        %rev3A_140 = vector.broadcast %rev3A : i32 to vector<16xi32>
        %rev3A_141 = tpu.iota {dimensions = array<i32: 0>} : vector<16xi32>
        %rev3A_142 = arith.subi %rev3A_140, %rev3A_141 : vector<16xi32>
        %rev3A_143 = tpu.dynamic_gather %masked_sort3A_138[%rev3A_142] in [0] : vector<16xf32>, vector<16xi32> -> vector<16xf32>
        %rev3A_144 = arith.constant 15 : i32
        %rev3A_145 = vector.broadcast %rev3A_144 : i32 to vector<16xi32>
        %rev3A_146 = tpu.iota {dimensions = array<i32: 0>} : vector<16xi32>
        %rev3A_147 = arith.subi %rev3A_145, %rev3A_146 : vector<16xi32>
        %rev3A_148 = tpu.dynamic_gather %masked_sort3A_139[%rev3A_147] in [0] : vector<16xi32>, vector<16xi32> -> vector<16xi32>
        %ge3A = arith.cmpf oge, %scan3A_115, %rev3A_143 : vector<16xf32>
        %select_n3A = arith.select %ge3A, %scan3A_115, %rev3A_143 : vector<16xi1>, vector<16xf32>
        %select_n3A_149 = arith.select %ge3A, %scan3A_123, %rev3A_148 : vector<16xi1>, vector<16xi32>
        %select_n3A_150 = arith.select %ge3A, %rev3A_143, %scan3A_115 : vector<16xi1>, vector<16xf32>
        %select_n3A_151 = arith.select %ge3A, %rev3A_148, %scan3A_123 : vector<16xi1>, vector<16xi32>
        %masked_sort3A_152 = arith.constant dense<true> : vector<16xi1>
        %masked_sort3A_153, %masked_sort3A_154, %masked_sort3A_155 = tpu.sort %select_n3A, %select_n3A_149 masked %masked_sort3A_152 {descending = true} : (vector<16xf32>, vector<16xi32>, vector<16xi1>) -> (vector<16xi1>, vector<16xf32>, vector<16xi32>)
        %masked_sort3A_156 = arith.constant dense<true> : vector<16xi1>
        %masked_sort3A_157, %masked_sort3A_158, %masked_sort3A_159 = tpu.sort %select_n3A_150, %select_n3A_151 masked %masked_sort3A_156 {descending = true} : (vector<16xf32>, vector<16xi32>, vector<16xi1>) -> (vector<16xi1>, vector<16xf32>, vector<16xi32>)
        %rev3A_160 = arith.constant 15 : i32
        %rev3A_161 = vector.broadcast %rev3A_160 : i32 to vector<16xi32>
        %rev3A_162 = tpu.iota {dimensions = array<i32: 0>} : vector<16xi32>
        %rev3A_163 = arith.subi %rev3A_161, %rev3A_162 : vector<16xi32>
        %rev3A_164 = tpu.dynamic_gather %masked_sort3A_158[%rev3A_163] in [0] : vector<16xf32>, vector<16xi32> -> vector<16xf32>
        %rev3A_165 = arith.constant 15 : i32
        %rev3A_166 = vector.broadcast %rev3A_165 : i32 to vector<16xi32>
        %rev3A_167 = tpu.iota {dimensions = array<i32: 0>} : vector<16xi32>
        %rev3A_168 = arith.subi %rev3A_166, %rev3A_167 : vector<16xi32>
        %rev3A_169 = tpu.dynamic_gather %masked_sort3A_159[%rev3A_168] in [0] : vector<16xi32>, vector<16xi32> -> vector<16xi32>
        %ge3A_170 = arith.cmpf oge, %scan3A_116, %rev3A_164 : vector<16xf32>
        %select_n3A_171 = arith.select %ge3A_170, %scan3A_116, %rev3A_164 : vector<16xi1>, vector<16xf32>
        %select_n3A_172 = arith.select %ge3A_170, %scan3A_124, %rev3A_169 : vector<16xi1>, vector<16xi32>
        %select_n3A_173 = arith.select %ge3A_170, %rev3A_164, %scan3A_116 : vector<16xi1>, vector<16xf32>
        %select_n3A_174 = arith.select %ge3A_170, %rev3A_169, %scan3A_124 : vector<16xi1>, vector<16xi32>
        %masked_sort3A_175 = arith.constant dense<true> : vector<16xi1>
        %masked_sort3A_176, %masked_sort3A_177, %masked_sort3A_178 = tpu.sort %select_n3A_171, %select_n3A_172 masked %masked_sort3A_175 {descending = true} : (vector<16xf32>, vector<16xi32>, vector<16xi1>) -> (vector<16xi1>, vector<16xf32>, vector<16xi32>)
        %masked_sort3A_179 = arith.constant dense<true> : vector<16xi1>
        %masked_sort3A_180, %masked_sort3A_181, %masked_sort3A_182 = tpu.sort %select_n3A_173, %select_n3A_174 masked %masked_sort3A_179 {descending = true} : (vector<16xf32>, vector<16xi32>, vector<16xi1>) -> (vector<16xi1>, vector<16xf32>, vector<16xi32>)
        %rev3A_183 = arith.constant 15 : i32
        %rev3A_184 = vector.broadcast %rev3A_183 : i32 to vector<16xi32>
        %rev3A_185 = tpu.iota {dimensions = array<i32: 0>} : vector<16xi32>
        %rev3A_186 = arith.subi %rev3A_184, %rev3A_185 : vector<16xi32>
        %rev3A_187 = tpu.dynamic_gather %masked_sort3A_181[%rev3A_186] in [0] : vector<16xf32>, vector<16xi32> -> vector<16xf32>
        %rev3A_188 = arith.constant 15 : i32
        %rev3A_189 = vector.broadcast %rev3A_188 : i32 to vector<16xi32>
        %rev3A_190 = tpu.iota {dimensions = array<i32: 0>} : vector<16xi32>
        %rev3A_191 = arith.subi %rev3A_189, %rev3A_190 : vector<16xi32>
        %rev3A_192 = tpu.dynamic_gather %masked_sort3A_182[%rev3A_191] in [0] : vector<16xi32>, vector<16xi32> -> vector<16xi32>
        %ge3A_193 = arith.cmpf oge, %scan3A_117, %rev3A_187 : vector<16xf32>
        %select_n3A_194 = arith.select %ge3A_193, %scan3A_117, %rev3A_187 : vector<16xi1>, vector<16xf32>
        %select_n3A_195 = arith.select %ge3A_193, %scan3A_125, %rev3A_192 : vector<16xi1>, vector<16xi32>
        %select_n3A_196 = arith.select %ge3A_193, %rev3A_187, %scan3A_117 : vector<16xi1>, vector<16xf32>
        %select_n3A_197 = arith.select %ge3A_193, %rev3A_192, %scan3A_125 : vector<16xi1>, vector<16xi32>
        %masked_sort3A_198 = arith.constant dense<true> : vector<16xi1>
        %masked_sort3A_199, %masked_sort3A_200, %masked_sort3A_201 = tpu.sort %select_n3A_194, %select_n3A_195 masked %masked_sort3A_198 {descending = true} : (vector<16xf32>, vector<16xi32>, vector<16xi1>) -> (vector<16xi1>, vector<16xf32>, vector<16xi32>)
        %masked_sort3A_202 = arith.constant dense<true> : vector<16xi1>
        %masked_sort3A_203, %masked_sort3A_204, %masked_sort3A_205 = tpu.sort %select_n3A_196, %select_n3A_197 masked %masked_sort3A_202 {descending = true} : (vector<16xf32>, vector<16xi32>, vector<16xi1>) -> (vector<16xi1>, vector<16xf32>, vector<16xi32>)
        %rev3A_206 = arith.constant 15 : i32
        %rev3A_207 = vector.broadcast %rev3A_206 : i32 to vector<16xi32>
        %rev3A_208 = tpu.iota {dimensions = array<i32: 0>} : vector<16xi32>
        %rev3A_209 = arith.subi %rev3A_207, %rev3A_208 : vector<16xi32>
        %rev3A_210 = tpu.dynamic_gather %masked_sort3A_204[%rev3A_209] in [0] : vector<16xf32>, vector<16xi32> -> vector<16xf32>
        %rev3A_211 = arith.constant 15 : i32
        %rev3A_212 = vector.broadcast %rev3A_211 : i32 to vector<16xi32>
        %rev3A_213 = tpu.iota {dimensions = array<i32: 0>} : vector<16xi32>
        %rev3A_214 = arith.subi %rev3A_212, %rev3A_213 : vector<16xi32>
        %rev3A_215 = tpu.dynamic_gather %masked_sort3A_205[%rev3A_214] in [0] : vector<16xi32>, vector<16xi32> -> vector<16xi32>
        %ge3A_216 = arith.cmpf oge, %scan3A_118, %rev3A_210 : vector<16xf32>
        %select_n3A_217 = arith.select %ge3A_216, %scan3A_118, %rev3A_210 : vector<16xi1>, vector<16xf32>
        %select_n3A_218 = arith.select %ge3A_216, %scan3A_126, %rev3A_215 : vector<16xi1>, vector<16xi32>
        %select_n3A_219 = arith.select %ge3A_216, %rev3A_210, %scan3A_118 : vector<16xi1>, vector<16xf32>
        %select_n3A_220 = arith.select %ge3A_216, %rev3A_215, %scan3A_126 : vector<16xi1>, vector<16xi32>
        %masked_sort3A_221 = arith.constant dense<true> : vector<16xi1>
        %masked_sort3A_222, %masked_sort3A_223, %masked_sort3A_224 = tpu.sort %select_n3A_217, %select_n3A_218 masked %masked_sort3A_221 {descending = true} : (vector<16xf32>, vector<16xi32>, vector<16xi1>) -> (vector<16xi1>, vector<16xf32>, vector<16xi32>)
        %masked_sort3A_225 = arith.constant dense<true> : vector<16xi1>
        %masked_sort3A_226, %masked_sort3A_227, %masked_sort3A_228 = tpu.sort %select_n3A_219, %select_n3A_220 masked %masked_sort3A_225 {descending = true} : (vector<16xf32>, vector<16xi32>, vector<16xi1>) -> (vector<16xi1>, vector<16xf32>, vector<16xi32>)
        %rev3A_229 = arith.constant 15 : i32
        %rev3A_230 = vector.broadcast %rev3A_229 : i32 to vector<16xi32>
        %rev3A_231 = tpu.iota {dimensions = array<i32: 0>} : vector<16xi32>
        %rev3A_232 = arith.subi %rev3A_230, %rev3A_231 : vector<16xi32>
        %rev3A_233 = tpu.dynamic_gather %masked_sort3A_227[%rev3A_232] in [0] : vector<16xf32>, vector<16xi32> -> vector<16xf32>
        %rev3A_234 = arith.constant 15 : i32
        %rev3A_235 = vector.broadcast %rev3A_234 : i32 to vector<16xi32>
        %rev3A_236 = tpu.iota {dimensions = array<i32: 0>} : vector<16xi32>
        %rev3A_237 = arith.subi %rev3A_235, %rev3A_236 : vector<16xi32>
        %rev3A_238 = tpu.dynamic_gather %masked_sort3A_228[%rev3A_237] in [0] : vector<16xi32>, vector<16xi32> -> vector<16xi32>
        %ge3A_239 = arith.cmpf oge, %scan3A_119, %rev3A_233 : vector<16xf32>
        %select_n3A_240 = arith.select %ge3A_239, %scan3A_119, %rev3A_233 : vector<16xi1>, vector<16xf32>
        %select_n3A_241 = arith.select %ge3A_239, %scan3A_127, %rev3A_238 : vector<16xi1>, vector<16xi32>
        %select_n3A_242 = arith.select %ge3A_239, %rev3A_233, %scan3A_119 : vector<16xi1>, vector<16xf32>
        %select_n3A_243 = arith.select %ge3A_239, %rev3A_238, %scan3A_127 : vector<16xi1>, vector<16xi32>
        %masked_sort3A_244 = arith.constant dense<true> : vector<16xi1>
        %masked_sort3A_245, %masked_sort3A_246, %masked_sort3A_247 = tpu.sort %select_n3A_240, %select_n3A_241 masked %masked_sort3A_244 {descending = true} : (vector<16xf32>, vector<16xi32>, vector<16xi1>) -> (vector<16xi1>, vector<16xf32>, vector<16xi32>)
        %masked_sort3A_248 = arith.constant dense<true> : vector<16xi1>
        %masked_sort3A_249, %masked_sort3A_250, %masked_sort3A_251 = tpu.sort %select_n3A_242, %select_n3A_243 masked %masked_sort3A_248 {descending = true} : (vector<16xf32>, vector<16xi32>, vector<16xi1>) -> (vector<16xi1>, vector<16xf32>, vector<16xi32>)
        %rev3A_252 = arith.constant 15 : i32
        %rev3A_253 = vector.broadcast %rev3A_252 : i32 to vector<16xi32>
        %rev3A_254 = tpu.iota {dimensions = array<i32: 0>} : vector<16xi32>
        %rev3A_255 = arith.subi %rev3A_253, %rev3A_254 : vector<16xi32>
        %rev3A_256 = tpu.dynamic_gather %masked_sort3A_250[%rev3A_255] in [0] : vector<16xf32>, vector<16xi32> -> vector<16xf32>
        %rev3A_257 = arith.constant 15 : i32
        %rev3A_258 = vector.broadcast %rev3A_257 : i32 to vector<16xi32>
        %rev3A_259 = tpu.iota {dimensions = array<i32: 0>} : vector<16xi32>
        %rev3A_260 = arith.subi %rev3A_258, %rev3A_259 : vector<16xi32>
        %rev3A_261 = tpu.dynamic_gather %masked_sort3A_251[%rev3A_260] in [0] : vector<16xi32>, vector<16xi32> -> vector<16xi32>
        %ge3A_262 = arith.cmpf oge, %scan3A_120, %rev3A_256 : vector<16xf32>
        %select_n3A_263 = arith.select %ge3A_262, %scan3A_120, %rev3A_256 : vector<16xi1>, vector<16xf32>
        %select_n3A_264 = arith.select %ge3A_262, %scan3A_128, %rev3A_261 : vector<16xi1>, vector<16xi32>
        %select_n3A_265 = arith.select %ge3A_262, %rev3A_256, %scan3A_120 : vector<16xi1>, vector<16xf32>
        %select_n3A_266 = arith.select %ge3A_262, %rev3A_261, %scan3A_128 : vector<16xi1>, vector<16xi32>
        %masked_sort3A_267 = arith.constant dense<true> : vector<16xi1>
        %masked_sort3A_268, %masked_sort3A_269, %masked_sort3A_270 = tpu.sort %select_n3A_263, %select_n3A_264 masked %masked_sort3A_267 {descending = true} : (vector<16xf32>, vector<16xi32>, vector<16xi1>) -> (vector<16xi1>, vector<16xf32>, vector<16xi32>)
        %masked_sort3A_271 = arith.constant dense<true> : vector<16xi1>
        %masked_sort3A_272, %masked_sort3A_273, %masked_sort3A_274 = tpu.sort %select_n3A_265, %select_n3A_266 masked %masked_sort3A_271 {descending = true} : (vector<16xf32>, vector<16xi32>, vector<16xi1>) -> (vector<16xi1>, vector<16xf32>, vector<16xi32>)
        %rev3A_275 = arith.constant 15 : i32
        %rev3A_276 = vector.broadcast %rev3A_275 : i32 to vector<16xi32>
        %rev3A_277 = tpu.iota {dimensions = array<i32: 0>} : vector<16xi32>
        %rev3A_278 = arith.subi %rev3A_276, %rev3A_277 : vector<16xi32>
        %rev3A_279 = tpu.dynamic_gather %masked_sort3A_273[%rev3A_278] in [0] : vector<16xf32>, vector<16xi32> -> vector<16xf32>
        %rev3A_280 = arith.constant 15 : i32
        %rev3A_281 = vector.broadcast %rev3A_280 : i32 to vector<16xi32>
        %rev3A_282 = tpu.iota {dimensions = array<i32: 0>} : vector<16xi32>
        %rev3A_283 = arith.subi %rev3A_281, %rev3A_282 : vector<16xi32>
        %rev3A_284 = tpu.dynamic_gather %masked_sort3A_274[%rev3A_283] in [0] : vector<16xi32>, vector<16xi32> -> vector<16xi32>
        %ge3A_285 = arith.cmpf oge, %scan3A_121, %rev3A_279 : vector<16xf32>
        %select_n3A_286 = arith.select %ge3A_285, %scan3A_121, %rev3A_279 : vector<16xi1>, vector<16xf32>
        %select_n3A_287 = arith.select %ge3A_285, %scan3A_129, %rev3A_284 : vector<16xi1>, vector<16xi32>
        %select_n3A_288 = arith.select %ge3A_285, %rev3A_279, %scan3A_121 : vector<16xi1>, vector<16xf32>
        %select_n3A_289 = arith.select %ge3A_285, %rev3A_284, %scan3A_129 : vector<16xi1>, vector<16xi32>
        %masked_sort3A_290 = arith.constant dense<true> : vector<16xi1>
        %masked_sort3A_291, %masked_sort3A_292, %masked_sort3A_293 = tpu.sort %select_n3A_286, %select_n3A_287 masked %masked_sort3A_290 {descending = true} : (vector<16xf32>, vector<16xi32>, vector<16xi1>) -> (vector<16xi1>, vector<16xf32>, vector<16xi32>)
        %masked_sort3A_294 = arith.constant dense<true> : vector<16xi1>
        %masked_sort3A_295, %masked_sort3A_296, %masked_sort3A_297 = tpu.sort %select_n3A_288, %select_n3A_289 masked %masked_sort3A_294 {descending = true} : (vector<16xf32>, vector<16xi32>, vector<16xi1>) -> (vector<16xi1>, vector<16xf32>, vector<16xi32>)
        %rev3A_298 = arith.constant 15 : i32
        %rev3A_299 = vector.broadcast %rev3A_298 : i32 to vector<16xi32>
        %rev3A_300 = tpu.iota {dimensions = array<i32: 0>} : vector<16xi32>
        %rev3A_301 = arith.subi %rev3A_299, %rev3A_300 : vector<16xi32>
        %rev3A_302 = tpu.dynamic_gather %masked_sort3A_296[%rev3A_301] in [0] : vector<16xf32>, vector<16xi32> -> vector<16xf32>
        %rev3A_303 = arith.constant 15 : i32
        %rev3A_304 = vector.broadcast %rev3A_303 : i32 to vector<16xi32>
        %rev3A_305 = tpu.iota {dimensions = array<i32: 0>} : vector<16xi32>
        %rev3A_306 = arith.subi %rev3A_304, %rev3A_305 : vector<16xi32>
        %rev3A_307 = tpu.dynamic_gather %masked_sort3A_297[%rev3A_306] in [0] : vector<16xi32>, vector<16xi32> -> vector<16xi32>
        %ge3A_308 = arith.cmpf oge, %scan3A_122, %rev3A_302 : vector<16xf32>
        %select_n3A_309 = arith.select %ge3A_308, %scan3A_122, %rev3A_302 : vector<16xi1>, vector<16xf32>
        %select_n3A_310 = arith.select %ge3A_308, %scan3A_130, %rev3A_307 : vector<16xi1>, vector<16xi32>
        %select_n3A_311 = arith.select %ge3A_308, %rev3A_302, %scan3A_122 : vector<16xi1>, vector<16xf32>
        %select_n3A_312 = arith.select %ge3A_308, %rev3A_307, %scan3A_130 : vector<16xi1>, vector<16xi32>
        %masked_sort3A_313 = arith.constant dense<true> : vector<16xi1>
        %masked_sort3A_314, %masked_sort3A_315, %masked_sort3A_316 = tpu.sort %select_n3A_309, %select_n3A_310 masked %masked_sort3A_313 {descending = true} : (vector<16xf32>, vector<16xi32>, vector<16xi1>) -> (vector<16xi1>, vector<16xf32>, vector<16xi32>)
        %masked_sort3A_317 = arith.constant dense<true> : vector<16xi1>
        %masked_sort3A_318, %masked_sort3A_319, %masked_sort3A_320 = tpu.sort %select_n3A_311, %select_n3A_312 masked %masked_sort3A_317 {descending = true} : (vector<16xf32>, vector<16xi32>, vector<16xi1>) -> (vector<16xi1>, vector<16xf32>, vector<16xi32>)
        scf.yield %masked_sort3A_154, %masked_sort3A_177, %masked_sort3A_200, %masked_sort3A_223, %masked_sort3A_246, %masked_sort3A_269, %masked_sort3A_292, %masked_sort3A_315, %masked_sort3A_155, %masked_sort3A_178, %masked_sort3A_201, %masked_sort3A_224, %masked_sort3A_247, %masked_sort3A_270, %masked_sort3A_293, %masked_sort3A_316 : vector<16xf32>, vector<16xf32>, vector<16xf32>, vector<16xf32>, vector<16xf32>, vector<16xf32>, vector<16xf32>, vector<16xf32>, vector<16xi32>, vector<16xi32>, vector<16xi32>, vector<16xi32>, vector<16xi32>, vector<16xi32>, vector<16xi32>, vector<16xi32>
      }
      %scan3A_55 = arith.constant 256 : i32
      %swap3A = arith.constant 0 : index
      %swap3A_56 = tpu.vector_load %arg8[%swap3A] {strides = array<i32>} : memref<128xf32, #tpu.memory_space<vmem>>, vector<16xf32>,
      tpu.vector_store %arg8[%swap3A], %scan3A_54#0 {strides = array<i32>} : memref<128xf32, #tpu.memory_space<vmem>>, vector<16xf32>,
      %add3A = arith.constant 4096 : i32
      %add3A_57 = vector.broadcast %add3A : i32 to vector<16xi32>
      %add3A_58 = arith.addi %scan3A_54#8, %add3A_57 : vector<16xi32>
      %swap3A_59 = arith.constant 0 : index
      %swap3A_60 = tpu.vector_load %arg7[%swap3A_59] {strides = array<i32>} : memref<128xi32, #tpu.memory_space<vmem>>, vector<16xi32>,
      tpu.vector_store %arg7[%swap3A_59], %add3A_58 {strides = array<i32>} : memref<128xi32, #tpu.memory_space<vmem>>, vector<16xi32>,
      %swap3A_61 = arith.constant 16 : index
      %swap3A_62 = tpu.vector_load %arg8[%swap3A_61] {strides = array<i32>} : memref<128xf32, #tpu.memory_space<vmem>>, vector<16xf32>,
      tpu.vector_store %arg8[%swap3A_61], %scan3A_54#1 {strides = array<i32>} : memref<128xf32, #tpu.memory_space<vmem>>, vector<16xf32>,
      %add3A_63 = arith.constant 4096 : i32
      %add3A_64 = vector.broadcast %add3A_63 : i32 to vector<16xi32>
      %add3A_65 = arith.addi %scan3A_54#9, %add3A_64 : vector<16xi32>
      %swap3A_66 = arith.constant 16 : index
      %swap3A_67 = tpu.vector_load %arg7[%swap3A_66] {strides = array<i32>} : memref<128xi32, #tpu.memory_space<vmem>>, vector<16xi32>,
      tpu.vector_store %arg7[%swap3A_66], %add3A_65 {strides = array<i32>} : memref<128xi32, #tpu.memory_space<vmem>>, vector<16xi32>,
      %swap3A_68 = arith.constant 32 : index
      %swap3A_69 = tpu.vector_load %arg8[%swap3A_68] {strides = array<i32>} : memref<128xf32, #tpu.memory_space<vmem>>, vector<16xf32>,
      tpu.vector_store %arg8[%swap3A_68], %scan3A_54#2 {strides = array<i32>} : memref<128xf32, #tpu.memory_space<vmem>>, vector<16xf32>,
      %add3A_70 = arith.constant 4096 : i32
      %add3A_71 = vector.broadcast %add3A_70 : i32 to vector<16xi32>
      %add3A_72 = arith.addi %scan3A_54#10, %add3A_71 : vector<16xi32>
      %swap3A_73 = arith.constant 32 : index
      %swap3A_74 = tpu.vector_load %arg7[%swap3A_73] {strides = array<i32>} : memref<128xi32, #tpu.memory_space<vmem>>, vector<16xi32>,
      tpu.vector_store %arg7[%swap3A_73], %add3A_72 {strides = array<i32>} : memref<128xi32, #tpu.memory_space<vmem>>, vector<16xi32>,
      %swap3A_75 = arith.constant 48 : index
      %swap3A_76 = tpu.vector_load %arg8[%swap3A_75] {strides = array<i32>} : memref<128xf32, #tpu.memory_space<vmem>>, vector<16xf32>,
      tpu.vector_store %arg8[%swap3A_75], %scan3A_54#3 {strides = array<i32>} : memref<128xf32, #tpu.memory_space<vmem>>, vector<16xf32>,
      %add3A_77 = arith.constant 4096 : i32
      %add3A_78 = vector.broadcast %add3A_77 : i32 to vector<16xi32>
      %add3A_79 = arith.addi %scan3A_54#11, %add3A_78 : vector<16xi32>
      %swap3A_80 = arith.constant 48 : index
      %swap3A_81 = tpu.vector_load %arg7[%swap3A_80] {strides = array<i32>} : memref<128xi32, #tpu.memory_space<vmem>>, vector<16xi32>,
      tpu.vector_store %arg7[%swap3A_80], %add3A_79 {strides = array<i32>} : memref<128xi32, #tpu.memory_space<vmem>>, vector<16xi32>,
      %swap3A_82 = arith.constant 64 : index
      %swap3A_83 = tpu.vector_load %arg8[%swap3A_82] {strides = array<i32>} : memref<128xf32, #tpu.memory_space<vmem>>, vector<16xf32>,
      tpu.vector_store %arg8[%swap3A_82], %scan3A_54#4 {strides = array<i32>} : memref<128xf32, #tpu.memory_space<vmem>>, vector<16xf32>,
      %add3A_84 = arith.constant 4096 : i32
      %add3A_85 = vector.broadcast %add3A_84 : i32 to vector<16xi32>
      %add3A_86 = arith.addi %scan3A_54#12, %add3A_85 : vector<16xi32>
      %swap3A_87 = arith.constant 64 : index
      %swap3A_88 = tpu.vector_load %arg7[%swap3A_87] {strides = array<i32>} : memref<128xi32, #tpu.memory_space<vmem>>, vector<16xi32>,
      tpu.vector_store %arg7[%swap3A_87], %add3A_86 {strides = array<i32>} : memref<128xi32, #tpu.memory_space<vmem>>, vector<16xi32>,
      %swap3A_89 = arith.constant 80 : index
      %swap3A_90 = tpu.vector_load %arg8[%swap3A_89] {strides = array<i32>} : memref<128xf32, #tpu.memory_space<vmem>>, vector<16xf32>,
      tpu.vector_store %arg8[%swap3A_89], %scan3A_54#5 {strides = array<i32>} : memref<128xf32, #tpu.memory_space<vmem>>, vector<16xf32>,
      %add3A_91 = arith.constant 4096 : i32
      %add3A_92 = vector.broadcast %add3A_91 : i32 to vector<16xi32>
      %add3A_93 = arith.addi %scan3A_54#13, %add3A_92 : vector<16xi32>
      %swap3A_94 = arith.constant 80 : index
      %swap3A_95 = tpu.vector_load %arg7[%swap3A_94] {strides = array<i32>} : memref<128xi32, #tpu.memory_space<vmem>>, vector<16xi32>,
      tpu.vector_store %arg7[%swap3A_94], %add3A_93 {strides = array<i32>} : memref<128xi32, #tpu.memory_space<vmem>>, vector<16xi32>,
      %swap3A_96 = arith.constant 96 : index
      %swap3A_97 = tpu.vector_load %arg8[%swap3A_96] {strides = array<i32>} : memref<128xf32, #tpu.memory_space<vmem>>, vector<16xf32>,
      tpu.vector_store %arg8[%swap3A_96], %scan3A_54#6 {strides = array<i32>} : memref<128xf32, #tpu.memory_space<vmem>>, vector<16xf32>,
      %add3A_98 = arith.constant 4096 : i32
      %add3A_99 = vector.broadcast %add3A_98 : i32 to vector<16xi32>
      %add3A_100 = arith.addi %scan3A_54#14, %add3A_99 : vector<16xi32>
      %swap3A_101 = arith.constant 96 : index
      %swap3A_102 = tpu.vector_load %arg7[%swap3A_101] {strides = array<i32>} : memref<128xi32, #tpu.memory_space<vmem>>, vector<16xi32>,
      tpu.vector_store %arg7[%swap3A_101], %add3A_100 {strides = array<i32>} : memref<128xi32, #tpu.memory_space<vmem>>, vector<16xi32>,
      %swap3A_103 = arith.constant 112 : index
      %swap3A_104 = tpu.vector_load %arg8[%swap3A_103] {strides = array<i32>} : memref<128xf32, #tpu.memory_space<vmem>>, vector<16xf32>,
      tpu.vector_store %arg8[%swap3A_103], %scan3A_54#7 {strides = array<i32>} : memref<128xf32, #tpu.memory_space<vmem>>, vector<16xf32>,
      %add3A_105 = arith.constant 4096 : i32
      %add3A_106 = vector.broadcast %add3A_105 : i32 to vector<16xi32>
      %add3A_107 = arith.addi %scan3A_54#15, %add3A_106 : vector<16xi32>
      %swap3A_108 = arith.constant 112 : index
      %swap3A_109 = tpu.vector_load %arg7[%swap3A_108] {strides = array<i32>} : memref<128xi32, #tpu.memory_space<vmem>>, vector<16xi32>,
      tpu.vector_store %arg7[%swap3A_108], %add3A_107 {strides = array<i32>} : memref<128xi32, #tpu.memory_space<vmem>>, vector<16xi32>,
      %dma_start3A = arith.constant 0 : i32
      %dma_start3A_110 = arith.constant 0 : i32
      %dma_start3A_111 = tpu.memref_slice %arg3[%dma_start3A, %dma_start3A_110] : memref<12288x128xf32, #tpu.memory_space<hbm>> -> memref<12288x128xf32, #tpu.memory_space<hbm>>
      tpu.enqueue_indirect_dma source(%dma_start3A_111 : memref<12288x128xf32, #tpu.memory_space<hbm>>) target(%arg9 : memref<128x128xf32, #tpu.memory_space<vmem>>) offsets(%arg7 : memref<128xi32, #tpu.memory_space<vmem>>) semaphore(%arg10 : memref<!tpu.dma_semaphore, #tpu.memory_space<semaphore_mem>>)
      %dma_wait3A = arith.constant 0 : i32
      %dma_wait3A_112 = arith.constant 0 : i32
      %dma_wait3A_113 = tpu.memref_slice %arg3[%dma_wait3A, %dma_wait3A_112] : memref<12288x128xf32, #tpu.memory_space<hbm>> -> memref<12288x128xf32, #tpu.memory_space<hbm>>
      tpu.wait_indirect_dma semaphore(%arg10 : memref<!tpu.dma_semaphore, #tpu.memory_space<semaphore_mem>>) src(%dma_wait3A_113 : memref<12288x128xf32, #tpu.memory_space<hbm>>) dst(%arg9 : memref<128x128xf32, #tpu.memory_space<vmem>>)
      "tpu.region"() ({
        %run_scoped3A = tpu.sem_alloc : memref<!tpu.dma_semaphore, #tpu.memory_space<semaphore_mem>>
        %dma_start3A_114 = arith.constant 128 : i32
        %dma_start3A_115 = arith.constant 0 : i32
        %dma_start3A_116 = tpu.memref_slice %arg4[%dma_start3A_114, %dma_start3A_115] : memref<384x128xf32, #tpu.memory_space<hbm>> -> memref<128x128xf32, #tpu.memory_space<hbm>>
        %dma_start3A_117 = arith.constant 128 : i32
        %dma_start3A_118 = arith.constant 0 : i32
        %dma_start3A_119 = tpu.memref_slice %arg4[%dma_start3A_117, %dma_start3A_118] : memref<384x128xf32, #tpu.memory_space<hbm>> -> memref<128x128xf32, #tpu.memory_space<hbm>>
        tpu.enqueue_dma source(%arg9 : memref<128x128xf32, #tpu.memory_space<vmem>>) target(%dma_start3A_119 : memref<128x128xf32, #tpu.memory_space<hbm>>) target_semaphore(%run_scoped3A : memref<!tpu.dma_semaphore, #tpu.memory_space<semaphore_mem>>)
        %dma_wait3A_120 = arith.constant 128 : i32
        %dma_wait3A_121 = arith.constant 0 : i32
        %dma_wait3A_122 = tpu.memref_slice %arg4[%dma_wait3A_120, %dma_wait3A_121] : memref<384x128xf32, #tpu.memory_space<hbm>> -> memref<128x128xf32, #tpu.memory_space<hbm>>
        %dma_wait3A_123 = arith.constant 128 : i32
        %dma_wait3A_124 = arith.constant 0 : i32
        %dma_wait3A_125 = tpu.memref_slice %arg4[%dma_wait3A_123, %dma_wait3A_124] : memref<384x128xf32, #tpu.memory_space<hbm>> -> memref<128x128xf32, #tpu.memory_space<hbm>>
        tpu.wait_dma2 semaphore(%run_scoped3A : memref<!tpu.dma_semaphore, #tpu.memory_space<semaphore_mem>>) src(%arg9 : memref<128x128xf32, #tpu.memory_space<vmem>>) dst(%dma_wait3A_125 : memref<128x128xf32, #tpu.memory_space<hbm>>)
        tpu.yield
      }) : () -> ()
      "tpu.region"() ({
        %run_scoped3A = tpu.sem_alloc : memref<!tpu.dma_semaphore, #tpu.memory_space<semaphore_mem>>
        %dma_start3A_114 = arith.constant 128 : i32
        %dma_start3A_115 = tpu.memref_slice %arg5[%dma_start3A_114] : memref<384xf32, #tpu.memory_space<hbm>> -> memref<128xf32, #tpu.memory_space<hbm>>
        %dma_start3A_116 = arith.constant 128 : i32
        %dma_start3A_117 = tpu.memref_slice %arg5[%dma_start3A_116] : memref<384xf32, #tpu.memory_space<hbm>> -> memref<128xf32, #tpu.memory_space<hbm>>
        tpu.enqueue_dma source(%arg8 : memref<128xf32, #tpu.memory_space<vmem>>) target(%dma_start3A_117 : memref<128xf32, #tpu.memory_space<hbm>>) target_semaphore(%run_scoped3A : memref<!tpu.dma_semaphore, #tpu.memory_space<semaphore_mem>>)
        %dma_wait3A_118 = arith.constant 128 : i32
        %dma_wait3A_119 = tpu.memref_slice %arg5[%dma_wait3A_118] : memref<384xf32, #tpu.memory_space<hbm>> -> memref<128xf32, #tpu.memory_space<hbm>>
        %dma_wait3A_120 = arith.constant 128 : i32
        %dma_wait3A_121 = tpu.memref_slice %arg5[%dma_wait3A_120] : memref<384xf32, #tpu.memory_space<hbm>> -> memref<128xf32, #tpu.memory_space<hbm>>
        tpu.wait_dma2 semaphore(%run_scoped3A : memref<!tpu.dma_semaphore, #tpu.memory_space<semaphore_mem>>) src(%arg8 : memref<128xf32, #tpu.memory_space<vmem>>) dst(%dma_wait3A_121 : memref<128xf32, #tpu.memory_space<hbm>>)
        tpu.yield
      }) : () -> ()
    } else {
    }
    %eq3A_12 = arith.constant 0 : i32
    %eq3A_13 = arith.cmpi eq, %arg0, %eq3A_12 : i32
    %eq3A_14 = arith.constant 1 : i32
    %eq3A_15 = arith.cmpi eq, %arg1, %eq3A_14 : i32
    %and3A_16 = arith.andi %eq3A_13, %eq3A_15 : i1
    %convert_element_type3A_17 = arith.extui %and3A_16 : i1 to i32
    %cond3A_18 = arith.constant 0 : i32
    %cond3A_19 = arith.cmpi ne, %convert_element_type3A_17, %cond3A_18 : i32
    scf.if %cond3A_19 {
      "tpu.region"() ({
        %run_scoped3A = tpu.sem_alloc : memref<!tpu.dma_semaphore, #tpu.memory_space<semaphore_mem>>
        %dma_start3A_114 = arith.constant 8192 : i32
        %dma_start3A_115 = tpu.memref_slice %arg2[%dma_start3A_114] : memref<12288xf32, #tpu.memory_space<hbm>> -> memref<4096xf32, #tpu.memory_space<hbm>>
        %dma_start3A_116 = arith.constant 8192 : i32
        %dma_start3A_117 = tpu.memref_slice %arg2[%dma_start3A_116] : memref<12288xf32, #tpu.memory_space<hbm>> -> memref<4096xf32, #tpu.memory_space<hbm>>
        tpu.enqueue_dma source(%dma_start3A_117 : memref<4096xf32, #tpu.memory_space<hbm>>) target(%arg6 : memref<4096xf32, #tpu.memory_space<vmem>>) target_semaphore(%run_scoped3A : memref<!tpu.dma_semaphore, #tpu.memory_space<semaphore_mem>>)
        %dma_wait3A_118 = arith.constant 8192 : i32
        %dma_wait3A_119 = tpu.memref_slice %arg2[%dma_wait3A_118] : memref<12288xf32, #tpu.memory_space<hbm>> -> memref<4096xf32, #tpu.memory_space<hbm>>
        %dma_wait3A_120 = arith.constant 8192 : i32
        %dma_wait3A_121 = tpu.memref_slice %arg2[%dma_wait3A_120] : memref<12288xf32, #tpu.memory_space<hbm>> -> memref<4096xf32, #tpu.memory_space<hbm>>
        tpu.wait_dma2 semaphore(%run_scoped3A : memref<!tpu.dma_semaphore, #tpu.memory_space<semaphore_mem>>) src(%dma_wait3A_121 : memref<4096xf32, #tpu.memory_space<hbm>>) dst(%arg6 : memref<4096xf32, #tpu.memory_space<vmem>>)
        tpu.yield
      }) : () -> ()
      %broadcast_in_dim3A = arith.constant 0xFF800000 : f32
      %broadcast_in_dim3A_20 = vector.broadcast %broadcast_in_dim3A : f32 to vector<16xf32>
      %broadcast_in_dim3A_21 = arith.constant 0xFF800000 : f32
      %broadcast_in_dim3A_22 = vector.broadcast %broadcast_in_dim3A_21 : f32 to vector<16xf32>
      %broadcast_in_dim3A_23 = arith.constant 0xFF800000 : f32
      %broadcast_in_dim3A_24 = vector.broadcast %broadcast_in_dim3A_23 : f32 to vector<16xf32>
      %broadcast_in_dim3A_25 = arith.constant 0xFF800000 : f32
      %broadcast_in_dim3A_26 = vector.broadcast %broadcast_in_dim3A_25 : f32 to vector<16xf32>
      %broadcast_in_dim3A_27 = arith.constant 0xFF800000 : f32
      %broadcast_in_dim3A_28 = vector.broadcast %broadcast_in_dim3A_27 : f32 to vector<16xf32>
      %broadcast_in_dim3A_29 = arith.constant 0xFF800000 : f32
      %broadcast_in_dim3A_30 = vector.broadcast %broadcast_in_dim3A_29 : f32 to vector<16xf32>
      %broadcast_in_dim3A_31 = arith.constant 0xFF800000 : f32
      %broadcast_in_dim3A_32 = vector.broadcast %broadcast_in_dim3A_31 : f32 to vector<16xf32>
      %broadcast_in_dim3A_33 = arith.constant 0xFF800000 : f32
      %broadcast_in_dim3A_34 = vector.broadcast %broadcast_in_dim3A_33 : f32 to vector<16xf32>
      %broadcast_in_dim3A_35 = arith.constant 0 : i32
      %broadcast_in_dim3A_36 = vector.broadcast %broadcast_in_dim3A_35 : i32 to vector<16xi32>
      %broadcast_in_dim3A_37 = arith.constant 0 : i32
      %broadcast_in_dim3A_38 = vector.broadcast %broadcast_in_dim3A_37 : i32 to vector<16xi32>
      %broadcast_in_dim3A_39 = arith.constant 0 : i32
      %broadcast_in_dim3A_40 = vector.broadcast %broadcast_in_dim3A_39 : i32 to vector<16xi32>
      %broadcast_in_dim3A_41 = arith.constant 0 : i32
      %broadcast_in_dim3A_42 = vector.broadcast %broadcast_in_dim3A_41 : i32 to vector<16xi32>
      %broadcast_in_dim3A_43 = arith.constant 0 : i32
      %broadcast_in_dim3A_44 = vector.broadcast %broadcast_in_dim3A_43 : i32 to vector<16xi32>
      %broadcast_in_dim3A_45 = arith.constant 0 : i32
      %broadcast_in_dim3A_46 = vector.broadcast %broadcast_in_dim3A_45 : i32 to vector<16xi32>
      %broadcast_in_dim3A_47 = arith.constant 0 : i32
      %broadcast_in_dim3A_48 = vector.broadcast %broadcast_in_dim3A_47 : i32 to vector<16xi32>
      %broadcast_in_dim3A_49 = arith.constant 0 : i32
      %broadcast_in_dim3A_50 = vector.broadcast %broadcast_in_dim3A_49 : i32 to vector<16xi32>
      %scan3A = arith.constant 0 : i32
      %scan3A_51 = arith.constant 256 : i32
      %scan3A_52 = arith.addi %scan3A, %scan3A_51 : i32
      %scan3A_53 = arith.constant 1 : i32
      %scan3A_54:16 = scf.for %scan3A_114 = %scan3A to %scan3A_52 step %scan3A_53 iter_args(%scan3A_115 = %broadcast_in_dim3A_20, %scan3A_116 = %broadcast_in_dim3A_22, %scan3A_117 = %broadcast_in_dim3A_24, %scan3A_118 = %broadcast_in_dim3A_26, %scan3A_119 = %broadcast_in_dim3A_28, %scan3A_120 = %broadcast_in_dim3A_30, %scan3A_121 = %broadcast_in_dim3A_32, %scan3A_122 = %broadcast_in_dim3A_34, %scan3A_123 = %broadcast_in_dim3A_36, %scan3A_124 = %broadcast_in_dim3A_38, %scan3A_125 = %broadcast_in_dim3A_40, %scan3A_126 = %broadcast_in_dim3A_42, %scan3A_127 = %broadcast_in_dim3A_44, %scan3A_128 = %broadcast_in_dim3A_46, %scan3A_129 = %broadcast_in_dim3A_48, %scan3A_130 = %broadcast_in_dim3A_50) -> (vector<16xf32>, vector<16xf32>, vector<16xf32>, vector<16xf32>, vector<16xf32>, vector<16xf32>, vector<16xf32>, vector<16xf32>, vector<16xi32>, vector<16xi32>, vector<16xi32>, vector<16xi32>, vector<16xi32>, vector<16xi32>, vector<16xi32>, vector<16xi32>)  : i32 {
        %mul3A = arith.constant 16 : i32
        %mul3A_131 = arith.muli %scan3A_114, %mul3A : i32
        %get3A = arith.index_cast %mul3A_131 : i32 to index
        %get3A_132 = tpu.vector_load %arg6[%get3A] {strides = array<i32>} : memref<4096xf32, #tpu.memory_space<vmem>>, vector<16xf32>,
        %mul3A_133 = arith.constant 16 : i32
        %mul3A_134 = arith.muli %scan3A_114, %mul3A_133 : i32
        %add3A_135 = vector.broadcast %mul3A_134 : i32 to vector<16xi32>
        %add3A_136 = arith.addi %iota3A, %add3A_135 : vector<16xi32>
        %masked_sort3A = arith.constant dense<true> : vector<16xi1>
        %masked_sort3A_137, %masked_sort3A_138, %masked_sort3A_139 = tpu.sort %get3A_132, %add3A_136 masked %masked_sort3A {descending = true} : (vector<16xf32>, vector<16xi32>, vector<16xi1>) -> (vector<16xi1>, vector<16xf32>, vector<16xi32>)
        %rev3A = arith.constant 15 : i32
        %rev3A_140 = vector.broadcast %rev3A : i32 to vector<16xi32>
        %rev3A_141 = tpu.iota {dimensions = array<i32: 0>} : vector<16xi32>
        %rev3A_142 = arith.subi %rev3A_140, %rev3A_141 : vector<16xi32>
        %rev3A_143 = tpu.dynamic_gather %masked_sort3A_138[%rev3A_142] in [0] : vector<16xf32>, vector<16xi32> -> vector<16xf32>
        %rev3A_144 = arith.constant 15 : i32
        %rev3A_145 = vector.broadcast %rev3A_144 : i32 to vector<16xi32>
        %rev3A_146 = tpu.iota {dimensions = array<i32: 0>} : vector<16xi32>
        %rev3A_147 = arith.subi %rev3A_145, %rev3A_146 : vector<16xi32>
        %rev3A_148 = tpu.dynamic_gather %masked_sort3A_139[%rev3A_147] in [0] : vector<16xi32>, vector<16xi32> -> vector<16xi32>
        %ge3A = arith.cmpf oge, %scan3A_115, %rev3A_143 : vector<16xf32>
        %select_n3A = arith.select %ge3A, %scan3A_115, %rev3A_143 : vector<16xi1>, vector<16xf32>
        %select_n3A_149 = arith.select %ge3A, %scan3A_123, %rev3A_148 : vector<16xi1>, vector<16xi32>
        %select_n3A_150 = arith.select %ge3A, %rev3A_143, %scan3A_115 : vector<16xi1>, vector<16xf32>
        %select_n3A_151 = arith.select %ge3A, %rev3A_148, %scan3A_123 : vector<16xi1>, vector<16xi32>
        %masked_sort3A_152 = arith.constant dense<true> : vector<16xi1>
        %masked_sort3A_153, %masked_sort3A_154, %masked_sort3A_155 = tpu.sort %select_n3A, %select_n3A_149 masked %masked_sort3A_152 {descending = true} : (vector<16xf32>, vector<16xi32>, vector<16xi1>) -> (vector<16xi1>, vector<16xf32>, vector<16xi32>)
        %masked_sort3A_156 = arith.constant dense<true> : vector<16xi1>
        %masked_sort3A_157, %masked_sort3A_158, %masked_sort3A_159 = tpu.sort %select_n3A_150, %select_n3A_151 masked %masked_sort3A_156 {descending = true} : (vector<16xf32>, vector<16xi32>, vector<16xi1>) -> (vector<16xi1>, vector<16xf32>, vector<16xi32>)
        %rev3A_160 = arith.constant 15 : i32
        %rev3A_161 = vector.broadcast %rev3A_160 : i32 to vector<16xi32>
        %rev3A_162 = tpu.iota {dimensions = array<i32: 0>} : vector<16xi32>
        %rev3A_163 = arith.subi %rev3A_161, %rev3A_162 : vector<16xi32>
        %rev3A_164 = tpu.dynamic_gather %masked_sort3A_158[%rev3A_163] in [0] : vector<16xf32>, vector<16xi32> -> vector<16xf32>
        %rev3A_165 = arith.constant 15 : i32
        %rev3A_166 = vector.broadcast %rev3A_165 : i32 to vector<16xi32>
        %rev3A_167 = tpu.iota {dimensions = array<i32: 0>} : vector<16xi32>
        %rev3A_168 = arith.subi %rev3A_166, %rev3A_167 : vector<16xi32>
        %rev3A_169 = tpu.dynamic_gather %masked_sort3A_159[%rev3A_168] in [0] : vector<16xi32>, vector<16xi32> -> vector<16xi32>
        %ge3A_170 = arith.cmpf oge, %scan3A_116, %rev3A_164 : vector<16xf32>
        %select_n3A_171 = arith.select %ge3A_170, %scan3A_116, %rev3A_164 : vector<16xi1>, vector<16xf32>
        %select_n3A_172 = arith.select %ge3A_170, %scan3A_124, %rev3A_169 : vector<16xi1>, vector<16xi32>
        %select_n3A_173 = arith.select %ge3A_170, %rev3A_164, %scan3A_116 : vector<16xi1>, vector<16xf32>
        %select_n3A_174 = arith.select %ge3A_170, %rev3A_169, %scan3A_124 : vector<16xi1>, vector<16xi32>
        %masked_sort3A_175 = arith.constant dense<true> : vector<16xi1>
        %masked_sort3A_176, %masked_sort3A_177, %masked_sort3A_178 = tpu.sort %select_n3A_171, %select_n3A_172 masked %masked_sort3A_175 {descending = true} : (vector<16xf32>, vector<16xi32>, vector<16xi1>) -> (vector<16xi1>, vector<16xf32>, vector<16xi32>)
        %masked_sort3A_179 = arith.constant dense<true> : vector<16xi1>
        %masked_sort3A_180, %masked_sort3A_181, %masked_sort3A_182 = tpu.sort %select_n3A_173, %select_n3A_174 masked %masked_sort3A_179 {descending = true} : (vector<16xf32>, vector<16xi32>, vector<16xi1>) -> (vector<16xi1>, vector<16xf32>, vector<16xi32>)
        %rev3A_183 = arith.constant 15 : i32
        %rev3A_184 = vector.broadcast %rev3A_183 : i32 to vector<16xi32>
        %rev3A_185 = tpu.iota {dimensions = array<i32: 0>} : vector<16xi32>
        %rev3A_186 = arith.subi %rev3A_184, %rev3A_185 : vector<16xi32>
        %rev3A_187 = tpu.dynamic_gather %masked_sort3A_181[%rev3A_186] in [0] : vector<16xf32>, vector<16xi32> -> vector<16xf32>
        %rev3A_188 = arith.constant 15 : i32
        %rev3A_189 = vector.broadcast %rev3A_188 : i32 to vector<16xi32>
        %rev3A_190 = tpu.iota {dimensions = array<i32: 0>} : vector<16xi32>
        %rev3A_191 = arith.subi %rev3A_189, %rev3A_190 : vector<16xi32>
        %rev3A_192 = tpu.dynamic_gather %masked_sort3A_182[%rev3A_191] in [0] : vector<16xi32>, vector<16xi32> -> vector<16xi32>
        %ge3A_193 = arith.cmpf oge, %scan3A_117, %rev3A_187 : vector<16xf32>
        %select_n3A_194 = arith.select %ge3A_193, %scan3A_117, %rev3A_187 : vector<16xi1>, vector<16xf32>
        %select_n3A_195 = arith.select %ge3A_193, %scan3A_125, %rev3A_192 : vector<16xi1>, vector<16xi32>
        %select_n3A_196 = arith.select %ge3A_193, %rev3A_187, %scan3A_117 : vector<16xi1>, vector<16xf32>
        %select_n3A_197 = arith.select %ge3A_193, %rev3A_192, %scan3A_125 : vector<16xi1>, vector<16xi32>
        %masked_sort3A_198 = arith.constant dense<true> : vector<16xi1>
        %masked_sort3A_199, %masked_sort3A_200, %masked_sort3A_201 = tpu.sort %select_n3A_194, %select_n3A_195 masked %masked_sort3A_198 {descending = true} : (vector<16xf32>, vector<16xi32>, vector<16xi1>) -> (vector<16xi1>, vector<16xf32>, vector<16xi32>)
        %masked_sort3A_202 = arith.constant dense<true> : vector<16xi1>
        %masked_sort3A_203, %masked_sort3A_204, %masked_sort3A_205 = tpu.sort %select_n3A_196, %select_n3A_197 masked %masked_sort3A_202 {descending = true} : (vector<16xf32>, vector<16xi32>, vector<16xi1>) -> (vector<16xi1>, vector<16xf32>, vector<16xi32>)
        %rev3A_206 = arith.constant 15 : i32
        %rev3A_207 = vector.broadcast %rev3A_206 : i32 to vector<16xi32>
        %rev3A_208 = tpu.iota {dimensions = array<i32: 0>} : vector<16xi32>
        %rev3A_209 = arith.subi %rev3A_207, %rev3A_208 : vector<16xi32>
        %rev3A_210 = tpu.dynamic_gather %masked_sort3A_204[%rev3A_209] in [0] : vector<16xf32>, vector<16xi32> -> vector<16xf32>
        %rev3A_211 = arith.constant 15 : i32
        %rev3A_212 = vector.broadcast %rev3A_211 : i32 to vector<16xi32>
        %rev3A_213 = tpu.iota {dimensions = array<i32: 0>} : vector<16xi32>
        %rev3A_214 = arith.subi %rev3A_212, %rev3A_213 : vector<16xi32>
        %rev3A_215 = tpu.dynamic_gather %masked_sort3A_205[%rev3A_214] in [0] : vector<16xi32>, vector<16xi32> -> vector<16xi32>
        %ge3A_216 = arith.cmpf oge, %scan3A_118, %rev3A_210 : vector<16xf32>
        %select_n3A_217 = arith.select %ge3A_216, %scan3A_118, %rev3A_210 : vector<16xi1>, vector<16xf32>
        %select_n3A_218 = arith.select %ge3A_216, %scan3A_126, %rev3A_215 : vector<16xi1>, vector<16xi32>
        %select_n3A_219 = arith.select %ge3A_216, %rev3A_210, %scan3A_118 : vector<16xi1>, vector<16xf32>
        %select_n3A_220 = arith.select %ge3A_216, %rev3A_215, %scan3A_126 : vector<16xi1>, vector<16xi32>
        %masked_sort3A_221 = arith.constant dense<true> : vector<16xi1>
        %masked_sort3A_222, %masked_sort3A_223, %masked_sort3A_224 = tpu.sort %select_n3A_217, %select_n3A_218 masked %masked_sort3A_221 {descending = true} : (vector<16xf32>, vector<16xi32>, vector<16xi1>) -> (vector<16xi1>, vector<16xf32>, vector<16xi32>)
        %masked_sort3A_225 = arith.constant dense<true> : vector<16xi1>
        %masked_sort3A_226, %masked_sort3A_227, %masked_sort3A_228 = tpu.sort %select_n3A_219, %select_n3A_220 masked %masked_sort3A_225 {descending = true} : (vector<16xf32>, vector<16xi32>, vector<16xi1>) -> (vector<16xi1>, vector<16xf32>, vector<16xi32>)
        %rev3A_229 = arith.constant 15 : i32
        %rev3A_230 = vector.broadcast %rev3A_229 : i32 to vector<16xi32>
        %rev3A_231 = tpu.iota {dimensions = array<i32: 0>} : vector<16xi32>
        %rev3A_232 = arith.subi %rev3A_230, %rev3A_231 : vector<16xi32>
        %rev3A_233 = tpu.dynamic_gather %masked_sort3A_227[%rev3A_232] in [0] : vector<16xf32>, vector<16xi32> -> vector<16xf32>
        %rev3A_234 = arith.constant 15 : i32
        %rev3A_235 = vector.broadcast %rev3A_234 : i32 to vector<16xi32>
        %rev3A_236 = tpu.iota {dimensions = array<i32: 0>} : vector<16xi32>
        %rev3A_237 = arith.subi %rev3A_235, %rev3A_236 : vector<16xi32>
        %rev3A_238 = tpu.dynamic_gather %masked_sort3A_228[%rev3A_237] in [0] : vector<16xi32>, vector<16xi32> -> vector<16xi32>
        %ge3A_239 = arith.cmpf oge, %scan3A_119, %rev3A_233 : vector<16xf32>
        %select_n3A_240 = arith.select %ge3A_239, %scan3A_119, %rev3A_233 : vector<16xi1>, vector<16xf32>
        %select_n3A_241 = arith.select %ge3A_239, %scan3A_127, %rev3A_238 : vector<16xi1>, vector<16xi32>
        %select_n3A_242 = arith.select %ge3A_239, %rev3A_233, %scan3A_119 : vector<16xi1>, vector<16xf32>
        %select_n3A_243 = arith.select %ge3A_239, %rev3A_238, %scan3A_127 : vector<16xi1>, vector<16xi32>
        %masked_sort3A_244 = arith.constant dense<true> : vector<16xi1>
        %masked_sort3A_245, %masked_sort3A_246, %masked_sort3A_247 = tpu.sort %select_n3A_240, %select_n3A_241 masked %masked_sort3A_244 {descending = true} : (vector<16xf32>, vector<16xi32>, vector<16xi1>) -> (vector<16xi1>, vector<16xf32>, vector<16xi32>)
        %masked_sort3A_248 = arith.constant dense<true> : vector<16xi1>
        %masked_sort3A_249, %masked_sort3A_250, %masked_sort3A_251 = tpu.sort %select_n3A_242, %select_n3A_243 masked %masked_sort3A_248 {descending = true} : (vector<16xf32>, vector<16xi32>, vector<16xi1>) -> (vector<16xi1>, vector<16xf32>, vector<16xi32>)
        %rev3A_252 = arith.constant 15 : i32
        %rev3A_253 = vector.broadcast %rev3A_252 : i32 to vector<16xi32>
        %rev3A_254 = tpu.iota {dimensions = array<i32: 0>} : vector<16xi32>
        %rev3A_255 = arith.subi %rev3A_253, %rev3A_254 : vector<16xi32>
        %rev3A_256 = tpu.dynamic_gather %masked_sort3A_250[%rev3A_255] in [0] : vector<16xf32>, vector<16xi32> -> vector<16xf32>
        %rev3A_257 = arith.constant 15 : i32
        %rev3A_258 = vector.broadcast %rev3A_257 : i32 to vector<16xi32>
        %rev3A_259 = tpu.iota {dimensions = array<i32: 0>} : vector<16xi32>
        %rev3A_260 = arith.subi %rev3A_258, %rev3A_259 : vector<16xi32>
        %rev3A_261 = tpu.dynamic_gather %masked_sort3A_251[%rev3A_260] in [0] : vector<16xi32>, vector<16xi32> -> vector<16xi32>
        %ge3A_262 = arith.cmpf oge, %scan3A_120, %rev3A_256 : vector<16xf32>
        %select_n3A_263 = arith.select %ge3A_262, %scan3A_120, %rev3A_256 : vector<16xi1>, vector<16xf32>
        %select_n3A_264 = arith.select %ge3A_262, %scan3A_128, %rev3A_261 : vector<16xi1>, vector<16xi32>
        %select_n3A_265 = arith.select %ge3A_262, %rev3A_256, %scan3A_120 : vector<16xi1>, vector<16xf32>
        %select_n3A_266 = arith.select %ge3A_262, %rev3A_261, %scan3A_128 : vector<16xi1>, vector<16xi32>
        %masked_sort3A_267 = arith.constant dense<true> : vector<16xi1>
        %masked_sort3A_268, %masked_sort3A_269, %masked_sort3A_270 = tpu.sort %select_n3A_263, %select_n3A_264 masked %masked_sort3A_267 {descending = true} : (vector<16xf32>, vector<16xi32>, vector<16xi1>) -> (vector<16xi1>, vector<16xf32>, vector<16xi32>)
        %masked_sort3A_271 = arith.constant dense<true> : vector<16xi1>
        %masked_sort3A_272, %masked_sort3A_273, %masked_sort3A_274 = tpu.sort %select_n3A_265, %select_n3A_266 masked %masked_sort3A_271 {descending = true} : (vector<16xf32>, vector<16xi32>, vector<16xi1>) -> (vector<16xi1>, vector<16xf32>, vector<16xi32>)
        %rev3A_275 = arith.constant 15 : i32
        %rev3A_276 = vector.broadcast %rev3A_275 : i32 to vector<16xi32>
        %rev3A_277 = tpu.iota {dimensions = array<i32: 0>} : vector<16xi32>
        %rev3A_278 = arith.subi %rev3A_276, %rev3A_277 : vector<16xi32>
        %rev3A_279 = tpu.dynamic_gather %masked_sort3A_273[%rev3A_278] in [0] : vector<16xf32>, vector<16xi32> -> vector<16xf32>
        %rev3A_280 = arith.constant 15 : i32
        %rev3A_281 = vector.broadcast %rev3A_280 : i32 to vector<16xi32>
        %rev3A_282 = tpu.iota {dimensions = array<i32: 0>} : vector<16xi32>
        %rev3A_283 = arith.subi %rev3A_281, %rev3A_282 : vector<16xi32>
        %rev3A_284 = tpu.dynamic_gather %masked_sort3A_274[%rev3A_283] in [0] : vector<16xi32>, vector<16xi32> -> vector<16xi32>
        %ge3A_285 = arith.cmpf oge, %scan3A_121, %rev3A_279 : vector<16xf32>
        %select_n3A_286 = arith.select %ge3A_285, %scan3A_121, %rev3A_279 : vector<16xi1>, vector<16xf32>
        %select_n3A_287 = arith.select %ge3A_285, %scan3A_129, %rev3A_284 : vector<16xi1>, vector<16xi32>
        %select_n3A_288 = arith.select %ge3A_285, %rev3A_279, %scan3A_121 : vector<16xi1>, vector<16xf32>
        %select_n3A_289 = arith.select %ge3A_285, %rev3A_284, %scan3A_129 : vector<16xi1>, vector<16xi32>
        %masked_sort3A_290 = arith.constant dense<true> : vector<16xi1>
        %masked_sort3A_291, %masked_sort3A_292, %masked_sort3A_293 = tpu.sort %select_n3A_286, %select_n3A_287 masked %masked_sort3A_290 {descending = true} : (vector<16xf32>, vector<16xi32>, vector<16xi1>) -> (vector<16xi1>, vector<16xf32>, vector<16xi32>)
        %masked_sort3A_294 = arith.constant dense<true> : vector<16xi1>
        %masked_sort3A_295, %masked_sort3A_296, %masked_sort3A_297 = tpu.sort %select_n3A_288, %select_n3A_289 masked %masked_sort3A_294 {descending = true} : (vector<16xf32>, vector<16xi32>, vector<16xi1>) -> (vector<16xi1>, vector<16xf32>, vector<16xi32>)
        %rev3A_298 = arith.constant 15 : i32
        %rev3A_299 = vector.broadcast %rev3A_298 : i32 to vector<16xi32>
        %rev3A_300 = tpu.iota {dimensions = array<i32: 0>} : vector<16xi32>
        %rev3A_301 = arith.subi %rev3A_299, %rev3A_300 : vector<16xi32>
        %rev3A_302 = tpu.dynamic_gather %masked_sort3A_296[%rev3A_301] in [0] : vector<16xf32>, vector<16xi32> -> vector<16xf32>
        %rev3A_303 = arith.constant 15 : i32
        %rev3A_304 = vector.broadcast %rev3A_303 : i32 to vector<16xi32>
        %rev3A_305 = tpu.iota {dimensions = array<i32: 0>} : vector<16xi32>
        %rev3A_306 = arith.subi %rev3A_304, %rev3A_305 : vector<16xi32>
        %rev3A_307 = tpu.dynamic_gather %masked_sort3A_297[%rev3A_306] in [0] : vector<16xi32>, vector<16xi32> -> vector<16xi32>
        %ge3A_308 = arith.cmpf oge, %scan3A_122, %rev3A_302 : vector<16xf32>
        %select_n3A_309 = arith.select %ge3A_308, %scan3A_122, %rev3A_302 : vector<16xi1>, vector<16xf32>
        %select_n3A_310 = arith.select %ge3A_308, %scan3A_130, %rev3A_307 : vector<16xi1>, vector<16xi32>
        %select_n3A_311 = arith.select %ge3A_308, %rev3A_302, %scan3A_122 : vector<16xi1>, vector<16xf32>
        %select_n3A_312 = arith.select %ge3A_308, %rev3A_307, %scan3A_130 : vector<16xi1>, vector<16xi32>
        %masked_sort3A_313 = arith.constant dense<true> : vector<16xi1>
        %masked_sort3A_314, %masked_sort3A_315, %masked_sort3A_316 = tpu.sort %select_n3A_309, %select_n3A_310 masked %masked_sort3A_313 {descending = true} : (vector<16xf32>, vector<16xi32>, vector<16xi1>) -> (vector<16xi1>, vector<16xf32>, vector<16xi32>)
        %masked_sort3A_317 = arith.constant dense<true> : vector<16xi1>
        %masked_sort3A_318, %masked_sort3A_319, %masked_sort3A_320 = tpu.sort %select_n3A_311, %select_n3A_312 masked %masked_sort3A_317 {descending = true} : (vector<16xf32>, vector<16xi32>, vector<16xi1>) -> (vector<16xi1>, vector<16xf32>, vector<16xi32>)
        scf.yield %masked_sort3A_154, %masked_sort3A_177, %masked_sort3A_200, %masked_sort3A_223, %masked_sort3A_246, %masked_sort3A_269, %masked_sort3A_292, %masked_sort3A_315, %masked_sort3A_155, %masked_sort3A_178, %masked_sort3A_201, %masked_sort3A_224, %masked_sort3A_247, %masked_sort3A_270, %masked_sort3A_293, %masked_sort3A_316 : vector<16xf32>, vector<16xf32>, vector<16xf32>, vector<16xf32>, vector<16xf32>, vector<16xf32>, vector<16xf32>, vector<16xf32>, vector<16xi32>, vector<16xi32>, vector<16xi32>, vector<16xi32>, vector<16xi32>, vector<16xi32>, vector<16xi32>, vector<16xi32>
      }
      %scan3A_55 = arith.constant 256 : i32
      %swap3A = arith.constant 0 : index
      %swap3A_56 = tpu.vector_load %arg8[%swap3A] {strides = array<i32>} : memref<128xf32, #tpu.memory_space<vmem>>, vector<16xf32>,
      tpu.vector_store %arg8[%swap3A], %scan3A_54#0 {strides = array<i32>} : memref<128xf32, #tpu.memory_space<vmem>>, vector<16xf32>,
      %add3A = arith.constant 8192 : i32
      %add3A_57 = vector.broadcast %add3A : i32 to vector<16xi32>
      %add3A_58 = arith.addi %scan3A_54#8, %add3A_57 : vector<16xi32>
      %swap3A_59 = arith.constant 0 : index
      %swap3A_60 = tpu.vector_load %arg7[%swap3A_59] {strides = array<i32>} : memref<128xi32, #tpu.memory_space<vmem>>, vector<16xi32>,
      tpu.vector_store %arg7[%swap3A_59], %add3A_58 {strides = array<i32>} : memref<128xi32, #tpu.memory_space<vmem>>, vector<16xi32>,
      %swap3A_61 = arith.constant 16 : index
      %swap3A_62 = tpu.vector_load %arg8[%swap3A_61] {strides = array<i32>} : memref<128xf32, #tpu.memory_space<vmem>>, vector<16xf32>,
      tpu.vector_store %arg8[%swap3A_61], %scan3A_54#1 {strides = array<i32>} : memref<128xf32, #tpu.memory_space<vmem>>, vector<16xf32>,
      %add3A_63 = arith.constant 8192 : i32
      %add3A_64 = vector.broadcast %add3A_63 : i32 to vector<16xi32>
      %add3A_65 = arith.addi %scan3A_54#9, %add3A_64 : vector<16xi32>
      %swap3A_66 = arith.constant 16 : index
      %swap3A_67 = tpu.vector_load %arg7[%swap3A_66] {strides = array<i32>} : memref<128xi32, #tpu.memory_space<vmem>>, vector<16xi32>,
      tpu.vector_store %arg7[%swap3A_66], %add3A_65 {strides = array<i32>} : memref<128xi32, #tpu.memory_space<vmem>>, vector<16xi32>,
      %swap3A_68 = arith.constant 32 : index
      %swap3A_69 = tpu.vector_load %arg8[%swap3A_68] {strides = array<i32>} : memref<128xf32, #tpu.memory_space<vmem>>, vector<16xf32>,
      tpu.vector_store %arg8[%swap3A_68], %scan3A_54#2 {strides = array<i32>} : memref<128xf32, #tpu.memory_space<vmem>>, vector<16xf32>,
      %add3A_70 = arith.constant 8192 : i32
      %add3A_71 = vector.broadcast %add3A_70 : i32 to vector<16xi32>
      %add3A_72 = arith.addi %scan3A_54#10, %add3A_71 : vector<16xi32>
      %swap3A_73 = arith.constant 32 : index
      %swap3A_74 = tpu.vector_load %arg7[%swap3A_73] {strides = array<i32>} : memref<128xi32, #tpu.memory_space<vmem>>, vector<16xi32>,
      tpu.vector_store %arg7[%swap3A_73], %add3A_72 {strides = array<i32>} : memref<128xi32, #tpu.memory_space<vmem>>, vector<16xi32>,
      %swap3A_75 = arith.constant 48 : index
      %swap3A_76 = tpu.vector_load %arg8[%swap3A_75] {strides = array<i32>} : memref<128xf32, #tpu.memory_space<vmem>>, vector<16xf32>,
      tpu.vector_store %arg8[%swap3A_75], %scan3A_54#3 {strides = array<i32>} : memref<128xf32, #tpu.memory_space<vmem>>, vector<16xf32>,
      %add3A_77 = arith.constant 8192 : i32
      %add3A_78 = vector.broadcast %add3A_77 : i32 to vector<16xi32>
      %add3A_79 = arith.addi %scan3A_54#11, %add3A_78 : vector<16xi32>
      %swap3A_80 = arith.constant 48 : index
      %swap3A_81 = tpu.vector_load %arg7[%swap3A_80] {strides = array<i32>} : memref<128xi32, #tpu.memory_space<vmem>>, vector<16xi32>,
      tpu.vector_store %arg7[%swap3A_80], %add3A_79 {strides = array<i32>} : memref<128xi32, #tpu.memory_space<vmem>>, vector<16xi32>,
      %swap3A_82 = arith.constant 64 : index
      %swap3A_83 = tpu.vector_load %arg8[%swap3A_82] {strides = array<i32>} : memref<128xf32, #tpu.memory_space<vmem>>, vector<16xf32>,
      tpu.vector_store %arg8[%swap3A_82], %scan3A_54#4 {strides = array<i32>} : memref<128xf32, #tpu.memory_space<vmem>>, vector<16xf32>,
      %add3A_84 = arith.constant 8192 : i32
      %add3A_85 = vector.broadcast %add3A_84 : i32 to vector<16xi32>
      %add3A_86 = arith.addi %scan3A_54#12, %add3A_85 : vector<16xi32>
      %swap3A_87 = arith.constant 64 : index
      %swap3A_88 = tpu.vector_load %arg7[%swap3A_87] {strides = array<i32>} : memref<128xi32, #tpu.memory_space<vmem>>, vector<16xi32>,
      tpu.vector_store %arg7[%swap3A_87], %add3A_86 {strides = array<i32>} : memref<128xi32, #tpu.memory_space<vmem>>, vector<16xi32>,
      %swap3A_89 = arith.constant 80 : index
      %swap3A_90 = tpu.vector_load %arg8[%swap3A_89] {strides = array<i32>} : memref<128xf32, #tpu.memory_space<vmem>>, vector<16xf32>,
      tpu.vector_store %arg8[%swap3A_89], %scan3A_54#5 {strides = array<i32>} : memref<128xf32, #tpu.memory_space<vmem>>, vector<16xf32>,
      %add3A_91 = arith.constant 8192 : i32
      %add3A_92 = vector.broadcast %add3A_91 : i32 to vector<16xi32>
      %add3A_93 = arith.addi %scan3A_54#13, %add3A_92 : vector<16xi32>
      %swap3A_94 = arith.constant 80 : index
      %swap3A_95 = tpu.vector_load %arg7[%swap3A_94] {strides = array<i32>} : memref<128xi32, #tpu.memory_space<vmem>>, vector<16xi32>,
      tpu.vector_store %arg7[%swap3A_94], %add3A_93 {strides = array<i32>} : memref<128xi32, #tpu.memory_space<vmem>>, vector<16xi32>,
      %swap3A_96 = arith.constant 96 : index
      %swap3A_97 = tpu.vector_load %arg8[%swap3A_96] {strides = array<i32>} : memref<128xf32, #tpu.memory_space<vmem>>, vector<16xf32>,
      tpu.vector_store %arg8[%swap3A_96], %scan3A_54#6 {strides = array<i32>} : memref<128xf32, #tpu.memory_space<vmem>>, vector<16xf32>,
      %add3A_98 = arith.constant 8192 : i32
      %add3A_99 = vector.broadcast %add3A_98 : i32 to vector<16xi32>
      %add3A_100 = arith.addi %scan3A_54#14, %add3A_99 : vector<16xi32>
      %swap3A_101 = arith.constant 96 : index
      %swap3A_102 = tpu.vector_load %arg7[%swap3A_101] {strides = array<i32>} : memref<128xi32, #tpu.memory_space<vmem>>, vector<16xi32>,
      tpu.vector_store %arg7[%swap3A_101], %add3A_100 {strides = array<i32>} : memref<128xi32, #tpu.memory_space<vmem>>, vector<16xi32>,
      %swap3A_103 = arith.constant 112 : index
      %swap3A_104 = tpu.vector_load %arg8[%swap3A_103] {strides = array<i32>} : memref<128xf32, #tpu.memory_space<vmem>>, vector<16xf32>,
      tpu.vector_store %arg8[%swap3A_103], %scan3A_54#7 {strides = array<i32>} : memref<128xf32, #tpu.memory_space<vmem>>, vector<16xf32>,
      %add3A_105 = arith.constant 8192 : i32
      %add3A_106 = vector.broadcast %add3A_105 : i32 to vector<16xi32>
      %add3A_107 = arith.addi %scan3A_54#15, %add3A_106 : vector<16xi32>
      %swap3A_108 = arith.constant 112 : index
      %swap3A_109 = tpu.vector_load %arg7[%swap3A_108] {strides = array<i32>} : memref<128xi32, #tpu.memory_space<vmem>>, vector<16xi32>,
      tpu.vector_store %arg7[%swap3A_108], %add3A_107 {strides = array<i32>} : memref<128xi32, #tpu.memory_space<vmem>>, vector<16xi32>,
      %dma_start3A = arith.constant 0 : i32
      %dma_start3A_110 = arith.constant 0 : i32
      %dma_start3A_111 = tpu.memref_slice %arg3[%dma_start3A, %dma_start3A_110] : memref<12288x128xf32, #tpu.memory_space<hbm>> -> memref<12288x128xf32, #tpu.memory_space<hbm>>
      tpu.enqueue_indirect_dma source(%dma_start3A_111 : memref<12288x128xf32, #tpu.memory_space<hbm>>) target(%arg9 : memref<128x128xf32, #tpu.memory_space<vmem>>) offsets(%arg7 : memref<128xi32, #tpu.memory_space<vmem>>) semaphore(%arg10 : memref<!tpu.dma_semaphore, #tpu.memory_space<semaphore_mem>>)
      %dma_wait3A = arith.constant 0 : i32
      %dma_wait3A_112 = arith.constant 0 : i32
      %dma_wait3A_113 = tpu.memref_slice %arg3[%dma_wait3A, %dma_wait3A_112] : memref<12288x128xf32, #tpu.memory_space<hbm>> -> memref<12288x128xf32, #tpu.memory_space<hbm>>
      tpu.wait_indirect_dma semaphore(%arg10 : memref<!tpu.dma_semaphore, #tpu.memory_space<semaphore_mem>>) src(%dma_wait3A_113 : memref<12288x128xf32, #tpu.memory_space<hbm>>) dst(%arg9 : memref<128x128xf32, #tpu.memory_space<vmem>>)
      "tpu.region"() ({
        %run_scoped3A = tpu.sem_alloc : memref<!tpu.dma_semaphore, #tpu.memory_space<semaphore_mem>>
        %dma_start3A_114 = arith.constant 256 : i32
        %dma_start3A_115 = arith.constant 0 : i32
        %dma_start3A_116 = tpu.memref_slice %arg4[%dma_start3A_114, %dma_start3A_115] : memref<384x128xf32, #tpu.memory_space<hbm>> -> memref<128x128xf32, #tpu.memory_space<hbm>>
        %dma_start3A_117 = arith.constant 256 : i32
        %dma_start3A_118 = arith.constant 0 : i32
        %dma_start3A_119 = tpu.memref_slice %arg4[%dma_start3A_117, %dma_start3A_118] : memref<384x128xf32, #tpu.memory_space<hbm>> -> memref<128x128xf32, #tpu.memory_space<hbm>>
        tpu.enqueue_dma source(%arg9 : memref<128x128xf32, #tpu.memory_space<vmem>>) target(%dma_start3A_119 : memref<128x128xf32, #tpu.memory_space<hbm>>) target_semaphore(%run_scoped3A : memref<!tpu.dma_semaphore, #tpu.memory_space<semaphore_mem>>)
        %dma_wait3A_120 = arith.constant 256 : i32
        %dma_wait3A_121 = arith.constant 0 : i32
        %dma_wait3A_122 = tpu.memref_slice %arg4[%dma_wait3A_120, %dma_wait3A_121] : memref<384x128xf32, #tpu.memory_space<hbm>> -> memref<128x128xf32, #tpu.memory_space<hbm>>
        %dma_wait3A_123 = arith.constant 256 : i32
        %dma_wait3A_124 = arith.constant 0 : i32
        %dma_wait3A_125 = tpu.memref_slice %arg4[%dma_wait3A_123, %dma_wait3A_124] : memref<384x128xf32, #tpu.memory_space<hbm>> -> memref<128x128xf32, #tpu.memory_space<hbm>>
        tpu.wait_dma2 semaphore(%run_scoped3A : memref<!tpu.dma_semaphore, #tpu.memory_space<semaphore_mem>>) src(%arg9 : memref<128x128xf32, #tpu.memory_space<vmem>>) dst(%dma_wait3A_125 : memref<128x128xf32, #tpu.memory_space<hbm>>)
        tpu.yield
      }) : () -> ()
      "tpu.region"() ({
        %run_scoped3A = tpu.sem_alloc : memref<!tpu.dma_semaphore, #tpu.memory_space<semaphore_mem>>
        %dma_start3A_114 = arith.constant 256 : i32
        %dma_start3A_115 = tpu.memref_slice %arg5[%dma_start3A_114] : memref<384xf32, #tpu.memory_space<hbm>> -> memref<128xf32, #tpu.memory_space<hbm>>
        %dma_start3A_116 = arith.constant 256 : i32
        %dma_start3A_117 = tpu.memref_slice %arg5[%dma_start3A_116] : memref<384xf32, #tpu.memory_space<hbm>> -> memref<128xf32, #tpu.memory_space<hbm>>
        tpu.enqueue_dma source(%arg8 : memref<128xf32, #tpu.memory_space<vmem>>) target(%dma_start3A_117 : memref<128xf32, #tpu.memory_space<hbm>>) target_semaphore(%run_scoped3A : memref<!tpu.dma_semaphore, #tpu.memory_space<semaphore_mem>>)
        %dma_wait3A_118 = arith.constant 256 : i32
        %dma_wait3A_119 = tpu.memref_slice %arg5[%dma_wait3A_118] : memref<384xf32, #tpu.memory_space<hbm>> -> memref<128xf32, #tpu.memory_space<hbm>>
        %dma_wait3A_120 = arith.constant 256 : i32
        %dma_wait3A_121 = tpu.memref_slice %arg5[%dma_wait3A_120] : memref<384xf32, #tpu.memory_space<hbm>> -> memref<128xf32, #tpu.memory_space<hbm>>
        tpu.wait_dma2 semaphore(%run_scoped3A : memref<!tpu.dma_semaphore, #tpu.memory_space<semaphore_mem>>) src(%arg8 : memref<128xf32, #tpu.memory_space<vmem>>) dst(%dma_wait3A_121 : memref<128xf32, #tpu.memory_space<hbm>>)
        tpu.yield
      }) : () -> ()
    } else {
    }
    return
  }
}

module attributes {stable_mosaic.version = 14 : i64} {
  func.func @_score_body(%arg0: i32, %arg1: memref<1x128x4096xf32, #tpu.memory_space<vmem>>, %arg2: memref<1x128xf32, #tpu.memory_space<vmem>>, %arg3: memref<1x1x4096xf32, #tpu.memory_space<vmem>>) attributes {dimension_semantics = [#tpu.dimension_semantics<arbitrary>], iteration_bounds = array<i64: 3>, scalar_prefetch = 0 : i64, scratch_operands = 0 : i64, tpu.core_type = #tpu.core_type<tc>, window_params = [{transform_indices = @transform_0, window_bounds = array<i64: 1, 128, 4096>}, {pipeline_mode = #tpu.pipeline_mode<synchronous>, transform_indices = @transform_1, window_bounds = array<i64: 1, 128>}, {transform_indices = @transform_2, window_bounds = array<i64: 1, 1, 4096>}]} {
    %get3A = arith.constant 0 : index
    %get3A_0 = arith.constant 0 : index
    %get3A_1 = vector.load %arg2[%get3A, %get3A_0] : memref<1x128xf32, #tpu.memory_space<vmem>>, vector<1x128xf32>
    %get3A_2 = arith.constant 0 : index
    %get3A_3 = arith.constant 0 : index
    %get3A_4 = arith.constant 0 : index
    %get3A_5 = vector.load %arg1[%get3A_2, %get3A_3, %get3A_4] : memref<1x128x4096xf32, #tpu.memory_space<vmem>>, vector<1x128x4096xf32>
    %get3A_6 = vector.shape_cast %get3A_5 : vector<1x128x4096xf32> to vector<128x4096xf32>
    %dot_general3A = arith.constant dense<0.000000e+00> : vector<1x4096xf32>
    %dot_general3A_7 = tpu.matmul %get3A_1, %get3A_6, %dot_general3A {dimension_numbers = #tpu.dot_dimension_numbers<[1], [0], [0], [1], [0, 0, 1, 1], [], []>, transpose_lhs_hint = false} : vector<1x128xf32>, vector<128x4096xf32>, vector<1x4096xf32> -> vector<1x4096xf32>
    %swap3A = arith.constant 0 : index
    %swap3A_8 = arith.constant 0 : index
    %swap3A_9 = arith.constant 0 : index
    %swap3A_10 = vector.load %arg3[%swap3A, %swap3A_8, %swap3A_9] : memref<1x1x4096xf32, #tpu.memory_space<vmem>>, vector<1x1x4096xf32>
    %swap3A_11 = vector.shape_cast %swap3A_10 : vector<1x1x4096xf32> to vector<1x4096xf32>
    %swap3A_12 = vector.shape_cast %dot_general3A_7 : vector<1x4096xf32> to vector<1x1x4096xf32>
    tpu.vector_store %arg3[%swap3A, %swap3A_8, %swap3A_9], %swap3A_12 {strides = array<i32>} : memref<1x1x4096xf32, #tpu.memory_space<vmem>>, vector<1x1x4096xf32>,
    return
  }
  func.func @transform_0(%arg0: i32) -> (i32, i32, i32) {
    %c0_i32 = arith.constant 0 : i32
    %c0_i32_0 = arith.constant 0 : i32
    %c0_i32_1 = arith.constant 0 : i32
    return %arg0, %c0_i32, %c0_i32_0 : i32, i32, i32
  }
  func.func @transform_1(%arg0: i32) -> (i32, i32) {
    %c0_i32 = arith.constant 0 : i32
    %c0_i32_0 = arith.constant 0 : i32
    %c0_i32_1 = arith.constant 0 : i32
    return %c0_i32, %c0_i32_0 : i32, i32
  }
  func.func @transform_2(%arg0: i32) -> (i32, i32, i32) {
    %c0_i32 = arith.constant 0 : i32
    %c0_i32_0 = arith.constant 0 : i32
    %c0_i32_1 = arith.constant 0 : i32
    return %arg0, %c0_i32, %c0_i32_0 : i32, i32, i32
  }
}

module attributes {stable_mosaic.version = 14 : i64} {
  func.func @_chain_body(%arg0: i32, %arg1: memref<1x128x128xf32, #tpu.memory_space<vmem>>, %arg2: memref<1x128x1xf32, #tpu.memory_space<vmem>>, %arg3: memref<1x128xf32, #tpu.memory_space<vmem>>, %arg4: memref<128x384xf32, #tpu.memory_space<vmem>>, %arg5: memref<128x384xf32, #tpu.memory_space<vmem>>, %arg6: memref<1x384xf32, #tpu.memory_space<vmem>>, %arg7: memref<1x384xf32, #tpu.memory_space<vmem>>, %arg8: memref<1x128x128xf32, #tpu.memory_space<vmem>>, %arg9: memref<1x128x128xf32, #tpu.memory_space<vmem>>, %arg10: memref<128x128xf32, #tpu.memory_space<vmem>>) attributes {dimension_semantics = [#tpu.dimension_semantics<arbitrary>], iteration_bounds = array<i64: 3>, scalar_prefetch = 0 : i64, scratch_operands = 1 : i64, tpu.core_type = #tpu.core_type<tc>, window_params = [{transform_indices = @transform_0, window_bounds = array<i64: 1, 128, 128>}, {transform_indices = @transform_1, window_bounds = array<i64: 1, 128, 1>}, {pipeline_mode = #tpu.pipeline_mode<synchronous>, transform_indices = @transform_2, window_bounds = array<i64: 1, 128>}, {pipeline_mode = #tpu.pipeline_mode<synchronous>, transform_indices = @transform_3, window_bounds = array<i64: 128, 384>}, {pipeline_mode = #tpu.pipeline_mode<synchronous>, transform_indices = @transform_4, window_bounds = array<i64: 128, 384>}, {pipeline_mode = #tpu.pipeline_mode<synchronous>, transform_indices = @transform_5, window_bounds = array<i64: 1, 384>}, {pipeline_mode = #tpu.pipeline_mode<synchronous>, transform_indices = @transform_6, window_bounds = array<i64: 1, 384>}, {pipeline_mode = #tpu.pipeline_mode<synchronous>, transform_indices = @transform_7, window_bounds = array<i64: 1, 128, 128>}, {transform_indices = @transform_8, window_bounds = array<i64: 1, 128, 128>}]} {
    %get3A = arith.constant 0 : index
    %get3A_0 = arith.constant 0 : index
    %get3A_1 = vector.load %arg3[%get3A, %get3A_0] : memref<1x128xf32, #tpu.memory_space<vmem>>, vector<1x128xf32>
    %mul3A = arith.mulf %get3A_1, %get3A_1 : vector<1x128xf32>
    %reduce_sum3A = vector.shape_cast %mul3A : vector<1x128xf32> to vector<1x1x128xf32>
    %reduce_sum3A_2 = arith.constant dense<0.000000e+00> : vector<1xf32>
    %reduce_sum3A_3 = vector.multi_reduction <add>, %reduce_sum3A, %reduce_sum3A_2 [1, 2] : vector<1x1x128xf32> to vector<1xf32>
    %reduce_sum3A_4 = vector.shape_cast %reduce_sum3A_3 : vector<1xf32> to vector<1x1x1xf32>
    %reduce_sum3A_5 = vector.extract %reduce_sum3A_4[0, 0, 0] : f32 from vector<1x1x1xf32>
    %sqrt3A = math.sqrt %reduce_sum3A_5 : f32
    %add3A = arith.constant 1.000000e-16 : f32
    %add3A_6 = arith.addf %sqrt3A, %add3A : f32
    %get3A_7 = arith.constant 0 : index
    %get3A_8 = arith.constant 0 : index
    %get3A_9 = arith.constant 0 : index
    %get3A_10 = vector.load %arg2[%get3A_7, %get3A_8, %get3A_9] : memref<1x128x1xf32, #tpu.memory_space<vmem>>, vector<1x128x1xf32>
    %get3A_11 = vector.shape_cast %get3A_10 : vector<1x128x1xf32> to vector<128x1xf32>
    %div3A = vector.broadcast %add3A_6 : f32 to vector<128x1xf32>
    %div3A_12 = arith.divf %get3A_11, %div3A : vector<128x1xf32>
    %tanh3A = math.tanh %div3A_12 : vector<128x1xf32>
    %get3A_13 = arith.constant 0 : index
    %get3A_14 = arith.constant 0 : index
    %get3A_15 = arith.constant 0 : index
    %get3A_16 = vector.load %arg1[%get3A_13, %get3A_14, %get3A_15] : memref<1x128x128xf32, #tpu.memory_space<vmem>>, vector<1x128x128xf32>
    %get3A_17 = vector.shape_cast %get3A_16 : vector<1x128x128xf32> to vector<128x128xf32>
    %mul3A_18 = vector.broadcast %tanh3A : vector<128x1xf32> to vector<128x128xf32>
    %mul3A_19 = arith.mulf %get3A_17, %mul3A_18 : vector<128x128xf32>
    %eq3A = arith.constant 0 : i32
    %eq3A_20 = arith.cmpi eq, %arg0, %eq3A : i32
    %convert_element_type3A = arith.extui %eq3A_20 : i1 to i32
    %cond3A = arith.constant 0 : i32
    %cond3A_21 = arith.cmpi ne, %convert_element_type3A, %cond3A : i32
    scf.if %cond3A_21 {
      %get3A_78 = arith.constant 0 : index
      %get3A_79 = arith.constant 0 : index
      %get3A_80 = arith.constant 0 : index
      %get3A_81 = vector.load %arg8[%get3A_78, %get3A_79, %get3A_80] : memref<1x128x128xf32, #tpu.memory_space<vmem>>, vector<1x128x128xf32>
      %get3A_82 = vector.shape_cast %get3A_81 : vector<1x128x128xf32> to vector<128x128xf32>
      %swap3A_83 = arith.constant 0 : index
      %swap3A_84 = arith.constant 0 : index
      %swap3A_85 = vector.load %arg10[%swap3A_83, %swap3A_84] : memref<128x128xf32, #tpu.memory_space<vmem>>, vector<128x128xf32>
      tpu.vector_store %arg10[%swap3A_83, %swap3A_84], %get3A_82 {strides = array<i32>} : memref<128x128xf32, #tpu.memory_space<vmem>>, vector<128x128xf32>,
    } else {
    }
    %get3A_22 = arith.constant 0 : index
    %get3A_23 = arith.constant 0 : index
    %get3A_24 = vector.load %arg10[%get3A_22, %get3A_23] : memref<128x128xf32, #tpu.memory_space<vmem>>, vector<128x128xf32>
    %get3A_25 = arith.constant 0 : index
    %get3A_26 = arith.constant 0 : index
    %get3A_27 = vector.load %arg4[%get3A_25, %get3A_26] : memref<128x384xf32, #tpu.memory_space<vmem>>, vector<128x384xf32>
    %dot_general3A = arith.constant dense<0.000000e+00> : vector<128x384xf32>
    %dot_general3A_28 = tpu.matmul %mul3A_19, %get3A_27, %dot_general3A {dimension_numbers = #tpu.dot_dimension_numbers<[1], [0], [0], [1], [0, 0, 1, 1], [], []>, transpose_lhs_hint = false} : vector<128x128xf32>, vector<128x384xf32>, vector<128x384xf32> -> vector<128x384xf32>
    %get3A_29 = arith.constant 0 : index
    %get3A_30 = arith.constant 0 : index
    %get3A_31 = vector.load %arg6[%get3A_29, %get3A_30] : memref<1x384xf32, #tpu.memory_space<vmem>>, vector<1x384xf32>
    %add3A_32 = vector.broadcast %get3A_31 : vector<1x384xf32> to vector<128x384xf32>
    %add3A_33 = arith.addf %dot_general3A_28, %add3A_32 : vector<128x384xf32>
    %get3A_34 = arith.constant 0 : index
    %get3A_35 = arith.constant 0 : index
    %get3A_36 = vector.load %arg5[%get3A_34, %get3A_35] : memref<128x384xf32, #tpu.memory_space<vmem>>, vector<128x384xf32>
    %dot_general3A_37 = arith.constant dense<0.000000e+00> : vector<128x384xf32>
    %dot_general3A_38 = tpu.matmul %get3A_24, %get3A_36, %dot_general3A_37 {dimension_numbers = #tpu.dot_dimension_numbers<[1], [0], [0], [1], [0, 0, 1, 1], [], []>, transpose_lhs_hint = false} : vector<128x128xf32>, vector<128x384xf32>, vector<128x384xf32> -> vector<128x384xf32>
    %get3A_39 = arith.constant 0 : index
    %get3A_40 = arith.constant 0 : index
    %get3A_41 = vector.load %arg7[%get3A_39, %get3A_40] : memref<1x384xf32, #tpu.memory_space<vmem>>, vector<1x384xf32>
    %add3A_42 = vector.broadcast %get3A_41 : vector<1x384xf32> to vector<128x384xf32>
    %add3A_43 = arith.addf %dot_general3A_38, %add3A_42 : vector<128x384xf32>
    %slice3A = vector.extract_strided_slice %add3A_33 {offsets = [0, 0], sizes = [128, 128], strides = [1, 1]} : vector<128x384xf32> to vector<128x128xf32>
    %slice3A_44 = vector.extract_strided_slice %add3A_43 {offsets = [0, 0], sizes = [128, 128], strides = [1, 1]} : vector<128x384xf32> to vector<128x128xf32>
    %add3A_45 = arith.addf %slice3A, %slice3A_44 : vector<128x128xf32>
    %logistic3A = arith.negf %add3A_45 : vector<128x128xf32>
    %logistic3A_46 = math.exp %logistic3A : vector<128x128xf32>
    %logistic3A_47 = arith.constant 1.000000e+00 : f32
    %logistic3A_48 = vector.broadcast %logistic3A_47 : f32 to vector<128x128xf32>
    %logistic3A_49 = arith.addf %logistic3A_48, %logistic3A_46 : vector<128x128xf32>
    %logistic3A_50 = arith.divf %logistic3A_48, %logistic3A_49 : vector<128x128xf32>
    %slice3A_51 = vector.extract_strided_slice %add3A_33 {offsets = [0, 128], sizes = [128, 128], strides = [1, 1]} : vector<128x384xf32> to vector<128x128xf32>
    %slice3A_52 = vector.extract_strided_slice %add3A_43 {offsets = [0, 128], sizes = [128, 128], strides = [1, 1]} : vector<128x384xf32> to vector<128x128xf32>
    %add3A_53 = arith.addf %slice3A_51, %slice3A_52 : vector<128x128xf32>
    %logistic3A_54 = arith.negf %add3A_53 : vector<128x128xf32>
    %logistic3A_55 = math.exp %logistic3A_54 : vector<128x128xf32>
    %logistic3A_56 = arith.constant 1.000000e+00 : f32
    %logistic3A_57 = vector.broadcast %logistic3A_56 : f32 to vector<128x128xf32>
    %logistic3A_58 = arith.addf %logistic3A_57, %logistic3A_55 : vector<128x128xf32>
    %logistic3A_59 = arith.divf %logistic3A_57, %logistic3A_58 : vector<128x128xf32>
    %slice3A_60 = vector.extract_strided_slice %add3A_33 {offsets = [0, 256], sizes = [128, 128], strides = [1, 1]} : vector<128x384xf32> to vector<128x128xf32>
    %slice3A_61 = vector.extract_strided_slice %add3A_43 {offsets = [0, 256], sizes = [128, 128], strides = [1, 1]} : vector<128x384xf32> to vector<128x128xf32>
    %mul3A_62 = arith.mulf %logistic3A_50, %slice3A_61 : vector<128x128xf32>
    %add3A_63 = arith.addf %slice3A_60, %mul3A_62 : vector<128x128xf32>
    %tanh3A_64 = math.tanh %add3A_63 : vector<128x128xf32>
    %sub3A = arith.constant 1.000000e+00 : f32
    %sub3A_65 = vector.broadcast %sub3A : f32 to vector<128x128xf32>
    %sub3A_66 = arith.subf %sub3A_65, %logistic3A_59 : vector<128x128xf32>
    %mul3A_67 = arith.mulf %sub3A_66, %tanh3A_64 : vector<128x128xf32>
    %mul3A_68 = arith.mulf %logistic3A_59, %get3A_24 : vector<128x128xf32>
    %add3A_69 = arith.addf %mul3A_67, %mul3A_68 : vector<128x128xf32>
    %swap3A = arith.constant 0 : index
    %swap3A_70 = arith.constant 0 : index
    %swap3A_71 = vector.load %arg10[%swap3A, %swap3A_70] : memref<128x128xf32, #tpu.memory_space<vmem>>, vector<128x128xf32>
    tpu.vector_store %arg10[%swap3A, %swap3A_70], %add3A_69 {strides = array<i32>} : memref<128x128xf32, #tpu.memory_space<vmem>>, vector<128x128xf32>,
    %swap3A_72 = arith.constant 0 : index
    %swap3A_73 = arith.constant 0 : index
    %swap3A_74 = arith.constant 0 : index
    %swap3A_75 = vector.load %arg9[%swap3A_72, %swap3A_73, %swap3A_74] : memref<1x128x128xf32, #tpu.memory_space<vmem>>, vector<1x128x128xf32>
    %swap3A_76 = vector.shape_cast %swap3A_75 : vector<1x128x128xf32> to vector<128x128xf32>
    %swap3A_77 = vector.shape_cast %add3A_69 : vector<128x128xf32> to vector<1x128x128xf32>
    tpu.vector_store %arg9[%swap3A_72, %swap3A_73, %swap3A_74], %swap3A_77 {strides = array<i32>} : memref<1x128x128xf32, #tpu.memory_space<vmem>>, vector<1x128x128xf32>,
    return
  }
  func.func @transform_0(%arg0: i32) -> (i32, i32, i32) {
    %c0_i32 = arith.constant 0 : i32
    %c0_i32_0 = arith.constant 0 : i32
    %c0_i32_1 = arith.constant 0 : i32
    return %arg0, %c0_i32, %c0_i32_0 : i32, i32, i32
  }
  func.func @transform_1(%arg0: i32) -> (i32, i32, i32) {
    %c0_i32 = arith.constant 0 : i32
    %c0_i32_0 = arith.constant 0 : i32
    %c0_i32_1 = arith.constant 0 : i32
    return %arg0, %c0_i32, %c0_i32_0 : i32, i32, i32
  }
  func.func @transform_2(%arg0: i32) -> (i32, i32) {
    %c0_i32 = arith.constant 0 : i32
    %c0_i32_0 = arith.constant 0 : i32
    %c0_i32_1 = arith.constant 0 : i32
    return %c0_i32, %c0_i32_0 : i32, i32
  }
  func.func @transform_3(%arg0: i32) -> (i32, i32) {
    %c0_i32 = arith.constant 0 : i32
    %c0_i32_0 = arith.constant 0 : i32
    %c0_i32_1 = arith.constant 0 : i32
    return %c0_i32, %c0_i32_0 : i32, i32
  }
  func.func @transform_4(%arg0: i32) -> (i32, i32) {
    %c0_i32 = arith.constant 0 : i32
    %c0_i32_0 = arith.constant 0 : i32
    %c0_i32_1 = arith.constant 0 : i32
    return %c0_i32, %c0_i32_0 : i32, i32
  }
  func.func @transform_5(%arg0: i32) -> (i32, i32) {
    %c0_i32 = arith.constant 0 : i32
    %c0_i32_0 = arith.constant 0 : i32
    %c0_i32_1 = arith.constant 0 : i32
    return %c0_i32, %c0_i32_0 : i32, i32
  }
  func.func @transform_6(%arg0: i32) -> (i32, i32) {
    %c0_i32 = arith.constant 0 : i32
    %c0_i32_0 = arith.constant 0 : i32
    %c0_i32_1 = arith.constant 0 : i32
    return %c0_i32, %c0_i32_0 : i32, i32
  }
  func.func @transform_7(%arg0: i32) -> (i32, i32, i32) {
    %c0_i32 = arith.constant 0 : i32
    %c0_i32_0 = arith.constant 0 : i32
    %c0_i32_1 = arith.constant 0 : i32
    %c0_i32_2 = arith.constant 0 : i32
    return %c0_i32, %c0_i32_0, %c0_i32_1 : i32, i32, i32
  }
  func.func @transform_8(%arg0: i32) -> (i32, i32, i32) {
    %c0_i32 = arith.constant 0 : i32
    %c0_i32_0 = arith.constant 0 : i32
    %c0_i32_1 = arith.constant 0 : i32
    return %arg0, %c0_i32, %c0_i32_0 : i32, i32, i32
  }
}

module attributes {stable_mosaic.version = 14 : i64} {
  func.func @_mega_body(%arg0: i32, %arg1: i32, %arg2: memref<1x512x4096xf32, #tpu.memory_space<vmem>>, %arg3: memref<1x4096x128xf32, #tpu.memory_space<vmem>>, %arg4: memref<1x128x128xf32, #tpu.memory_space<vmem>>, %arg5: memref<1x512x128xf32, #tpu.memory_space<vmem>>, %arg6: memref<4096x4096xbf16, #tpu.memory_space<vmem>>, %arg7: memref<2x4096x1xf32, #tpu.memory_space<vmem>>, %arg8: memref<4096x128xf32, #tpu.memory_space<vmem>>, %arg9: memref<4096x128xbf16, #tpu.memory_space<vmem>>) attributes {dimension_semantics = [#tpu.dimension_semantics<arbitrary>, #tpu.dimension_semantics<arbitrary>], iteration_bounds = array<i64: 4, 8>, scalar_prefetch = 0 : i64, scratch_operands = 4 : i64, tpu.core_type = #tpu.core_type<tc>, window_params = [{transform_indices = @transform_0, window_bounds = array<i64: 1, 512, 4096>}, {transform_indices = @transform_1, window_bounds = array<i64: 1, 4096, 128>}, {transform_indices = @transform_2, window_bounds = array<i64: 1, 128, 128>}, {transform_indices = @transform_3, window_bounds = array<i64: 1, 512, 128>}]} {
    %gt3A = arith.constant 0 : i32
    %gt3A_0 = arith.cmpi sgt, %arg0, %gt3A : i32
    %eq3A = arith.constant 0 : i32
    %eq3A_1 = arith.cmpi eq, %arg1, %eq3A : i32
    %and3A = arith.andi %gt3A_0, %eq3A_1 : i1
    %convert_element_type3A = arith.extui %and3A : i1 to i32
    %cond3A = arith.constant 0 : i32
    %cond3A_2 = arith.cmpi ne, %convert_element_type3A, %cond3A : i32
    scf.if %cond3A_2 {
      %sub3A = arith.constant 1 : i32
      %sub3A_12 = arith.subi %arg0, %sub3A : i32
      %jit3A = arith.constant 2 : i32
      %eq3A_13 = arith.constant 0 : i32
      %eq3A_14 = arith.cmpi eq, %jit3A, %eq3A_13 : i32
      %jit3A_15 = arith.constant 1 : i32
      %select_n3A = arith.select %eq3A_14, %jit3A_15, %jit3A : i32
      %rem3A = arith.remsi %sub3A_12, %select_n3A : i32
      %ne3A = arith.constant 0 : i32
      %ne3A_16 = arith.cmpi ne, %rem3A, %ne3A : i32
      %lt3A_17 = arith.constant 0 : i32
      %lt3A_18 = arith.cmpi slt, %rem3A, %lt3A_17 : i32
      %lt3A_19 = arith.constant 0 : i32
      %lt3A_20 = arith.cmpi slt, %select_n3A, %lt3A_19 : i32
      %ne3A_21 = arith.xori %lt3A_18, %lt3A_20 : i1
      %and3A_22 = arith.andi %ne3A_21, %ne3A_16 : i1
      %add3A = arith.addi %rem3A, %select_n3A : i32
      %select_n3A_23 = arith.select %and3A_22, %add3A, %rem3A : i32
      %get3A = arith.index_cast %select_n3A_23 : i32 to index
      %get3A_24 = arith.constant 0 : index
      %get3A_25 = arith.constant 0 : index
      %get3A_26 = vector.load %arg7[%get3A, %get3A_24, %get3A_25] : memref<2x4096x1xf32, #tpu.memory_space<vmem>>, vector<1x4096x1xf32>
      %get3A_27 = vector.shape_cast %get3A_26 : vector<1x4096x1xf32> to vector<4096x1xf32>
      %get3A_28 = arith.constant 0 : index
      %get3A_29 = arith.constant 0 : index
      %get3A_30 = arith.constant 0 : index
      %get3A_31 = vector.load %arg3[%get3A_28, %get3A_29, %get3A_30] : memref<1x4096x128xf32, #tpu.memory_space<vmem>>, vector<1x4096x128xf32>
      %get3A_32 = vector.shape_cast %get3A_31 : vector<1x4096x128xf32> to vector<4096x128xf32>
      %mul3A = vector.broadcast %get3A_27 : vector<4096x1xf32> to vector<4096x128xf32>
      %mul3A_33 = arith.mulf %mul3A, %get3A_32 : vector<4096x128xf32>
      %swap3A = arith.constant 0 : index
      %swap3A_34 = arith.constant 0 : index
      %swap3A_35 = vector.load %arg8[%swap3A, %swap3A_34] : memref<4096x128xf32, #tpu.memory_space<vmem>>, vector<4096x128xf32>
      tpu.vector_store %arg8[%swap3A, %swap3A_34], %mul3A_33 {strides = array<i32>} : memref<4096x128xf32, #tpu.memory_space<vmem>>, vector<4096x128xf32>,
      %convert_element_type3A_36 = arith.truncf %mul3A_33 : vector<4096x128xf32> to vector<4096x128xbf16>
      %swap3A_37 = arith.constant 0 : index
      %swap3A_38 = arith.constant 0 : index
      %swap3A_39 = vector.load %arg9[%swap3A_37, %swap3A_38] : memref<4096x128xbf16, #tpu.memory_space<vmem>>, vector<4096x128xbf16>
      tpu.vector_store %arg9[%swap3A_37, %swap3A_38], %convert_element_type3A_36 {strides = array<i32>} : memref<4096x128xbf16, #tpu.memory_space<vmem>>, vector<4096x128xbf16>,
    } else {
    }
    %gt3A_3 = arith.constant 0 : i32
    %gt3A_4 = arith.cmpi sgt, %arg0, %gt3A_3 : i32
    %convert_element_type3A_5 = arith.extui %gt3A_4 : i1 to i32
    %cond3A_6 = arith.constant 0 : i32
    %cond3A_7 = arith.cmpi ne, %convert_element_type3A_5, %cond3A_6 : i32
    scf.if %cond3A_7 {
      %mul3A = arith.constant 512 : i32
      %mul3A_12 = arith.muli %arg1, %mul3A : i32
      %get3A = arith.index_cast %mul3A_12 : i32 to index
      %get3A_13 = arith.constant 0 : index
      %get3A_14 = vector.load %arg6[%get3A, %get3A_13] : memref<4096x4096xbf16, #tpu.memory_space<vmem>>, vector<512x4096xbf16>
      %get3A_15 = arith.constant 0 : index
      %get3A_16 = arith.constant 0 : index
      %get3A_17 = vector.load %arg9[%get3A_15, %get3A_16] : memref<4096x128xbf16, #tpu.memory_space<vmem>>, vector<4096x128xbf16>
      %dot_general3A = arith.constant dense<0.000000e+00> : vector<512x128xf32>
      %dot_general3A_18 = tpu.matmul %get3A_14, %get3A_17, %dot_general3A {dimension_numbers = #tpu.dot_dimension_numbers<[1], [0], [0], [1], [0, 0, 1, 1], [], []>, transpose_lhs_hint = false} : vector<512x4096xbf16>, vector<4096x128xbf16>, vector<512x128xf32> -> vector<512x128xf32>
      %mul3A_19 = arith.constant 512 : i32
      %mul3A_20 = arith.muli %arg1, %mul3A_19 : i32
      %get3A_21 = arith.index_cast %mul3A_20 : i32 to index
      %get3A_22 = arith.constant 0 : index
      %get3A_23 = vector.load %arg8[%get3A_21, %get3A_22] : memref<4096x128xf32, #tpu.memory_space<vmem>>, vector<512x128xf32>
      %sub3A = arith.constant 1 : i32
      %sub3A_24 = arith.subi %arg0, %sub3A : i32
      %jit3A = arith.constant 2 : i32
      %eq3A_25 = arith.constant 0 : i32
      %eq3A_26 = arith.cmpi eq, %jit3A, %eq3A_25 : i32
      %jit3A_27 = arith.constant 1 : i32
      %select_n3A = arith.select %eq3A_26, %jit3A_27, %jit3A : i32
      %rem3A = arith.remsi %sub3A_24, %select_n3A : i32
      %ne3A = arith.constant 0 : i32
      %ne3A_28 = arith.cmpi ne, %rem3A, %ne3A : i32
      %lt3A_29 = arith.constant 0 : i32
      %lt3A_30 = arith.cmpi slt, %rem3A, %lt3A_29 : i32
      %lt3A_31 = arith.constant 0 : i32
      %lt3A_32 = arith.cmpi slt, %select_n3A, %lt3A_31 : i32
      %ne3A_33 = arith.xori %lt3A_30, %lt3A_32 : i1
      %and3A_34 = arith.andi %ne3A_33, %ne3A_28 : i1
      %add3A = arith.addi %rem3A, %select_n3A : i32
      %select_n3A_35 = arith.select %and3A_34, %add3A, %rem3A : i32
      %mul3A_36 = arith.constant 512 : i32
      %mul3A_37 = arith.muli %arg1, %mul3A_36 : i32
      %get3A_38 = arith.index_cast %select_n3A_35 : i32 to index
      %get3A_39 = arith.index_cast %mul3A_37 : i32 to index
      %get3A_40 = arith.constant 0 : index
      %get3A_41 = vector.load %arg7[%get3A_38, %get3A_39, %get3A_40] : memref<2x4096x1xf32, #tpu.memory_space<vmem>>, vector<1x512x1xf32>
      %get3A_42 = vector.shape_cast %get3A_41 : vector<1x512x1xf32> to vector<512x1xf32>
      %add3A_43 = arith.addf %dot_general3A_18, %get3A_23 : vector<512x128xf32>
      %get3A_44 = arith.constant 0 : index
      %get3A_45 = arith.constant 0 : index
      %get3A_46 = arith.constant 0 : index
      %get3A_47 = vector.load %arg4[%get3A_44, %get3A_45, %get3A_46] : memref<1x128x128xf32, #tpu.memory_space<vmem>>, vector<1x128x128xf32>
      %get3A_48 = vector.shape_cast %get3A_47 : vector<1x128x128xf32> to vector<128x128xf32>
      %dot_general3A_49 = arith.constant dense<0.000000e+00> : vector<512x128xf32>
      %dot_general3A_50 = tpu.matmul %add3A_43, %get3A_48, %dot_general3A_49 {dimension_numbers = #tpu.dot_dimension_numbers<[1], [0], [0], [1], [0, 0, 1, 1], [], []>, transpose_lhs_hint = false} : vector<512x128xf32>, vector<128x128xf32>, vector<512x128xf32> -> vector<512x128xf32>
      %mul3A_51 = vector.broadcast %get3A_42 : vector<512x1xf32> to vector<512x128xf32>
      %mul3A_52 = arith.mulf %mul3A_51, %dot_general3A_50 : vector<512x128xf32>
      %swap3A = arith.constant 0 : index
      %swap3A_53 = arith.constant 0 : index
      %swap3A_54 = arith.constant 0 : index
      %swap3A_55 = vector.load %arg5[%swap3A, %swap3A_53, %swap3A_54] : memref<1x512x128xf32, #tpu.memory_space<vmem>>, vector<1x512x128xf32>
      %swap3A_56 = vector.shape_cast %swap3A_55 : vector<1x512x128xf32> to vector<512x128xf32>
      %swap3A_57 = vector.shape_cast %mul3A_52 : vector<512x128xf32> to vector<1x512x128xf32>
      tpu.vector_store %arg5[%swap3A, %swap3A_53, %swap3A_54], %swap3A_57 {strides = array<i32>} : memref<1x512x128xf32, #tpu.memory_space<vmem>>, vector<1x512x128xf32>,
    } else {
    }
    %lt3A = arith.constant 3 : i32
    %lt3A_8 = arith.cmpi slt, %arg0, %lt3A : i32
    %convert_element_type3A_9 = arith.extui %lt3A_8 : i1 to i32
    %cond3A_10 = arith.constant 0 : i32
    %cond3A_11 = arith.cmpi ne, %convert_element_type3A_9, %cond3A_10 : i32
    scf.if %cond3A_11 {
      %get3A = arith.constant 0 : index
      %get3A_12 = arith.constant 0 : index
      %get3A_13 = arith.constant 0 : index
      %get3A_14 = vector.load %arg2[%get3A, %get3A_12, %get3A_13] : memref<1x512x4096xf32, #tpu.memory_space<vmem>>, vector<1x512x4096xf32>
      %get3A_15 = vector.shape_cast %get3A_14 : vector<1x512x4096xf32> to vector<512x4096xf32>
      %reduce_sum3A = arith.constant dense<0.000000e+00> : vector<512xf32>
      %reduce_sum3A_16 = vector.multi_reduction <add>, %get3A_15, %reduce_sum3A [1] : vector<512x4096xf32> to vector<512xf32>
      %broadcast_in_dim3A = vector.shape_cast %reduce_sum3A_16 : vector<512xf32> to vector<512x1xf32>
      %add3A = arith.constant 1.000000e+00 : f32
      %add3A_17 = vector.broadcast %add3A : f32 to vector<512x1xf32>
      %add3A_18 = arith.addf %broadcast_in_dim3A, %add3A_17 : vector<512x1xf32>
      %gt3A_19 = arith.constant 0.000000e+00 : f32
      %gt3A_20 = vector.broadcast %gt3A_19 : f32 to vector<512x1xf32>
      %gt3A_21 = arith.cmpf ogt, %add3A_18, %gt3A_20 : vector<512x1xf32>
      %rsqrt3A = math.rsqrt %add3A_18 : vector<512x1xf32>
      %jit3A = arith.constant 0.000000e+00 : f32
      %broadcast_in_dim3A_22 = vector.broadcast %jit3A : f32 to vector<512x1xf32>
      %select_n3A = arith.select %gt3A_21, %rsqrt3A, %broadcast_in_dim3A_22 : vector<512x1xi1>, vector<512x1xf32>
      %jit3A_23 = arith.constant 2 : i32
      %eq3A_24 = arith.constant 0 : i32
      %eq3A_25 = arith.cmpi eq, %jit3A_23, %eq3A_24 : i32
      %jit3A_26 = arith.constant 1 : i32
      %select_n3A_27 = arith.select %eq3A_25, %jit3A_26, %jit3A_23 : i32
      %rem3A = arith.remsi %arg0, %select_n3A_27 : i32
      %ne3A = arith.constant 0 : i32
      %ne3A_28 = arith.cmpi ne, %rem3A, %ne3A : i32
      %lt3A_29 = arith.constant 0 : i32
      %lt3A_30 = arith.cmpi slt, %rem3A, %lt3A_29 : i32
      %lt3A_31 = arith.constant 0 : i32
      %lt3A_32 = arith.cmpi slt, %select_n3A_27, %lt3A_31 : i32
      %ne3A_33 = arith.xori %lt3A_30, %lt3A_32 : i1
      %and3A_34 = arith.andi %ne3A_33, %ne3A_28 : i1
      %add3A_35 = arith.addi %rem3A, %select_n3A_27 : i32
      %select_n3A_36 = arith.select %and3A_34, %add3A_35, %rem3A : i32
      %mul3A = arith.constant 512 : i32
      %mul3A_37 = arith.muli %arg1, %mul3A : i32
      %swap3A = arith.index_cast %select_n3A_36 : i32 to index
      %swap3A_38 = arith.index_cast %mul3A_37 : i32 to index
      %swap3A_39 = arith.constant 0 : index
      %swap3A_40 = vector.load %arg7[%swap3A, %swap3A_38, %swap3A_39] : memref<2x4096x1xf32, #tpu.memory_space<vmem>>, vector<1x512x1xf32>
      %swap3A_41 = vector.shape_cast %swap3A_40 : vector<1x512x1xf32> to vector<512x1xf32>
      %swap3A_42 = vector.shape_cast %select_n3A : vector<512x1xf32> to vector<1x512x1xf32>
      tpu.vector_store %arg7[%swap3A, %swap3A_38, %swap3A_39], %swap3A_42 {strides = array<i32>} : memref<2x4096x1xf32, #tpu.memory_space<vmem>>, vector<1x512x1xf32>,
      %convert_element_type3A_43 = arith.truncf %get3A_15 : vector<512x4096xf32> to vector<512x4096xbf16>
      %mul3A_44 = arith.constant 512 : i32
      %mul3A_45 = arith.muli %arg1, %mul3A_44 : i32
      %swap3A_46 = arith.index_cast %mul3A_45 : i32 to index
      %swap3A_47 = arith.constant 0 : index
      %swap3A_48 = vector.load %arg6[%swap3A_46, %swap3A_47] : memref<4096x4096xbf16, #tpu.memory_space<vmem>>, vector<512x4096xbf16>
      tpu.vector_store %arg6[%swap3A_46, %swap3A_47], %convert_element_type3A_43 {strides = array<i32>} : memref<4096x4096xbf16, #tpu.memory_space<vmem>>, vector<512x4096xbf16>,
    } else {
    }
    return
  }
  func.func @transform_0(%arg0: i32, %arg1: i32) -> (i32, i32, i32) {
    %min3A = arith.constant 2 : i32
    %min3A_0 = arith.minsi %arg0, %min3A : i32
    %lt3A = arith.constant 3 : i32
    %lt3A_1 = arith.cmpi slt, %arg0, %lt3A : i32
    %jit3A = arith.constant 7 : i32
    %select_n3A = arith.select %lt3A_1, %arg1, %jit3A : i32
    %c0_i32 = arith.constant 0 : i32
    %c0_i32_2 = arith.constant 0 : i32
    return %min3A_0, %select_n3A, %c0_i32 : i32, i32, i32
  }
  func.func @transform_1(%arg0: i32, %arg1: i32) -> (i32, i32, i32) {
    %sub3A = arith.constant 1 : i32
    %sub3A_0 = arith.subi %arg0, %sub3A : i32
    %max3A = arith.constant 0 : i32
    %max3A_1 = arith.maxsi %sub3A_0, %max3A : i32
    %c0_i32 = arith.constant 0 : i32
    %c0_i32_2 = arith.constant 0 : i32
    %c0_i32_3 = arith.constant 0 : i32
    return %max3A_1, %c0_i32, %c0_i32_2 : i32, i32, i32
  }
  func.func @transform_2(%arg0: i32, %arg1: i32) -> (i32, i32, i32) {
    %sub3A = arith.constant 1 : i32
    %sub3A_0 = arith.subi %arg0, %sub3A : i32
    %max3A = arith.constant 0 : i32
    %max3A_1 = arith.maxsi %sub3A_0, %max3A : i32
    %c0_i32 = arith.constant 0 : i32
    %c0_i32_2 = arith.constant 0 : i32
    %c0_i32_3 = arith.constant 0 : i32
    return %max3A_1, %c0_i32, %c0_i32_2 : i32, i32, i32
  }
  func.func @transform_3(%arg0: i32, %arg1: i32) -> (i32, i32, i32) {
    %sub3A = arith.constant 1 : i32
    %sub3A_0 = arith.subi %arg0, %sub3A : i32
    %max3A = arith.constant 0 : i32
    %max3A_1 = arith.maxsi %sub3A_0, %max3A : i32
    %gt3A = arith.constant 0 : i32
    %gt3A_2 = arith.cmpi sgt, %arg0, %gt3A : i32
    %jit3A = arith.constant 0 : i32
    %select_n3A = arith.select %gt3A_2, %arg1, %jit3A : i32
    %c0_i32 = arith.constant 0 : i32
    %c0_i32_3 = arith.constant 0 : i32
    return %max3A_1, %select_n3A, %c0_i32 : i32, i32, i32
  }
}

</mosaic_0001>

<sc_bundles>
// kernel: _impl.6.cloned.1.call-start
scs
__scs_entry_jumppad:
0x0: {  	(pc) =	sbr.rel $0x88, $3  }
0x1: {  	(tag) =	ssettag $0x0;
	lr =	simm.s32 $0x1  }
0x2: {  	[smem:$0x3F99] =	sst lr;
	_ =	strace $0xD0000000  }
0x3: {  	_ = 	snop  }
0x4: {  	_ = 	snop  }
0x5: {  	_ = 	snop  }
0x6: {  	_ = 	snop  }
0x7: {  	_ = 	snop  }
__scs_overlays_trampoline_lowered:
0x8: {  	[smem:$0x3FA8] =	sst s0  }
0x9: {  	[smem:$0x3FA9] =	sst s1  }
0xa: {  	[smem:$0x3FAA] =	sst s2  }
0xb: {  	[smem:$0x3FAB] =	sst s3  }
0xc: {  	[smem:$0x3FAC] =	sst s4  }
0xd: {  	[smem:$0x3FAD] =	sst s5  }
0xe: {  	[smem:$0x3FAE] =	sst s6  }
0xf: {  	[smem:$0x3FAF] =	sst s7  }
0x10: {  	[smem:$0x3FB0] =	sst s8  }
0x11: {  	[smem:$0x3FB1] =	sst s9;
	s0 =	simm.s32 @!p0 $0x0  }
0x12: {  	s1 =	sld [smem:$0x3F97];
	s0 =	simm.s32 @p0 $0x1  }
0x13: {  	[smem:$0x3FB2] =	sst s0;
	s0 =	simm.s32 @!p1 $0x0  }
0x14: {  	s2 =	sld [smem:$0x3F96];
	s0 =	simm.s32 @p1 $0x1  }
0x15: {  	[smem:$0x3FB3] =	sst s0;
	s0 =	simm.s32 @!p2 $0x0  }
0x16: {  	s3 =	sld [smem:$0x3FDB];
	s0 =	simm.s32 @p2 $0x1  }
0x17: {  	s4 =	simm.s32 $0x1BF5;
	[smem:$0x3FB5] =	sst s0  }
0x18: {  	s0 =	sld [smem:$0x3F98];
	_ =	swait.ge [sflag:s4], $0x0  }
0x19: {  	s7 =	sld [smem:$0x3F99]  }
0x1a: {  	s8 =	sadd.s32 $0xFFFFE003, lr  }
0x1b: {  	s9 =	sadd.s32 $0xFFFFFEF7, lr;
	s5 =	simm.s32 $0xFFFFFFFF;
	p2 =	slt.u32 s8, $0xFFFFF086  }
0x1c: {  	p1 =	slt.u32 s9, $0xF7A;
	s5 =	simm.s32 @!p2 $0x0  }
0x1d: {  	s5 =	simm.s32 @p1 $0x1;
	p0 =	seq.s32 s7, s2  }
0x1e: {  	s7 =	smul.u32 @!p0 $0xF7A, s2;
	p2 =	seq.s32 @!p0 s5, $0x0  }
0x1f: {  	s9 =	smul.u32 $0xF7A, s1;
	s8 =	simm.s32 @!p0 $0x1BF5;
	p2 =	por !p2, p0  }
0x20: {  	[sflag:s8] =	ssyncset.s32 @!p0 $0xFFFFF086;
	s6 =	sadd.s32 @!p0 s3, s7;
	s7 =	simm.s32 @!p0 $0x108  }
0x21: {  	s3 =	sadd.s32 s3, s9;
	s6 =	sadd.s32 @!p0 $0x88, s6;
	s7 =	simm.s32 @p2 $0x1082  }
0x22: {  	[simem:s7], [sflag:s8] =	dma.local @!p0 [hbm:s6], $0xF7A  }
0x23: {  	s9 =	sor.u32 $0xD0000000, s2;
	s6 =	simm.s32 $0x108;
	_ =	swait.ge @!p0 [sflag:s8], $0x0  }
0x24: {  	s3 =	sadd.s32 $0x88, s3;
	s6 =	simm.s32 @!p1 $0x1082;
	[sflag:s4] =	ssyncset.s32 $0xFFFFF086  }
0x25: {  	[simem:s6], [sflag:s4] =	dma.local [hbm:s3], $0xF7A  }
0x26: {  	[smem:$0x3F99] =	sst s1;
	(tag) =	ssettag s2;
	_ =	strace s9  }
0x27: {  	s1 =	sld [smem:$0x3FA9]  }
0x28: {  	s2 =	sld [smem:$0x3FAA]  }
0x29: {  	s4 =	sld [smem:$0x3FAC]  }
0x2a: {  	p0 =	seq.s32 s5, $0x0;
	s5 =	sld [smem:$0x3FAD]  }
0x2b: {  	s6 =	sld [smem:$0x3FAE]  }
0x2c: {  	s7 =	sld [smem:$0x3FAF]  }
0x2d: {  	s3 =	simm.s32 $0x108;
	s8 =	sld [smem:$0x3FB0]  }
0x2e: {  	s3 =	simm.s32 @!p0 $0x1082;
	s9 =	sld [smem:$0x3FB1]  }
0x2f: {  	lr =	sadd.s32 s0, s3;
	s0 =	sld [smem:$0x3FA8]  }
0x30: {  	s3 =	sld [smem:$0x3FAB]  }
0x31: {  	[smem:$0x3FB4] =	sst s10  }
0x32: {  	s10 =	sld [smem:$0x3FB2];
	_ =	sdelay $0x3  }
0x33: {  	p0 =	seq.s32 s10, $0x1;
	s10 =	sld [smem:$0x3FB4];
	_ =	sdelay $0x3  }
0x34: {  	[smem:$0x3FB4] =	sst s10  }
0x35: {  	s10 =	sld [smem:$0x3FB3];
	_ =	sdelay $0x3  }
0x36: {  	p1 =	seq.s32 s10, $0x1;
	s10 =	sld [smem:$0x3FB4];
	_ =	sdelay $0x3  }
0x37: {  	[smem:$0x3FB4] =	sst s10  }
0x38: {  	s10 =	sld [smem:$0x3FB5]  }
0x39: {  	_ = 	snop;
	(pc) =	sbr.ind lr, $3  }
0x3a: {  	_ = 	snop  }
0x3b: {  	_ = 	snop  }
0x3c: {  	p2 =	seq.s32 s10, $0x1;
	s10 =	sld [smem:$0x3FB4]  }
0x3d: {  	_ =	shalt  }
0x3e: {  	_ =	shalt  }
0x3f: {  	_ =	shalt  }
0x40: {  	_ =	shalt  }
0x41: {  	_ =	shalt  }
0x42: {  	_ =	shalt  }
0x43: {  	_ =	shalt  }
0x44: {  	_ =	shalt  }
0x45: {  	_ =	shalt  }
0x46: {  	_ =	shalt  }
0x47: {  	_ =	shalt  }
0x48: {  	_ =	shalt  }
0x49: {  	_ =	shalt  }
0x4a: {  	_ =	shalt  }
0x4b: {  	_ =	shalt  }
0x4c: {  	_ =	shalt  }
0x4d: {  	_ =	shalt  }
0x4e: {  	_ =	shalt  }
0x4f: {  	_ =	shalt  }
0x50: {  	_ =	shalt  }
0x51: {  	_ =	shalt  }
0x52: {  	_ =	shalt  }
0x53: {  	_ =	shalt  }
0x54: {  	_ =	shalt  }
0x55: {  	_ =	shalt  }
0x56: {  	_ =	shalt  }
0x57: {  	_ =	shalt  }
0x58: {  	_ =	shalt  }
0x59: {  	_ =	shalt  }
0x5a: {  	_ =	shalt  }
0x5b: {  	_ =	shalt  }
0x5c: {  	_ =	shalt  }
0x5d: {  	_ =	shalt  }
0x5e: {  	_ =	shalt  }
0x5f: {  	_ =	shalt  }
0x60: {  	_ =	shalt  }
0x61: {  	_ =	shalt  }
0x62: {  	_ =	shalt  }
0x63: {  	_ =	shalt  }
0x64: {  	_ =	shalt  }
0x65: {  	_ =	shalt  }
0x66: {  	_ =	shalt  }
0x67: {  	_ =	shalt  }
0x68: {  	_ =	shalt  }
0x69: {  	_ =	shalt  }
0x6a: {  	_ =	shalt  }
0x6b: {  	_ =	shalt  }
0x6c: {  	_ =	shalt  }
0x6d: {  	_ =	shalt  }
0x6e: {  	_ =	shalt  }
0x6f: {  	_ =	shalt  }
0x70: {  	_ =	shalt  }
0x71: {  	_ =	shalt  }
0x72: {  	_ =	shalt  }
0x73: {  	_ =	shalt  }
0x74: {  	_ =	shalt  }
0x75: {  	_ =	shalt  }
0x76: {  	_ =	shalt  }
0x77: {  	_ =	shalt  }
0x78: {  	_ =	shalt  }
0x79: {  	_ =	shalt  }
0x7a: {  	_ =	shalt  }
0x7b: {  	_ =	shalt  }
0x7c: {  	_ =	shalt  }
0x7d: {  	_ =	shalt  }
0x7e: {  	_ =	shalt  }
0x7f: {  	_ =	shalt  }
0x80: {  	_ =	shalt  }
0x81: {  	_ =	shalt  }
0x82: {  	_ =	shalt  }
0x83: {  	_ =	shalt  }
0x84: {  	_ =	shalt  }
0x85: {  	_ =	shalt  }
0x86: {  	_ =	shalt  }
0x87: {  	_ =	shalt  }
.Lfunc_end0:
.L_simem_size_0:
called_computation_lowered:
.L_overlay_start_0:
0x88: {  	s2 =	sld [smem:$0x3FD9]  }
0x89: {  	s3 =	sld [smem:$0x3FFE];
	_ =	sdelay $0x1  }
0x8a: {  	s1 =	srdreg.scid  }
0x8b: {  	s0 =	sand.u32 $0x1, s1  }
0x8c: {  	s17 =	sshll.u32 s0, $0xA;
	s2 =	sadd.s32 s3, s2  }
0x8d: {  	s2 =	sadd.s32 s2, s17  }
0x8e: {  	[smem:$0x3FC0] =	sst s2  }
0x8f: {  	_ = 	snop  }
0x90: {  	s2 =	sld [smem:$0x3FC9]  }
0x91: {  	s18 =	sld [smem:$0x3FD0];
	(tm) =	ssettm $0x1  }
0x92: {  	s4 =	sld [smem:$0x3FFB];
	_ =	sdelay $0x3  }
0x93: {  	_ =	strace s4  }
0x94: {  	s4 =	sld [smem:$0x3FFC];
	_ =	sdelay $0x3  }
0x95: {  	_ =	strace s4  }
0x96: {  	s4 =	sld [smem:$0x3FFD];
	_ =	sdelay $0x3  }
0x97: {  	_ =	strace s4  }
0x98: {  	_ =	strace $0x8FFFFFFF  }
0x99: {  	s19 =	sld [smem:$0x3FDB];
	_ =	sdelay $0x1  }
0x9a: {  	s5 =	simm.s32 $_scs_section_size  }
0x9b: {  	s6 =	simm.s32 $_size__tile_overlayer_lowered;
	s7 =	simm.s32 $_tile_overlayer_lowered  }
0x9c: {  	s22 =	simm.s32 $0x1BFF;
	s21 =	sshll.u32 s7, $0x1;
	s4 =	sadd.s32 s5, s19  }
0x9d: {  	s8 =	simm.s32 $0x0;
	s20 =	sshll.u32 s6, $0x1;
	s6 =	sadd.s32 s21, s4  }
0x9e: {  	[timem:s8], [sflag:s22] =	dma.local [hbm:s6], s20  }
0x9f: {  	_ =	swait.ge [sflag:s22], s20  }
0xa0: {  	s5 =	ssub.s32 $0x0, s20;
	[sflag:s22] =	ssyncset.done $0x0  }
0xa1: {  	[sflag:s22] =	ssyncadd.s32 s5;
	_ =	sdelay $0x1  }
0xa2: {  	s23 =	simm.s32 $0x1B8B  }
0xa3: {  	_ =	swait.ge [sflag:s23], $0x1  }
0xa4: {  	[sflag:s23] =	ssyncset.done $0x0  }
0xa5: {  	s25 =	simm.s32 $0x1B8E;
	s24 =	sld [smem:$0x3FFE];
	[sflag:s23] =	ssyncadd.s32 $0xFFFFFFFF  }
0xa6: {  	s26 =	simm.s32 $execute0_lowered;
	[smem:$0x3FD2] =	sst s25  }
0xa7: {  	s6 =	sshll.u32 s26, $0x1;
	_ =	strace $0x80000046;
	[dreg:$0x1] =	wrdreg $0xFFFFFFFF  }
0xa8: {  	s28 =	simm.s32 $_size_execute0_lowered;
	s4 =	sadd.s32 s4, s6;
	[dreg:$0x0] =	wrdreg $0x0  }
0xa9: {  	s6 =	sshll.u32 s28, $0x1;
	[dreg:$0x2] =	wrdreg s4  }
0xaa: {  	[dreg:$0x3] =	wrdreg s6  }
0xab: {  	[dreg:$0x4] =	wrdreg $0xC0  }
0xac: {  	_ =	task [dreg:s8], $0x5FFFF  }
0xad: {  	[dreg:$0x1] =	wrdreg $0xFFFFFFFF  }
0xae: {  	[dreg:$0x0] =	wrdreg $0x60  }
0xaf: {  	[dreg:$0x2] =	wrdreg s24  }
0xb0: {  	[dreg:$0x3] =	wrdreg s2  }
0xb1: {  	[dreg:$0x4] =	wrdreg s18  }
0xb2: {  	[dreg:$0x5] =	wrdreg $0x9  }
0xb3: {  	_ =	task.clear_ibuf [dreg:s8], $0x6FFFF;
	_ =	strace $0x90000046  }
0xb4: {  	s29 =	simm.s32 $0x9;
	_ =	strace $0x80000048  }
0xb5: {  	_ =	swait.ge [sflag:s29], $0x1  }
0xb6: {  	[sflag:s29] =	ssyncadd.s32 $0xFFFFFFFF  }
0xb7: {  	_ =	strace $0x90000048  }
0xb8: {  	_ =	sfence  }
0xb9: {  	s30 =	sld [smem:$0x0];
	_ =	sdelay $0x2  }
0xba: {  	s31 =	sshll.u32 s1, $0xD;
	s1 =	sshrl.u32 s1, $0x2  }
0xbb: {  	s3 =	sand.u32 $0x4000, s31;
	s1 =	sadd.s32 s1, s30  }
0xbc: {  	s0 =	sor.u32 s3, s0;
	s1 =	sshll.u32 s1, $0x11  }
0xbd: {  	s0 =	sor.u32 s1, s0  }
0xbe: {  	s0 =	sadd.s32 $0x8F2B, s0  }
0xbf: {  	[sflag:s0] =	ssyncadd.remote.s32 $0x1  }
0xc0: {  	_ =	sfence.sel $0xFFFF  }
0xc1: {  	[dreg:$0x0] =	wrdreg $0xFFFFFFFF;
	(pc) =	sbr.abs _section_cstart, $3  }
0xc2: {  	[dreg:$0x1] =	wrdreg $0xFFFFFFFF  }
0xc3: {  	_ =	task.clear_ibuf [dreg:s8], $0x2FFFF;
	_ =	strace $0x9FFFFFFF  }
0xc4: {  	(tm) =	ssettm $0x7FFFFFFF  }
0xc5: {  	_ =	shalt  }
tec
execute0_lowered:
.L_overlay_start_1:
0x0: {  	(tag) =	ssettag $0x1  }
0x1: {  	s12 =	rddreg [dreg:$0x0]  }
0x2: {  	s1 =	rddreg [dreg:$0x1]  }
0x3: {  	s2 =	rddreg [dreg:$0x2];
	s4 =	srdreg.scid  }
0x4: {  	s0 =	rddreg [dreg:$0x3];
	s3 =	simm.s32 $0x0;
	s15 =	simm.s32 $0x80  }
0x5: {  	s16 =	simm.s32 $0x1000;
	s17 =	simm.s32 $0x1100;
	s18 =	simm.s32 $0x1  }
0x6: {  	s19 =	simm.s32 $0x1080;
	s20 =	simm.s32 $0x0;
	s7 =	sand.u32 $0x1, s4  }
0x7: {  	[smem:$0x7FF] =	sst s3;
	s5 =	sadd.s32 $0x1A00, s12;
	s6 =	sadd.s32 $0x2000, s12  }
0x8: {  	s4 =	stileid.u32;
	s10 =	sadd.s32 $0x1E00, s12;
	s11 =	sadd.s32 $0x1000, s2  }
0x9: {  	s8 =	ssub.s32 $0x2, s7;
	_ =	strace $0x80000047;
	p1 =	seq.s32 s7, $0x0  }
0xa: {  	p0 =	seq.s32 s4, $0x0;
	p2 =	seq.s32 s7, $0x1;
	s14 =	sor.u32 s4, s7  }
.Ltmp0:
0xb: {  	p6 =	seq.s32 s4, $0x1;
	s7 =	sadd.s32 $0x1C00, s12;
	(pc) =	sbr.rel .LBB2_1-.Ltmp0, $4  }
0xc: {  	v0 =	vlaneseq.u32;
	s9 =	sshrl.u32 s8, $0x1;
	p0 =	por !p0, !p2;
	p1 =	por !p1, !p6  }
0xd: {  	v1 =	vmul.u32 $0xFFFFFFFF, v0;
	p2 =	sne.s32 s14, $0x0;
	s14 =	simm.s32 $0x2;
	s13 =	ssub.s32 s8, s9  }
0xe: {  	p0 =	por !p0, !p0;
	s8 =	sadd.s32 $0x800, s2;
	s9 =	sadd.s32 $0x2010, s12  }
0xf: {  	v1 =	vadd.s32 $0xF, v1;
	p1 =	por !p1, !p1;
	s12 =	sadd.s32 $0x2020, s12;
	s13 =	smax.u32 s13, $0x1  }
.LBB2_12:
0x10: {  	v13, v14, _ =	vpop (xrf1)  }
0x11: {  	v2 =	vsel vm1, v2, v11;
	v3 =	vsel vm1, v3, v12;
	v46 =	vperm.xlane v13, v1;
	v47, v48, _ =	vpop (xrf1)  }
0x12: {  	v5 =	vsel vm0, v5, v9;
	(xrf1) =	vsort.dscd.msk.f32 $0xffff, v2, v3;
	v3 =	vperm.xlane v47, v1  }
0x13: {  	v2 =	vperm.xlane v14, v1;
	(xrf1) =	vsort.dscd.msk.f32 $0xffff, v10, v5;
	vm10 =	vge.f32 v8, v46  }
0x14: {  	v49 =	vperm.xlane v48, v1;
	v51, v50, _ =	vpop (xrf1);
	v52 =	vsel vm10, v46, v8;
	vm11 =	vge.f32 v7, v3  }
0x15: {  	v54, v15, _ =	vpop (xrf1);
	v53 =	vsel vm10, v2, v6;
	v55 =	vsel vm11, v7, v3;
	v3 =	vsel vm11, v3, v7  }
0x16: {  	v57, v56, _ =	vpop (xrf1);
	v2 =	vsel vm10, v6, v2;
	(xrf1) =	vsort.dscd.msk.f32 $0xffff, v52, v53;
	v59 =	vsel vm11, v49, v4  }
0x17: {  	v7 =	vperm.xlane v57, v1;
	v60 =	vsel vm11, v4, v49;
	(xrf1) =	vsort.dscd.msk.f32 $0xffff, v3, v59  }
0x18: {  	v58 =	vsel vm10, v8, v46;
	v62 =	vperm.xlane v56, v1;
	(xrf1) =	vsort.dscd.msk.f32 $0xffff, v55, v60;
	v3, v61, _ =	vpop (xrf1)  }
0x19: {  	vm12 =	vge.f32 v51, v7;
	(xrf1) =	vsort.dscd.msk.f32 $0xffff, v58, v2;
	v3 =	vperm.xlane v3, v1  }
0x1a: {  	v19 =	vsel vm12, v7, v51;
	v7 =	vsel vm12, v51, v7;
	v2, v63, _ =	vpop (xrf1);
	v5 =	vperm.xlane v61, v1  }
0x1b: {  	v20 =	vsel vm12, v62, v50;
	v6 =	vsel vm12, v50, v62;
	v22, v21, _ =	vpop (xrf1);
	vm13 =	vge.f32 v54, v3  }
0x1c: {  	(xrf1) =	vsort.dscd.msk.f32 $0xffff, v19, v20;
	v16, v17, _ =	vpop (xrf1);
	v23 =	vsel vm13, v3, v54;
	v24 =	vsel vm13, v5, v15  }
0x1d: {  	v25 =	vperm.xlane v16, v1;
	(xrf1) =	vsort.dscd.msk.f32 $0xffff, v23, v24  }
0x1e: {  	v3 =	vsel vm13, v54, v3;
	v26 =	vperm.xlane v17, v1;
	(xrf1) =	vsort.dscd.msk.f32 $0xffff, v7, v6;
	v6, v7, _ =	vpop (xrf1)  }
0x1f: {  	v5 =	vsel vm13, v15, v5;
	vm14 =	vge.f32 v2, v25;
	v6 =	vperm.xlane v6, v1  }
0x20: {  	(xrf1) =	vsort.dscd.msk.f32 $0xffff, v3, v5;
	v3 =	vsel vm14, v25, v2;
	v27 =	vsel vm14, v26, v63  }
0x21: {  	v7 =	vperm.xlane v7, v1;
	v4 =	vsel vm14, v63, v26;
	(xrf1) =	vsort.dscd.msk.f32 $0xffff, v3, v27  }
0x22: {  	v2 =	vsel vm14, v2, v25;
	vm15 =	vge.f32 v22, v6  }
0x23: {  	v3, v5, _ =	vpop (xrf1);
	v28 =	vsel vm15, v6, v22;
	v29 =	vsel vm15, v7, v21;
	v7 =	vsel vm15, v21, v7  }
0x24: {  	v6 =	vsel vm15, v22, v6;
	v30, v31, _ =	vpop (xrf1);
	(xrf1) =	vsort.dscd.msk.f32 $0xffff, v28, v29  }
0x25: {  	(xrf1) =	vsort.dscd.msk.f32 $0xffff, v2, v4;
	v2, v4, _ =	vpop (xrf1)  }
0x26: {  	v2 =	vperm.xlane v2, v1  }
0x27: {  	(xrf1) =	vsort.dscd.msk.f32 $0xffff, v6, v7;
	v4 =	vperm.xlane v4, v1;
	v6, v7, _ =	vpop (xrf1)  }
0x28: {  	vm4 =	vge.f32 v30, v2;
	v6 =	vperm.xlane v6, v1;
	v32, v33, _ =	vpop (xrf1)  }
0x29: {  	v7 =	vperm.xlane v7, v1;
	v34 =	vsel vm4, v2, v30;
	v35 =	vsel vm4, v4, v31;
	v36, v37, _ =	vpop (xrf1)  }
0x2a: {  	(xrf1) =	vsort.dscd.msk.f32 $0xffff, v34, v35;
	vm5 =	vge.f32 v3, v6;
	v10, v11, _ =	vpop (xrf1)  }
0x2b: {  	v3 =	vsel vm5, v3, v6;
	v5 =	vsel vm5, v5, v7;
	v38 =	vperm.xlane v10, v1  }
0x2c: {  	v2 =	vsel vm4, v30, v2;
	v4 =	vsel vm4, v31, v4;
	v39, v40, _ =	vpop (xrf1);
	(xrf1) =	vsort.dscd.msk.f32 $0xffff, v3, v5  }
0x2d: {  	v3 =	vperm.xlane v11, v1;
	v41 =	vperm.xlane v39, v1;
	v43, v42, _ =	vpop (xrf1);
	vm6 =	vge.f32 v36, v38  }
0x2e: {  	(xrf1) =	vsort.dscd.msk.f32 $0xffff, v2, v4;
	v2 =	vperm.xlane v40, v1;
	v44 =	vsel vm6, v38, v36;
	v46, v47, _ =	vpop (xrf1)  }
0x2f: {  	v45 =	vsel vm6, v3, v37;
	v6 =	vsel vm6, v36, v38;
	vm7 =	vge.f32 v32, v41;
	v50, v49, _ =	vpop (xrf1)  }
0x30: {  	(xrf1) =	vsort.dscd.msk.f32 $0xffff, v44, v45;
	v48 =	vsel vm7, v32, v41;
	v8 =	vperm.xlane v50, v1  }
0x31: {  	v5 =	vsel vm7, v41, v32;
	v51 =	vsel vm7, v2, v33;
	v2 =	vsel vm7, v33, v2  }
0x32: {  	v52 =	vperm.xlane v49, v1;
	(xrf1) =	vsort.dscd.msk.f32 $0xffff, v5, v51;
	vm8 =	vge.f32 v43, v8  }
0x33: {  	v3 =	vsel vm6, v37, v3;
	(xrf1) =	vsort.dscd.msk.f32 $0xffff, v48, v2;
	v2 =	vsel vm8, v8, v43  }
0x34: {  	(xrf1) =	vsort.dscd.msk.f32 $0xffff, v6, v3;
	v3 =	vsel vm8, v52, v42  }
0x35: {  	(xrf1) =	vsort.dscd.msk.f32 $0xffff, v2, v3  }
0x36: {  	v2, v53, _ =	vpop (xrf1)  }
0x37: {  	v54 =	vperm.xlane v2, v1;
	_ =	sdelay $0x1  }
0x38: {  	v4 =	vperm.xlane v53, v1;
	v3, v2, _ =	vpop (xrf1);
	vm9 =	vge.f32 v46, v54  }
0x39: {  	v7 =	vsel vm8, v43, v8;
	v55, v56, _ =	vpop (xrf1);
	v6 =	vsel vm9, v46, v54  }
0x3a: {  	v57 =	vsel vm9, v54, v46;
	v58 =	vsel vm9, v4, v47;
	v60, v59, _ =	vpop (xrf1);
	v4 =	vsel vm9, v47, v4  }
0x3b: {  	v5 =	vsel vm8, v42, v52;
	(xrf1) =	vsort.dscd.msk.f32 $0xffff, v57, v58;
	v8 =	vperm.xlane v60, v1  }
0x3c: {  	v61 =	vperm.xlane v59, v1;
	v63, v62, _ =	vpop (xrf1);
	(xrf1) =	vsort.dscd.msk.f32 $0xffff, v7, v5  }
0x3d: {  	vm10 =	vge.f32 v55, v8;
	(xrf1) =	vsort.dscd.msk.f32 $0xffff, v6, v4;
	v4, v6, _ =	vpop (xrf1)  }
0x3e: {  	v18 =	vsel vm10, v8, v55;
	v19 =	vsel vm10, v61, v56;
	v8 =	vsel vm10, v55, v8;
	v12, v13, _ =	vpop (xrf1)  }
0x3f: {  	v5 =	vsel vm10, v56, v61;
	(xrf1) =	vsort.dscd.msk.f32 $0xffff, v18, v19;
	v20 =	vperm.xlane v12, v1;
	v21, v22, _ =	vpop (xrf1)  }
0x40: {  	(xrf1) =	vsort.dscd.msk.f32 $0xffff, v8, v5;
	v23 =	vperm.xlane v13, v1;
	v24, v25, _ =	vpop (xrf1)  }
0x41: {  	v10 =	vperm.xlane v21, v1;
	v12 =	vperm.xlane v22, v1;
	vm11 =	vge.f32 v4, v20;
	v26, v27, _ =	vpop (xrf1)  }
0x42: {  	v28 =	vsel vm11, v20, v4;
	v29 =	vsel vm11, v23, v6;
	v4 =	vsel vm11, v4, v20;
	v30, v18, _ =	vpop (xrf1)  }
0x43: {  	vm12 =	vge.f32 v63, v10;
	(xrf1) =	vsort.dscd.msk.f32 $0xffff, v28, v29;
	v9 =	vperm.xlane v30, v1  }
0x44: {  	v7 =	vsel vm12, v63, v10;
	v31 =	vsel vm12, v62, v12;
	v32 =	vperm.xlane v18, v1  }
0x45: {  	v5 =	vsel vm11, v6, v23;
	(xrf1) =	vsort.dscd.msk.f32 $0xffff, v7, v31;
	vm13 =	vge.f32 v26, v9  }
0x46: {  	(xrf1) =	vsort.dscd.msk.f32 $0xffff, v4, v5;
	v33 =	vsel vm13, v9, v26;
	v34 =	vsel vm13, v32, v27  }
0x47: {  	(xrf1) =	vsort.dscd.msk.f32 $0xffff, v33, v34;
	_ =	sdelay $0x2  }
0x48: {  	v36, v35, _ =	vpop (xrf1)  }
0x49: {  	v37 =	vperm.xlane v36, v1;
	v5, v4, _ =	vpop (xrf1)  }
0x4a: {  	v38, v12, _ =	vpop (xrf1)  }
0x4b: {  	v9 =	vsel vm13, v26, v9;
	v6 =	vperm.xlane v35, v1;
	vm14 =	vge.f32 v24, v37;
	v41, v40, _ =	vpop (xrf1)  }
0x4c: {  	v11 =	vsel vm13, v27, v32;
	v39 =	vsel vm14, v24, v37;
	v8 =	vperm.xlane v41, v1  }
0x4d: {  	v7 =	vsel vm14, v37, v24;
	v42 =	vsel vm14, v6, v25;
	v6 =	vsel vm14, v25, v6  }
0x4e: {  	(xrf1) =	vsort.dscd.msk.f32 $0xffff, v7, v42;
	v43 =	vperm.xlane v40, v1;
	vm15 =	vge.f32 v38, v8  }
0x4f: {  	v44, v13, _ =	vpop (xrf1);
	(xrf1) =	vsort.dscd.msk.f32 $0xffff, v39, v6;
	v45 =	vsel vm15, v8, v38;
	v8 =	vsel vm15, v38, v8  }
0x50: {  	(xrf1) =	vsort.dscd.msk.f32 $0xffff, v9, v11;
	v46 =	vsel vm15, v43, v12;
	v7 =	vsel vm15, v12, v43;
	v47, v48, _ =	vpop (xrf1)  }
0x51: {  	(xrf1) =	vsort.dscd.msk.f32 $0xffff, v45, v46;
	v49 =	vperm.xlane v47, v1;
	v50, v51, _ =	vpop (xrf1)  }
0x52: {  	v52 =	vperm.xlane v48, v1;
	v53, v54, _ =	vpop (xrf1)  }
0x53: {  	(xrf1) =	vsort.dscd.msk.f32 $0xffff, v8, v7;
	vm4 =	vge.f32 v44, v49;
	v7, v8, _ =	vpop (xrf1)  }
0x54: {  	v55 =	vsel vm4, v49, v44;
	v56 =	vsel vm4, v52, v13;
	v7 =	vperm.xlane v7, v1  }
0x55: {  	(xrf1) =	vsort.dscd.msk.f32 $0xffff, v55, v56;
	v8 =	vperm.xlane v8, v1  }
0x56: {  	v6 =	vsel vm4, v44, v49;
	v57 =	vsel vm4, v13, v52;
	vm5 =	vge.f32 v53, v7  }
0x57: {  	(xrf1) =	vsort.dscd.msk.f32 $0xffff, v6, v57;
	v58 =	vsel vm5, v7, v53;
	v59 =	vsel vm5, v8, v54  }
0x58: {  	(xrf1) =	vsort.dscd.msk.f32 $0xffff, v58, v59;
	_ =	sdelay $0x3  }
0x59: {  	v6, v9, _ =	vpop (xrf1)  }
0x5a: {  	v10, v13, _ =	vpop (xrf1)  }
0x5b: {  	v6 =	vperm.xlane v6, v1;
	v16, v17, _ =	vpop (xrf1)  }
0x5c: {  	v9 =	vperm.xlane v9, v1;
	v60, v19, _ =	vpop (xrf1)  }
0x5d: {  	v7 =	vsel vm5, v53, v7;
	vm6 =	vge.f32 v50, v6;
	v61 =	vperm.xlane v60, v1  }
0x5e: {  	v6 =	vsel vm6, v50, v6;
	v9 =	vsel vm6, v51, v9;
	v62 =	vperm.xlane v19, v1  }
0x5f: {  	v8 =	vsel vm5, v54, v8;
	(xrf1) =	vsort.dscd.msk.f32 $0xffff, v6, v9;
	v18, v63, _ =	vpop (xrf1);
	vm7 =	vge.f32 v10, v61  }
0x60: {  	(xrf1) =	vsort.dscd.msk.f32 $0xffff, v7, v8;
	v19 =	vsel vm7, v10, v61;
	v6 =	vsel vm7, v13, v62;
	v21, v20, _ =	vpop (xrf1)  }
0x61: {  	v10 =	vsel vm7, v61, v10;
	v22 =	vsel vm7, v62, v13;
	v8 =	vperm.xlane v21, v1  }
0x62: {  	(xrf1) =	vsort.dscd.msk.f32 $0xffff, v10, v22;
	v23 =	vperm.xlane v20, v1;
	v25, v24, _ =	vpop (xrf1)  }
0x63: {  	(xrf1) =	vsort.dscd.msk.f32 $0xffff, v19, v6;
	vm8 =	vge.f32 v18, v8;
	v6, v7, _ =	vpop (xrf1)  }
0x64: {  	v26 =	vsel vm8, v8, v18;
	v27 =	vsel vm8, v23, v63;
	v6 =	vperm.xlane v6, v1  }
0x65: {  	(xrf1) =	vsort.dscd.msk.f32 $0xffff, v26, v27;
	v7 =	vperm.xlane v7, v1  }
0x66: {  	v8 =	vsel vm8, v18, v8;
	v28 =	vsel vm8, v63, v23;
	vm9 =	vge.f32 v25, v6  }
0x67: {  	(xrf1) =	vsort.dscd.msk.f32 $0xffff, v8, v28;
	v29 =	vsel vm9, v6, v25;
	v30 =	vsel vm9, v7, v24  }
0x68: {  	(xrf1) =	vsort.dscd.msk.f32 $0xffff, v29, v30;
	_ =	sdelay $0x6  }
0x69: {  	v8, v9, _ =	vpop (xrf1)  }
0x6a: {  	v10, v11, _ =	vpop (xrf1)  }
0x6b: {  	v14, v15, _ =	vpop (xrf1)  }
0x6c: {  	v14 =	vperm.xlane v14, v1;
	v31, v32, _ =	vpop (xrf1)  }
0x6d: {  	v6 =	vsel vm9, v25, v6;
	v7 =	vsel vm9, v24, v7;
	v33, v34, _ =	vpop (xrf1)  }
0x6e: {  	v15 =	vperm.xlane v15, v1;
	vm10 =	vge.f32 v8, v14;
	v12 =	vperm.xlane v33, v1  }
0x6f: {  	(xrf1) =	vsort.dscd.msk.f32 $0xffff, v6, v7;
	v35 =	vsel vm10, v8, v14;
	v36, v37, _ =	vpop (xrf1)  }
0x70: {  	v9 =	vsel vm10, v9, v15;
	v13 =	vperm.xlane v34, v1;
	vm11 =	vge.f32 v31, v12;
	v38, v39, _ =	vpop (xrf1)  }
0x71: {  	(xrf1) =	vsort.dscd.msk.f32 $0xffff, v35, v9;
	v40 =	vsel vm11, v31, v12;
	v41 =	vperm.xlane v38, v1  }
0x72: {  	v12 =	vsel vm11, v12, v31;
	v42 =	vsel vm11, v13, v32;
	v15 =	vperm.xlane v39, v1  }
0x73: {  	v13 =	vsel vm11, v32, v13;
	(xrf1) =	vsort.dscd.msk.f32 $0xffff, v12, v42;
	vm12 =	vge.f32 v36, v41  }
0x74: {  	(xrf1) =	vsort.dscd.msk.f32 $0xffff, v40, v13;
	v43 =	vsel vm12, v41, v36;
	v44 =	vsel vm12, v15, v37  }
0x75: {  	(xrf1) =	vsort.dscd.msk.f32 $0xffff, v43, v44;
	_ =	sdelay $0x9  }
0x76: {  	v6, v12, _ =	vpop (xrf1)  }
0x77: {  	v46, v45, _ =	vpop (xrf1)  }
0x78: {  	v47, v48, _ =	vpop (xrf1)  }
0x79: {  	v20, v21, _ =	vpop (xrf1)  }
0x7a: {  	v7 =	vsel vm12, v36, v41;
	v49 =	vperm.xlane v47, v1;
	v50, v22, _ =	vpop (xrf1)  }
0x7b: {  	v8 =	vsel vm12, v37, v15;
	v51 =	vperm.xlane v48, v1;
	v18 =	vperm.xlane v50, v1  }
0x7c: {  	(xrf1) =	vsort.dscd.msk.f32 $0xffff, v7, v8;
	vm13 =	vge.f32 v46, v49;
	v52 =	vperm.xlane v22, v1  }
0x7d: {  	v53 =	vsel vm13, v46, v49;
	v54 =	vsel vm13, v45, v51;
	vm14 =	vge.f32 v20, v18  }
0x7e: {  	(xrf1) =	vsort.dscd.msk.f32 $0xffff, v53, v54;
	v55 =	vsel vm14, v18, v20;
	v56 =	vsel vm14, v52, v21  }
0x7f: {  	(xrf1) =	vsort.dscd.msk.f32 $0xffff, v55, v56;
	_ =	sdelay $0xb  }
0x80: {  	v8, v9, _ =	vpop (xrf1)  }
0x81: {  	v57, v58, _ =	vpop (xrf1)  }
0x82: {  	v59, v19, _ =	vpop (xrf1)  }
0x83: {  	v15 =	vperm.xlane v59, v1  }
0x84: {  	v18 =	vsel vm14, v20, v18;
	v7 =	vsel vm14, v21, v52;
	v19 =	vperm.xlane v19, v1  }
0x85: {  	(xrf1) =	vsort.dscd.msk.f32 $0xffff, v18, v7;
	vm15 =	vge.f32 v57, v15  }
0x86: {  	v60 =	vsel vm15, v57, v15;
	v61 =	vsel vm15, v58, v19  }
0x87: {  	(xrf1) =	vsort.dscd.msk.f32 $0xffff, v60, v61  }
0x88: {  	[tilespmem:$0x1080] =	vst v3;
	v2 =	vadd.s32 $0x2000, v2  }
0x89: {  	[tilespmem:$0x1000] =	vst v2  }
0x8a: {  	[tilespmem:$0x1090] =	vst v5;
	v2 =	vadd.s32 $0x2000, v4  }
0x8b: {  	[tilespmem:$0x1010] =	vst v2  }
0x8c: {  	[tilespmem:$0x10A0] =	vst v16;
	v2 =	vadd.s32 $0x2000, v17  }
0x8d: {  	[tilespmem:$0x1020] =	vst v2  }
0x8e: {  	[tilespmem:$0x10B0] =	vst v10;
	v2 =	vadd.s32 $0x2000, v11  }
0x8f: {  	[tilespmem:$0x1030] =	vst v2  }
0x90: {  	[tilespmem:$0x10C0] =	vst v6;
	v2 =	vadd.s32 $0x2000, v12  }
0x91: {  	[tilespmem:$0x1040] =	vst v2  }
0x92: {  	[tilespmem:$0x10D0] =	vst v8;
	v2 =	vadd.s32 $0x2000, v9  }
0x93: {  	[tilespmem:$0x1050] =	vst v2;
	v3, v62, _ =	vpop (xrf1)  }
0x94: {  	[tilespmem:$0x10E0] =	vst v3;
	v2 =	vadd.s32 $0x2000, v62  }
0x95: {  	[tilespmem:$0x1060] =	vst v2;
	v3, v63, _ =	vpop (xrf1)  }
0x96: {  	[tilespmem:$0x10F0] =	vst v3;
	v2 =	vadd.s32 $0x2000, v63  }
0x97: {  	[tilespmem:$0x1070] =	vst v2  }
0x98: {  	[tilespmem:s17], [sflag:$0x1] =	stream.indirect.gather [hbm4b:s1+s15], $0x80, s16, s15, $0xb8;
	[tilespmem:$0x5100] =	vst v63  }
0x99: {  	_ =	swait.ge [sflag:s18], $0x4000  }
0x9a: {  	[sflag:s18] =	ssyncset.done $0x0  }
0x9b: {  	[sflag:s18] =	ssyncadd.s32 $0xFFFFC000  }
0x9c: {  	[hbm4b:s11+s3] =	stream.linear.scatter [tilespmem:s17], [sflag:$0x2], $0x4000, $0x38;
	[tilespmem:$0x5100] =	vst v63  }
0x9d: {  	_ =	swait.ge [sflag:s14], $0x4000  }
0x9e: {  	[sflag:s14] =	ssyncset.done $0x0  }
0x9f: {  	[sflag:s14] =	ssyncadd.s32 $0xFFFFC000  }
0xa0: {  	[hbm4b:s12+s3] =	stream.linear.scatter [tilespmem:s19], [sflag:$0x2], $0x80, $0x38;
	[tilespmem:$0x5100] =	vst v63  }
0xa1: {  	_ =	swait.ge [sflag:s14], $0x80  }
0xa2: {  	[sflag:s14] =	ssyncset.done $0x0  }
0xa3: {  	[sflag:s14] =	ssyncadd.s32 $0xFFFFFF80  }
.LBB2_13:
0xa4: {  	s20 =	sadd.s32 $0x1, s20  }
0xa5: {  	p3 =	sne.s32 s20, s13  }
.Ltmp1:
0xa6: {  	_ = 	snop;
	(pc) =	sbr.rel @!p3 .LBB2_14-.Ltmp1, $1  }
0xa7: {  	_ =	sdelay $0x3  }
.LBB2_1:
.Ltmp2:
0xa8: {  	(pc) =	sbr.rel @p2 .LBB2_5-.Ltmp2, $1  }
0xa9: {  	_ =	sdelay $0x3  }
0xaa: {  	s21 =	simm.s32 $0x0  }
0xab: {  	[tilespmem:s21], [sflag:$0x2] =	stream.linear.gather [hbm4b:s5+s21], $0x1000, $0x38;
	[tilespmem:$0x5100] =	vst v63  }
0xac: {  	_ =	swait.ge [sflag:s14], $0x1000  }
0xad: {  	[sflag:s14] =	ssyncset.done $0x0  }
0xae: {  	[sflag:s14] =	ssyncadd.s32 $0xFFFFF000  }
0xaf: {  	v2 =	vld [tilespmem:s21+$0x0];
	_ =	sdelay $0x3  }
0xb0: {  	v3 =	vor.u32 s21, v0  }
0xb1: {  	(xrf1) =	vsort.dscd.msk.f32 $0xffff, v2, v3;
	_ =	sdelay $0xd  }
0xb2: {  	v2, v3, _ =	vpop (xrf1)  }
0xb3: {  	v4 =	vperm.xlane v2, v1  }
0xb4: {  	v2 =	vimm.f32 $-Inf;
	v5 =	vperm.xlane v3, v1  }
0xb5: {  	v3 =	vimm.s32 $0x0;
	vm0 =	vge.f32 v2, v4  }
0xb6: {  	v6 =	vsel vm0, v4, v2;
	v7 =	vsel vm0, v5, v3  }
0xb7: {  	(xrf1) =	vsort.dscd.msk.f32 $0xffff, v6, v7;
	_ =	sdelay $0x1  }
0xb8: {  	s26 =	simm.s32 $0x10  }
0xb9: {  	v6 =	vld [tilespmem:s26+$0x0];
	_ =	sdelay $0x2  }
0xba: {  	v4 =	vsel vm0, v2, v4;
	v5 =	vsel vm0, v3, v5  }
0xbb: {  	(xrf1) =	vsort.dscd.msk.f32 $0xffff, v4, v5;
	v4 =	vor.u32 s26, v0  }
0xbc: {  	(xrf1) =	vsort.dscd.msk.f32 $0xffff, v6, v4;
	_ =	sdelay $0x5  }
0xbd: {  	v4, v5, _ =	vpop (xrf1)  }
0xbe: {  	v4 =	vperm.xlane v4, v1  }
0xbf: {  	v5 =	vperm.xlane v5, v1  }
0xc0: {  	vm0 =	vge.f32 v2, v4  }
0xc1: {  	v6 =	vsel vm0, v4, v2;
	v7 =	vsel vm0, v5, v3  }
0xc2: {  	(xrf1) =	vsort.dscd.msk.f32 $0xffff, v6, v7;
	_ =	sdelay $0x1  }
0xc3: {  	v8, v9, _ =	vpop (xrf1)  }
0xc4: {  	v6, v7, _ =	vpop (xrf1)  }
0xc5: {  	v6 =	vperm.xlane v6, v1  }
0xc6: {  	v7 =	vperm.xlane v7, v1  }
0xc7: {  	v4 =	vsel vm0, v2, v4;
	v5 =	vsel vm0, v3, v5;
	vm0 =	vge.f32 v8, v6  }
0xc8: {  	(xrf1) =	vsort.dscd.msk.f32 $0xffff, v4, v5;
	v4 =	vsel vm0, v6, v8;
	v5 =	vsel vm0, v7, v9  }
0xc9: {  	s28 =	simm.s32 $0x20;
	(xrf1) =	vsort.dscd.msk.f32 $0xffff, v4, v5  }
0xca: {  	v4 =	vld [tilespmem:s28+$0x0];
	v5 =	vsel vm0, v8, v6;
	v6 =	vsel vm0, v9, v7  }
0xcb: {  	(xrf1) =	vsort.dscd.msk.f32 $0xffff, v5, v6;
	v5 =	vor.u32 s28, v0;
	_ =	sdelay $0x3  }
0xcc: {  	(xrf1) =	vsort.dscd.msk.f32 $0xffff, v4, v5;
	v4, v5, _ =	vpop (xrf1)  }
0xcd: {  	v4 =	vperm.xlane v4, v1  }
0xce: {  	v5 =	vperm.xlane v5, v1  }
0xcf: {  	vm0 =	vge.f32 v2, v4  }
0xd0: {  	v7 =	vsel vm0, v5, v3  }
0xd1: {  	v6 =	vsel vm0, v4, v2;
	_ =	sdelay $0x1  }
0xd2: {  	v8, v9, _ =	vpop (xrf1)  }
0xd3: {  	(xrf1) =	vsort.dscd.msk.f32 $0xffff, v6, v7;
	v6, v7, _ =	vpop (xrf1)  }
0xd4: {  	v6 =	vperm.xlane v6, v1  }
0xd5: {  	v7 =	vperm.xlane v7, v1  }
0xd6: {  	v4 =	vsel vm0, v2, v4;
	v5 =	vsel vm0, v3, v5;
	vm0 =	vge.f32 v8, v6  }
0xd7: {  	(xrf1) =	vsort.dscd.msk.f32 $0xffff, v4, v5;
	v5 =	vsel vm0, v7, v9  }
0xd8: {  	v4 =	vsel vm0, v6, v8;
	_ =	sdelay $0x1  }
0xd9: {  	v10, v11, _ =	vpop (xrf1)  }
0xda: {  	(xrf1) =	vsort.dscd.msk.f32 $0xffff, v4, v5;
	v4, v5, _ =	vpop (xrf1)  }
0xdb: {  	v4 =	vperm.xlane v4, v1  }
0xdc: {  	v5 =	vperm.xlane v5, v1  }
0xdd: {  	v6 =	vsel vm0, v8, v6;
	v7 =	vsel vm0, v9, v7;
	vm0 =	vge.f32 v10, v4  }
0xde: {  	(xrf1) =	vsort.dscd.msk.f32 $0xffff, v6, v7;
	v7 =	vsel vm0, v5, v11;
	_ =	sdelay $0x1  }
0xdf: {  	s29 =	simm.s32 $0x30;
	v6 =	vsel vm0, v4, v10  }
0xe0: {  	(xrf1) =	vsort.dscd.msk.f32 $0xffff, v6, v7;
	v6 =	vld [tilespmem:s29+$0x0];
	v7, v8, _ =	vpop (xrf1)  }
0xe1: {  	v7 =	vperm.xlane v7, v1  }
0xe2: {  	v8 =	vperm.xlane v8, v1  }
0xe3: {  	v4 =	vsel vm0, v10, v4;
	v5 =	vsel vm0, v11, v5;
	vm0 =	vge.f32 v2, v7  }
0xe4: {  	(xrf1) =	vsort.dscd.msk.f32 $0xffff, v4, v5;
	v4 =	vor.u32 s29, v0;
	v5 =	vsel vm0, v8, v3  }
0xe5: {  	(xrf1) =	vsort.dscd.msk.f32 $0xffff, v6, v4;
	v4 =	vsel vm0, v7, v2;
	_ =	sdelay $0x1  }
0xe6: {  	v6, v9, _ =	vpop (xrf1)  }
0xe7: {  	(xrf1) =	vsort.dscd.msk.f32 $0xffff, v4, v5;
	v4, v5, _ =	vpop (xrf1)  }
0xe8: {  	v4 =	vperm.xlane v4, v1  }
0xe9: {  	v5 =	vperm.xlane v5, v1  }
0xea: {  	v7 =	vsel vm0, v2, v7;
	v8 =	vsel vm0, v3, v8;
	vm0 =	vge.f32 v6, v4  }
0xeb: {  	(xrf1) =	vsort.dscd.msk.f32 $0xffff, v7, v8;
	v8 =	vsel vm0, v5, v9  }
0xec: {  	v7 =	vsel vm0, v4, v6;
	_ =	sdelay $0x1  }
0xed: {  	v10, v11, _ =	vpop (xrf1)  }
0xee: {  	(xrf1) =	vsort.dscd.msk.f32 $0xffff, v7, v8;
	v7, v8, _ =	vpop (xrf1)  }
0xef: {  	v7 =	vperm.xlane v7, v1  }
0xf0: {  	v8 =	vperm.xlane v8, v1  }
0xf1: {  	v4 =	vsel vm0, v6, v4;
	v5 =	vsel vm0, v9, v5;
	vm0 =	vge.f32 v10, v7  }
0xf2: {  	(xrf1) =	vsort.dscd.msk.f32 $0xffff, v4, v5;
	v5 =	vsel vm0, v8, v11  }
0xf3: {  	v4 =	vsel vm0, v7, v10;
	_ =	sdelay $0x1  }
0xf4: {  	v6, v9, _ =	vpop (xrf1)  }
0xf5: {  	(xrf1) =	vsort.dscd.msk.f32 $0xffff, v4, v5;
	v4, v5, _ =	vpop (xrf1)  }
0xf6: {  	v7 =	vsel vm0, v10, v7;
	v4 =	vperm.xlane v4, v1;
	v10, v12, _ =	vpop (xrf1)  }
0xf7: {  	v8 =	vsel vm0, v11, v8;
	v5 =	vperm.xlane v5, v1;
	v10 =	vperm.xlane v10, v1  }
0xf8: {  	(xrf1) =	vsort.dscd.msk.f32 $0xffff, v7, v8;
	vm0 =	vge.f32 v6, v4  }
0xf9: {  	v8 =	vsel vm0, v4, v6;
	v11 =	vsel vm0, v5, v9;
	vm1 =	vge.f32 v2, v10  }
0xfa: {  	(xrf1) =	vsort.dscd.msk.f32 $0xffff, v8, v11;
	v8 =	vsel vm1, v10, v2  }
0xfb: {  	v7 =	vperm.xlane v12, v1;
	_ =	sdelay $0x1  }
0xfc: {  	s30 =	simm.s32 $0x40;
	v12, v13, _ =	vpop (xrf1);
	v11 =	vsel vm1, v7, v3  }
0xfd: {  	v14 =	vld [tilespmem:s30+$0x0];
	v4 =	vsel vm0, v6, v4;
	v5 =	vsel vm0, v9, v5;
	(xrf1) =	vsort.dscd.msk.f32 $0xffff, v8, v11;
	v6, v8, _ =	vpop (xrf1)  }
0xfe: {  	(xrf1) =	vsort.dscd.msk.f32 $0xffff, v4, v5;
	v4 =	vperm.xlane v6, v1  }
0xff: {  	v6 =	vsel vm1, v3, v7;
	v7 =	vperm.xlane v8, v1  }
0x100: {  	v5 =	vsel vm1, v2, v10;
	vm0 =	vge.f32 v12, v4  }
0x101: {  	(xrf1) =	vsort.dscd.msk.f32 $0xffff, v5, v6;
	v5 =	vor.u32 s30, v0;
	v6 =	vsel vm0, v7, v13  }
0x102: {  	(xrf1) =	vsort.dscd.msk.f32 $0xffff, v14, v5;
	v5 =	vsel vm0, v4, v12;
	_ =	sdelay $0x1  }
0x103: {  	v8, v9, _ =	vpop (xrf1)  }
0x104: {  	(xrf1) =	vsort.dscd.msk.f32 $0xffff, v5, v6;
	v5, v6, _ =	vpop (xrf1)  }
0x105: {  	v5 =	vperm.xlane v5, v1  }
0x106: {  	v6 =	vperm.xlane v6, v1  }
0x107: {  	v4 =	vsel vm0, v12, v4;
	v7 =	vsel vm0, v13, v7;
	vm0 =	vge.f32 v8, v5  }
0x108: {  	(xrf1) =	vsort.dscd.msk.f32 $0xffff, v4, v7;
	v7 =	vsel vm0, v6, v9  }
0x109: {  	v4 =	vsel vm0, v5, v8;
	_ =	sdelay $0x1  }
0x10a: {  	v10, v11, _ =	vpop (xrf1)  }
0x10b: {  	(xrf1) =	vsort.dscd.msk.f32 $0xffff, v4, v7;
	v4, v7, _ =	vpop (xrf1)  }
0x10c: {  	v4 =	vperm.xlane v4, v1  }
0x10d: {  	v5 =	vsel vm0, v8, v5;
	v6 =	vsel vm0, v9, v6;
	v8, v12, _ =	vpop (xrf1);
	v7 =	vperm.xlane v7, v1  }
0x10e: {  	(xrf1) =	vsort.dscd.msk.f32 $0xffff, v5, v6;
	v8 =	vperm.xlane v8, v1;
	vm0 =	vge.f32 v10, v4  }
0x10f: {  	v5 =	vperm.xlane v12, v1;
	v13 =	vsel vm0, v7, v11;
	v7 =	vsel vm0, v11, v7  }
0x110: {  	v6, v9, _ =	vpop (xrf1);
	v12 =	vsel vm0, v4, v10;
	vm1 =	vge.f32 v2, v8;
	v4 =	vsel vm0, v10, v4  }
0x111: {  	v14, v15, _ =	vpop (xrf1);
	(xrf1) =	vsort.dscd.msk.f32 $0xffff, v12, v13;
	v12 =	vsel vm1, v8, v2;
	v13 =	vsel vm1, v5, v3  }
0x112: {  	v16, v17, _ =	vpop (xrf1);
	(xrf1) =	vsort.dscd.msk.f32 $0xffff, v12, v13  }
0x113: {  	v10 =	vperm.xlane v16, v1;
	v8 =	vsel vm1, v2, v8;
	(xrf1) =	vsort.dscd.msk.f32 $0xffff, v4, v7;
	v4, v7, _ =	vpop (xrf1)  }
0x114: {  	v11 =	vperm.xlane v17, v1;
	v5 =	vsel vm1, v3, v5;
	v4 =	vperm.xlane v4, v1  }
0x115: {  	vm0 =	vge.f32 v6, v10;
	(xrf1) =	vsort.dscd.msk.f32 $0xffff, v8, v5;
	v7 =	vperm.xlane v7, v1  }
0x116: {  	v5 =	vsel vm0, v10, v6;
	v8 =	vsel vm0, v11, v9;
	vm1 =	vge.f32 v14, v4  }
0x117: {  	(xrf1) =	vsort.dscd.msk.f32 $0xffff, v5, v8;
	v8 =	vsel vm1, v7, v15;
	_ =	sdelay $0x1  }
0x118: {  	s31 =	simm.s32 $0x50;
	v12, v13, _ =	vpop (xrf1);
	v5 =	vsel vm1, v4, v14  }
0x119: {  	v59 =	vld [tilespmem:s31+$0x0];
	(xrf1) =	vsort.dscd.msk.f32 $0xffff, v5, v8;
	v5 =	vsel vm0, v6, v10;
	v6 =	vsel vm0, v9, v11;
	v8, v9, _ =	vpop (xrf1)  }
0x11a: {  	(xrf1) =	vsort.dscd.msk.f32 $0xffff, v5, v6;
	v5 =	vperm.xlane v8, v1  }
0x11b: {  	v6 =	vsel vm1, v15, v7;
	v7 =	vperm.xlane v9, v1  }
0x11c: {  	v4 =	vsel vm1, v14, v4;
	vm0 =	vge.f32 v12, v5  }
0x11d: {  	(xrf1) =	vsort.dscd.msk.f32 $0xffff, v4, v6;
	v4 =	vor.u32 s31, v0;
	v6 =	vsel vm0, v7, v13  }
0x11e: {  	(xrf1) =	vsort.dscd.msk.f32 $0xffff, v59, v4;
	v4 =	vsel vm0, v5, v12;
	_ =	sdelay $0x1  }
0x11f: {  	v8, v9, _ =	vpop (xrf1)  }
0x120: {  	(xrf1) =	vsort.dscd.msk.f32 $0xffff, v4, v6;
	v4, v6, _ =	vpop (xrf1)  }
0x121: {  	v4 =	vperm.xlane v4, v1  }
0x122: {  	v7 =	vsel vm0, v13, v7;
	v10, v11, _ =	vpop (xrf1);
	v6 =	vperm.xlane v6, v1  }
0x123: {  	v5 =	vsel vm0, v12, v5;
	v10 =	vperm.xlane v10, v1;
	vm0 =	vge.f32 v8, v4  }
0x124: {  	(xrf1) =	vsort.dscd.msk.f32 $0xffff, v5, v7;
	v13 =	vsel vm0, v6, v9  }
0x125: {  	v5 =	vperm.xlane v11, v1;
	v7, v11, _ =	vpop (xrf1);
	v12 =	vsel vm0, v4, v8;
	vm1 =	vge.f32 v2, v10  }
0x126: {  	v14, v15, _ =	vpop (xrf1);
	v4 =	vsel vm0, v8, v4;
	v6 =	vsel vm0, v9, v6;
	(xrf1) =	vsort.dscd.msk.f32 $0xffff, v12, v13  }
0x127: {  	v12 =	vsel vm1, v2, v10;
	v10 =	vsel vm1, v10, v2;
	v8 =	vsel vm1, v5, v3;
	v13, v60, _ =	vpop (xrf1)  }
0x128: {  	v5 =	vsel vm1, v3, v5;
	(xrf1) =	vsort.dscd.msk.f32 $0xffff, v10, v8;
	v9 =	vperm.xlane v13, v1  }
0x129: {  	(xrf1) =	vsort.dscd.msk.f32 $0xffff, v12, v5;
	v13, v61, _ =	vpop (xrf1)  }
0x12a: {  	v8 =	vperm.xlane v60, v1;
	v10 =	vperm.xlane v13, v1;
	vm0 =	vge.f32 v7, v9  }
0x12b: {  	(xrf1) =	vsort.dscd.msk.f32 $0xffff, v4, v6;
	v4 =	vperm.xlane v61, v1;
	v5 =	vsel vm0, v9, v7  }
0x12c: {  	v6, v12, _ =	vpop (xrf1);
	v13 =	vsel vm0, v8, v11;
	vm1 =	vge.f32 v14, v10;
	v7 =	vsel vm0, v7, v9  }
0x12d: {  	v62, v63, _ =	vpop (xrf1);
	(xrf1) =	vsort.dscd.msk.f32 $0xffff, v5, v13;
	v5 =	vsel vm1, v10, v14  }
0x12e: {  	v18, v19, _ =	vpop (xrf1);
	v13 =	vsel vm1, v4, v15  }
0x12f: {  	v8 =	vsel vm0, v11, v8;
	v9 =	vperm.xlane v18, v1;
	(xrf1) =	vsort.dscd.msk.f32 $0xffff, v5, v13  }
0x130: {  	(xrf1) =	vsort.dscd.msk.f32 $0xffff, v7, v8;
	v8 =	vsel vm1, v14, v10;
	v10 =	vperm.xlane v19, v1;
	v5, v7, _ =	vpop (xrf1)  }
0x131: {  	v4 =	vsel vm1, v15, v4;
	vm0 =	vge.f32 v6, v9;
	v11 =	vperm.xlane v5, v1  }
0x132: {  	(xrf1) =	vsort.dscd.msk.f32 $0xffff, v8, v4;
	v4 =	vsel vm0, v9, v6;
	v5 =	vsel vm0, v10, v12  }
0x133: {  	v6 =	vsel vm0, v6, v9;
	v7 =	vperm.xlane v7, v1;
	vm1 =	vge.f32 v62, v11  }
0x134: {  	s21 =	simm.s32 $0x60;
	(xrf1) =	vsort.dscd.msk.f32 $0xffff, v4, v5;
	v4 =	vsel vm1, v11, v62  }
0x135: {  	v14 =	vld [tilespmem:s21+$0x0];
	v8 =	vsel vm1, v7, v63  }
0x136: {  	v9 =	vsel vm0, v12, v10;
	v13, v5, _ =	vpop (xrf1);
	(xrf1) =	vsort.dscd.msk.f32 $0xffff, v4, v8  }
0x137: {  	(xrf1) =	vsort.dscd.msk.f32 $0xffff, v6, v9;
	v4, v6, _ =	vpop (xrf1)  }
0x138: {  	v7 =	vsel vm1, v63, v7;
	v8 =	vsel vm1, v62, v11;
	v10 =	vperm.xlane v4, v1  }
0x139: {  	(xrf1) =	vsort.dscd.msk.f32 $0xffff, v8, v7;
	v8 =	vor.u32 s21, v0;
	v9 =	vperm.xlane v6, v1;
	v4, v6, _ =	vpop (xrf1)  }
0x13a: {  	(xrf1) =	vsort.dscd.msk.f32 $0xffff, v14, v8;
	v11 =	vperm.xlane v4, v1;
	vm0 =	vge.f32 v13, v10  }
0x13b: {  	v12 =	vperm.xlane v6, v1;
	v7, v4, _ =	vpop (xrf1);
	v14 =	vsel vm0, v10, v13;
	v15 =	vsel vm0, v9, v5  }
0x13c: {  	s22 =	simm.s32 $0x70;
	v8, v6, _ =	vpop (xrf1);
	v10 =	vsel vm0, v13, v10;
	vm1 =	vge.f32 v2, v11;
	(xrf1) =	vsort.dscd.msk.f32 $0xffff, v14, v15  }
.LBB2_3:
0x13d: {  	p3 =	sne.s32 s22, $0xFF0;
	v13, v14, _ =	vpop (xrf1);
	v5 =	vsel vm0, v5, v9;
	v2 =	vsel vm1, v2, v11;
	v15 =	vsel vm1, v3, v12;
	s23 =	smov.u32 s22;
	s22 =	sadd.s32 $0x10, s22  }
0x13e: {  	v9 =	vperm.xlane v13, v1;
	v11, v12, _ =	vpop (xrf1);
	(xrf1) =	vsort.dscd.msk.f32 $0xffff, v2, v15  }
0x13f: {  	v2 =	vperm.xlane v14, v1;
	v3, v13, _ =	vpop (xrf1);
	(xrf1) =	vsort.dscd.msk.f32 $0xffff, v10, v5;
	v5 =	vperm.xlane v11, v1  }
0x140: {  	v10 =	vperm.xlane v12, v1;
	vm0 =	vge.f32 v8, v9  }
0x141: {  	v11 =	vsel vm0, v9, v8;
	v18 =	vsel vm0, v2, v6;
	vm1 =	vge.f32 v7, v5;
	v14, v15, _ =	vpop (xrf1)  }
0x142: {  	(xrf1) =	vsort.dscd.msk.f32 $0xffff, v11, v18;
	v11 =	vsel vm1, v7, v5;
	v5 =	vsel vm1, v5, v7  }
0x143: {  	v19 =	vsel vm0, v8, v9;
	v2 =	vsel vm0, v6, v2;
	v17 =	vsel vm1, v10, v4;
	v7, v12, _ =	vpop (xrf1)  }
0x144: {  	v18 =	vsel vm1, v4, v10;
	v7 =	vperm.xlane v7, v1;
	v9, v16, _ =	vpop (xrf1);
	(xrf1) =	vsort.dscd.msk.f32 $0xffff, v5, v17  }
0x145: {  	v5 =	vperm.xlane v12, v1;
	v6, v10, _ =	vpop (xrf1);
	v9 =	vperm.xlane v9, v1;
	(xrf1) =	vsort.dscd.msk.f32 $0xffff, v11, v18  }
0x146: {  	vm0 =	vge.f32 v3, v7;
	(xrf1) =	vsort.dscd.msk.f32 $0xffff, v19, v2  }
0x147: {  	v2 =	vperm.xlane v16, v1;
	v4, v8, _ =	vpop (xrf1);
	v11 =	vsel vm0, v7, v3;
	v12 =	vsel vm0, v5, v13  }
0x148: {  	vm1 =	vge.f32 v14, v9;
	v3 =	vsel vm0, v3, v7;
	v5 =	vsel vm0, v13, v5  }
0x149: {  	(xrf1) =	vsort.dscd.msk.f32 $0xffff, v11, v12;
	v11 =	vsel vm1, v9, v14;
	v12 =	vsel vm1, v2, v15  }
0x14a: {  	v16, v17, _ =	vpop (xrf1)  }
0x14b: {  	(xrf1) =	vsort.dscd.msk.f32 $0xffff, v11, v12;
	v7 =	vperm.xlane v16, v1  }
0x14c: {  	v9 =	vsel vm1, v14, v9;
	v14 =	vsel vm1, v15, v2;
	(xrf1) =	vsort.dscd.msk.f32 $0xffff, v3, v5;
	v3, v5, _ =	vpop (xrf1)  }
0x14d: {  	v11 =	vperm.xlane v17, v1;
	v12 =	vperm.xlane v3, v1;
	vm0 =	vge.f32 v6, v7  }
0x14e: {  	v13 =	vperm.xlane v5, v1;
	(xrf1) =	vsort.dscd.msk.f32 $0xffff, v9, v14;
	v2, v3, _ =	vpop (xrf1);
	v9 =	vsel vm0, v7, v6  }
0x14f: {  	v14 =	vsel vm0, v11, v10;
	v6 =	vsel vm0, v6, v7;
	vm1 =	vge.f32 v4, v12;
	v15, v5, _ =	vpop (xrf1)  }
0x150: {  	s21 =	sadd.s32 $0x10, s21;
	(xrf1) =	vsort.dscd.msk.f32 $0xffff, v9, v14;
	v9 =	vsel vm1, v12, v4;
	v14 =	vsel vm1, v13, v8  }
0x151: {  	v10 =	vsel vm0, v10, v11;
	v16 =	vld [tilespmem:s21+$0x0];
	(xrf1) =	vsort.dscd.msk.f32 $0xffff, v9, v14  }
0x152: {  	v11 =	vsel vm1, v8, v13;
	v14 =	vsel vm1, v4, v12;
	(xrf1) =	vsort.dscd.msk.f32 $0xffff, v6, v10;
	v6, v7, _ =	vpop (xrf1)  }
.Ltmp3:
0x153: {  	v10 =	vperm.xlane v6, v1;
	(xrf1) =	vsort.dscd.msk.f32 $0xffff, v14, v11;
	(pc) =	sbr.rel @p3 .LBB2_3-.Ltmp3, $4  }
0x154: {  	v17 =	vor.u32 s23, v0;
	v9 =	vperm.xlane v7, v1;
	v8, v7, _ =	vpop (xrf1)  }
0x155: {  	vm0 =	vge.f32 v15, v10;
	v11 =	vperm.xlane v8, v1;
	v12 =	vperm.xlane v7, v1;
	v7, v4, _ =	vpop (xrf1)  }
0x156: {  	(xrf1) =	vsort.dscd.msk.f32 $0xffff, v16, v17;
	v13 =	vsel vm0, v10, v15;
	v14 =	vsel vm0, v9, v5;
	v8, v6, _ =	vpop (xrf1)  }
0x157: {  	v10 =	vsel vm0, v15, v10;
	(xrf1) =	vsort.dscd.msk.f32 $0xffff, v13, v14;
	vm1 =	vge.f32 v2, v11  }
0x158: {  	v13, v14, _ =	vpop (xrf1)  }
0x159: {  	v2 =	vsel vm1, v2, v11;
	v3 =	vsel vm1, v3, v12;
	v46 =	vperm.xlane v13, v1;
	v47, v48, _ =	vpop (xrf1)  }
0x15a: {  	v5 =	vsel vm0, v5, v9;
	(xrf1) =	vsort.dscd.msk.f32 $0xffff, v2, v3;
	v3 =	vperm.xlane v47, v1  }
0x15b: {  	v2 =	vperm.xlane v14, v1;
	(xrf1) =	vsort.dscd.msk.f32 $0xffff, v10, v5;
	vm10 =	vge.f32 v8, v46  }
0x15c: {  	v49 =	vperm.xlane v48, v1;
	v51, v50, _ =	vpop (xrf1);
	v52 =	vsel vm10, v46, v8;
	vm11 =	vge.f32 v7, v3  }
0x15d: {  	v53 =	vsel vm10, v2, v6;
	v54, v15, _ =	vpop (xrf1);
	v55 =	vsel vm11, v7, v3;
	v3 =	vsel vm11, v3, v7  }
0x15e: {  	v2 =	vsel vm10, v6, v2;
	(xrf1) =	vsort.dscd.msk.f32 $0xffff, v52, v53;
	v59 =	vsel vm11, v49, v4;
	v57, v56, _ =	vpop (xrf1)  }
0x15f: {  	v60 =	vsel vm11, v4, v49;
	(xrf1) =	vsort.dscd.msk.f32 $0xffff, v3, v59;
	v7 =	vperm.xlane v57, v1  }
0x160: {  	v58 =	vsel vm10, v8, v46;
	v62 =	vperm.xlane v56, v1;
	(xrf1) =	vsort.dscd.msk.f32 $0xffff, v55, v60;
	v3, v61, _ =	vpop (xrf1)  }
0x161: {  	(xrf1) =	vsort.dscd.msk.f32 $0xffff, v58, v2;
	v3 =	vperm.xlane v3, v1;
	vm12 =	vge.f32 v51, v7  }
0x162: {  	v2, v63, _ =	vpop (xrf1);
	v5 =	vperm.xlane v61, v1;
	v19 =	vsel vm12, v7, v51;
	v7 =	vsel vm12, v51, v7  }
0x163: {  	v20 =	vsel vm12, v62, v50;
	v22, v21, _ =	vpop (xrf1);
	v6 =	vsel vm12, v50, v62;
	vm13 =	vge.f32 v54, v3  }
0x164: {  	(xrf1) =	vsort.dscd.msk.f32 $0xffff, v19, v20;
	v23 =	vsel vm13, v3, v54;
	v24 =	vsel vm13, v5, v15;
	v16, v17, _ =	vpop (xrf1)  }
0x165: {  	(xrf1) =	vsort.dscd.msk.f32 $0xffff, v23, v24;
	v25 =	vperm.xlane v16, v1  }
0x166: {  	v3 =	vsel vm13, v54, v3;
	v26 =	vperm.xlane v17, v1;
	(xrf1) =	vsort.dscd.msk.f32 $0xffff, v7, v6;
	v6, v7, _ =	vpop (xrf1)  }
0x167: {  	v5 =	vsel vm13, v15, v5;
	v6 =	vperm.xlane v6, v1;
	vm14 =	vge.f32 v2, v25  }
0x168: {  	(xrf1) =	vsort.dscd.msk.f32 $0xffff, v3, v5;
	v3 =	vsel vm14, v25, v2;
	v27 =	vsel vm14, v26, v63  }
0x169: {  	v7 =	vperm.xlane v7, v1;
	v4 =	vsel vm14, v63, v26;
	(xrf1) =	vsort.dscd.msk.f32 $0xffff, v3, v27  }
0x16a: {  	v2 =	vsel vm14, v2, v25;
	vm15 =	vge.f32 v22, v6  }
0x16b: {  	v28 =	vsel vm15, v6, v22;
	v29 =	vsel vm15, v7, v21;
	v7 =	vsel vm15, v21, v7;
	v3, v5, _ =	vpop (xrf1)  }
0x16c: {  	v6 =	vsel vm15, v22, v6;
	(xrf1) =	vsort.dscd.msk.f32 $0xffff, v28, v29;
	v30, v31, _ =	vpop (xrf1)  }
0x16d: {  	(xrf1) =	vsort.dscd.msk.f32 $0xffff, v2, v4;
	v2, v4, _ =	vpop (xrf1)  }
0x16e: {  	v2 =	vperm.xlane v2, v1  }
0x16f: {  	(xrf1) =	vsort.dscd.msk.f32 $0xffff, v6, v7;
	v4 =	vperm.xlane v4, v1;
	v6, v7, _ =	vpop (xrf1)  }
0x170: {  	v6 =	vperm.xlane v6, v1;
	v32, v33, _ =	vpop (xrf1);
	vm4 =	vge.f32 v30, v2  }
0x171: {  	v7 =	vperm.xlane v7, v1;
	v36, v37, _ =	vpop (xrf1);
	v34 =	vsel vm4, v2, v30;
	v35 =	vsel vm4, v4, v31  }
0x172: {  	vm5 =	vge.f32 v3, v6;
	v10, v11, _ =	vpop (xrf1);
	(xrf1) =	vsort.dscd.msk.f32 $0xffff, v34, v35  }
0x173: {  	v3 =	vsel vm5, v3, v6;
	v5 =	vsel vm5, v5, v7;
	v38 =	vperm.xlane v10, v1  }
0x174: {  	v2 =	vsel vm4, v30, v2;
	v4 =	vsel vm4, v31, v4;
	v39, v40, _ =	vpop (xrf1);
	(xrf1) =	vsort.dscd.msk.f32 $0xffff, v3, v5  }
0x175: {  	v3 =	vperm.xlane v11, v1;
	v41 =	vperm.xlane v39, v1;
	v43, v42, _ =	vpop (xrf1);
	vm6 =	vge.f32 v36, v38  }
0x176: {  	(xrf1) =	vsort.dscd.msk.f32 $0xffff, v2, v4;
	v2 =	vperm.xlane v40, v1;
	v44 =	vsel vm6, v38, v36;
	v46, v47, _ =	vpop (xrf1)  }
0x177: {  	v45 =	vsel vm6, v3, v37;
	v6 =	vsel vm6, v36, v38;
	vm7 =	vge.f32 v32, v41;
	v50, v49, _ =	vpop (xrf1)  }
0x178: {  	(xrf1) =	vsort.dscd.msk.f32 $0xffff, v44, v45;
	v48 =	vsel vm7, v32, v41;
	v8 =	vperm.xlane v50, v1  }
0x179: {  	v5 =	vsel vm7, v41, v32;
	v51 =	vsel vm7, v2, v33;
	v2 =	vsel vm7, v33, v2  }
0x17a: {  	(xrf1) =	vsort.dscd.msk.f32 $0xffff, v5, v51;
	v52 =	vperm.xlane v49, v1;
	vm8 =	vge.f32 v43, v8  }
0x17b: {  	v3 =	vsel vm6, v37, v3;
	(xrf1) =	vsort.dscd.msk.f32 $0xffff, v48, v2;
	v2 =	vsel vm8, v8, v43  }
0x17c: {  	(xrf1) =	vsort.dscd.msk.f32 $0xffff, v6, v3;
	v3 =	vsel vm8, v52, v42  }
0x17d: {  	(xrf1) =	vsort.dscd.msk.f32 $0xffff, v2, v3  }
0x17e: {  	v2, v53, _ =	vpop (xrf1)  }
0x17f: {  	v54 =	vperm.xlane v2, v1;
	_ =	sdelay $0x1  }
0x180: {  	v4 =	vperm.xlane v53, v1;
	v3, v2, _ =	vpop (xrf1);
	vm9 =	vge.f32 v46, v54  }
0x181: {  	v7 =	vsel vm8, v43, v8;
	v55, v56, _ =	vpop (xrf1);
	v6 =	vsel vm9, v46, v54  }
0x182: {  	v57 =	vsel vm9, v54, v46;
	v58 =	vsel vm9, v4, v47;
	v60, v59, _ =	vpop (xrf1);
	v4 =	vsel vm9, v47, v4  }
0x183: {  	v5 =	vsel vm8, v42, v52;
	(xrf1) =	vsort.dscd.msk.f32 $0xffff, v57, v58;
	v8 =	vperm.xlane v60, v1  }
0x184: {  	v61 =	vperm.xlane v59, v1;
	v63, v62, _ =	vpop (xrf1);
	(xrf1) =	vsort.dscd.msk.f32 $0xffff, v7, v5  }
0x185: {  	vm10 =	vge.f32 v55, v8;
	(xrf1) =	vsort.dscd.msk.f32 $0xffff, v6, v4;
	v4, v6, _ =	vpop (xrf1)  }
0x186: {  	v19 =	vsel vm10, v8, v55;
	v20 =	vsel vm10, v61, v56;
	v8 =	vsel vm10, v55, v8;
	v12, v13, _ =	vpop (xrf1)  }
0x187: {  	v5 =	vsel vm10, v56, v61;
	(xrf1) =	vsort.dscd.msk.f32 $0xffff, v19, v20;
	v21 =	vperm.xlane v12, v1;
	v22, v23, _ =	vpop (xrf1)  }
0x188: {  	(xrf1) =	vsort.dscd.msk.f32 $0xffff, v8, v5;
	v24 =	vperm.xlane v13, v1;
	v25, v26, _ =	vpop (xrf1)  }
0x189: {  	v10 =	vperm.xlane v22, v1;
	v12 =	vperm.xlane v23, v1;
	vm11 =	vge.f32 v4, v21;
	v27, v28, _ =	vpop (xrf1)  }
0x18a: {  	v29 =	vsel vm11, v21, v4;
	v30 =	vsel vm11, v24, v6;
	v4 =	vsel vm11, v4, v21;
	v31, v18, _ =	vpop (xrf1)  }
0x18b: {  	vm12 =	vge.f32 v63, v10;
	(xrf1) =	vsort.dscd.msk.f32 $0xffff, v29, v30;
	v9 =	vperm.xlane v31, v1  }
0x18c: {  	v7 =	vsel vm12, v63, v10;
	v32 =	vsel vm12, v62, v12;
	v33 =	vperm.xlane v18, v1  }
0x18d: {  	v5 =	vsel vm11, v6, v24;
	(xrf1) =	vsort.dscd.msk.f32 $0xffff, v7, v32;
	vm13 =	vge.f32 v27, v9  }
0x18e: {  	(xrf1) =	vsort.dscd.msk.f32 $0xffff, v4, v5;
	v34 =	vsel vm13, v9, v27;
	v35 =	vsel vm13, v33, v28  }
0x18f: {  	(xrf1) =	vsort.dscd.msk.f32 $0xffff, v34, v35;
	_ =	sdelay $0x2  }
0x190: {  	v37, v36, _ =	vpop (xrf1)  }
0x191: {  	v38 =	vperm.xlane v37, v1;
	v5, v4, _ =	vpop (xrf1)  }
0x192: {  	v39, v12, _ =	vpop (xrf1)  }
0x193: {  	v9 =	vsel vm13, v27, v9;
	v6 =	vperm.xlane v36, v1;
	vm14 =	vge.f32 v25, v38;
	v42, v41, _ =	vpop (xrf1)  }
0x194: {  	v11 =	vsel vm13, v28, v33;
	v40 =	vsel vm14, v25, v38;
	v8 =	vperm.xlane v42, v1  }
0x195: {  	v7 =	vsel vm14, v38, v25;
	v43 =	vsel vm14, v6, v26;
	v6 =	vsel vm14, v26, v6  }
0x196: {  	(xrf1) =	vsort.dscd.msk.f32 $0xffff, v7, v43;
	v44 =	vperm.xlane v41, v1;
	vm15 =	vge.f32 v39, v8  }
0x197: {  	v45, v13, _ =	vpop (xrf1);
	(xrf1) =	vsort.dscd.msk.f32 $0xffff, v40, v6;
	v46 =	vsel vm15, v8, v39;
	v8 =	vsel vm15, v39, v8  }
0x198: {  	(xrf1) =	vsort.dscd.msk.f32 $0xffff, v9, v11;
	v47 =	vsel vm15, v44, v12;
	v7 =	vsel vm15, v12, v44;
	v48, v49, _ =	vpop (xrf1)  }
0x199: {  	(xrf1) =	vsort.dscd.msk.f32 $0xffff, v46, v47;
	v50 =	vperm.xlane v48, v1;
	v51, v52, _ =	vpop (xrf1)  }
0x19a: {  	v53 =	vperm.xlane v49, v1;
	v54, v55, _ =	vpop (xrf1)  }
0x19b: {  	(xrf1) =	vsort.dscd.msk.f32 $0xffff, v8, v7;
	vm4 =	vge.f32 v45, v50;
	v7, v8, _ =	vpop (xrf1)  }
0x19c: {  	v56 =	vsel vm4, v50, v45;
	v57 =	vsel vm4, v53, v13;
	v7 =	vperm.xlane v7, v1  }
0x19d: {  	(xrf1) =	vsort.dscd.msk.f32 $0xffff, v56, v57;
	v8 =	vperm.xlane v8, v1  }
0x19e: {  	v6 =	vsel vm4, v45, v50;
	v58 =	vsel vm4, v13, v53;
	vm5 =	vge.f32 v54, v7  }
0x19f: {  	(xrf1) =	vsort.dscd.msk.f32 $0xffff, v6, v58;
	v59 =	vsel vm5, v7, v54;
	v60 =	vsel vm5, v8, v55  }
0x1a0: {  	(xrf1) =	vsort.dscd.msk.f32 $0xffff, v59, v60;
	_ =	sdelay $0x3  }
0x1a1: {  	v6, v9, _ =	vpop (xrf1)  }
0x1a2: {  	v10, v13, _ =	vpop (xrf1)  }
0x1a3: {  	v6 =	vperm.xlane v6, v1;
	v16, v17, _ =	vpop (xrf1)  }
0x1a4: {  	v9 =	vperm.xlane v9, v1;
	v61, v19, _ =	vpop (xrf1)  }
0x1a5: {  	v7 =	vsel vm5, v54, v7;
	vm6 =	vge.f32 v51, v6;
	v62 =	vperm.xlane v61, v1  }
0x1a6: {  	v6 =	vsel vm6, v51, v6;
	v9 =	vsel vm6, v52, v9;
	v63 =	vperm.xlane v19, v1  }
0x1a7: {  	v8 =	vsel vm5, v55, v8;
	(xrf1) =	vsort.dscd.msk.f32 $0xffff, v6, v9;
	v19, v18, _ =	vpop (xrf1);
	vm7 =	vge.f32 v10, v62  }
0x1a8: {  	(xrf1) =	vsort.dscd.msk.f32 $0xffff, v7, v8;
	v20 =	vsel vm7, v10, v62;
	v6 =	vsel vm7, v13, v63;
	v22, v21, _ =	vpop (xrf1)  }
0x1a9: {  	v10 =	vsel vm7, v62, v10;
	v23 =	vsel vm7, v63, v13;
	v8 =	vperm.xlane v22, v1  }
0x1aa: {  	(xrf1) =	vsort.dscd.msk.f32 $0xffff, v10, v23;
	v24 =	vperm.xlane v21, v1;
	v26, v25, _ =	vpop (xrf1)  }
0x1ab: {  	(xrf1) =	vsort.dscd.msk.f32 $0xffff, v20, v6;
	vm8 =	vge.f32 v19, v8;
	v6, v7, _ =	vpop (xrf1)  }
0x1ac: {  	v27 =	vsel vm8, v8, v19;
	v28 =	vsel vm8, v24, v18;
	v6 =	vperm.xlane v6, v1  }
0x1ad: {  	(xrf1) =	vsort.dscd.msk.f32 $0xffff, v27, v28;
	v7 =	vperm.xlane v7, v1  }
0x1ae: {  	v8 =	vsel vm8, v19, v8;
	v29 =	vsel vm8, v18, v24;
	vm9 =	vge.f32 v26, v6  }
0x1af: {  	(xrf1) =	vsort.dscd.msk.f32 $0xffff, v8, v29;
	v30 =	vsel vm9, v6, v26;
	v31 =	vsel vm9, v7, v25  }
0x1b0: {  	(xrf1) =	vsort.dscd.msk.f32 $0xffff, v30, v31;
	_ =	sdelay $0x6  }
0x1b1: {  	v8, v9, _ =	vpop (xrf1)  }
0x1b2: {  	v10, v11, _ =	vpop (xrf1)  }
0x1b3: {  	v14, v15, _ =	vpop (xrf1)  }
0x1b4: {  	v14 =	vperm.xlane v14, v1;
	v32, v33, _ =	vpop (xrf1)  }
0x1b5: {  	v6 =	vsel vm9, v26, v6;
	v7 =	vsel vm9, v25, v7;
	v34, v35, _ =	vpop (xrf1)  }
0x1b6: {  	v15 =	vperm.xlane v15, v1;
	vm10 =	vge.f32 v8, v14;
	v12 =	vperm.xlane v34, v1  }
0x1b7: {  	(xrf1) =	vsort.dscd.msk.f32 $0xffff, v6, v7;
	v36 =	vsel vm10, v8, v14;
	v37, v38, _ =	vpop (xrf1)  }
0x1b8: {  	v9 =	vsel vm10, v9, v15;
	v13 =	vperm.xlane v35, v1;
	vm11 =	vge.f32 v32, v12;
	v39, v40, _ =	vpop (xrf1)  }
0x1b9: {  	(xrf1) =	vsort.dscd.msk.f32 $0xffff, v36, v9;
	v41 =	vsel vm11, v32, v12;
	v42 =	vperm.xlane v39, v1  }
0x1ba: {  	v12 =	vsel vm11, v12, v32;
	v43 =	vsel vm11, v13, v33;
	v15 =	vperm.xlane v40, v1  }
0x1bb: {  	v13 =	vsel vm11, v33, v13;
	(xrf1) =	vsort.dscd.msk.f32 $0xffff, v12, v43;
	vm12 =	vge.f32 v37, v42  }
0x1bc: {  	(xrf1) =	vsort.dscd.msk.f32 $0xffff, v41, v13;
	v44 =	vsel vm12, v42, v37;
	v45 =	vsel vm12, v15, v38  }
0x1bd: {  	(xrf1) =	vsort.dscd.msk.f32 $0xffff, v44, v45;
	_ =	sdelay $0x9  }
0x1be: {  	v6, v12, _ =	vpop (xrf1)  }
0x1bf: {  	v47, v46, _ =	vpop (xrf1)  }
0x1c0: {  	v48, v49, _ =	vpop (xrf1)  }
0x1c1: {  	v20, v21, _ =	vpop (xrf1)  }
0x1c2: {  	v7 =	vsel vm12, v37, v42;
	v50 =	vperm.xlane v48, v1;
	v51, v22, _ =	vpop (xrf1)  }
0x1c3: {  	v8 =	vsel vm12, v38, v15;
	v52 =	vperm.xlane v49, v1;
	v18 =	vperm.xlane v51, v1  }
0x1c4: {  	(xrf1) =	vsort.dscd.msk.f32 $0xffff, v7, v8;
	vm13 =	vge.f32 v47, v50;
	v53 =	vperm.xlane v22, v1  }
0x1c5: {  	v54 =	vsel vm13, v47, v50;
	v55 =	vsel vm13, v46, v52;
	vm14 =	vge.f32 v20, v18  }
0x1c6: {  	(xrf1) =	vsort.dscd.msk.f32 $0xffff, v54, v55;
	v56 =	vsel vm14, v18, v20;
	v57 =	vsel vm14, v53, v21  }
0x1c7: {  	(xrf1) =	vsort.dscd.msk.f32 $0xffff, v56, v57;
	_ =	sdelay $0xb  }
0x1c8: {  	v8, v9, _ =	vpop (xrf1)  }
0x1c9: {  	v58, v59, _ =	vpop (xrf1)  }
0x1ca: {  	v60, v19, _ =	vpop (xrf1)  }
0x1cb: {  	v15 =	vperm.xlane v60, v1  }
0x1cc: {  	v18 =	vsel vm14, v20, v18;
	v7 =	vsel vm14, v21, v53;
	v19 =	vperm.xlane v19, v1  }
0x1cd: {  	(xrf1) =	vsort.dscd.msk.f32 $0xffff, v18, v7;
	vm15 =	vge.f32 v58, v15  }
0x1ce: {  	v61 =	vsel vm15, v58, v15;
	v62 =	vsel vm15, v59, v19  }
0x1cf: {  	(xrf1) =	vsort.dscd.msk.f32 $0xffff, v61, v62  }
0x1d0: {  	[tilespmem:$0x1080] =	vst v3  }
0x1d1: {  	[tilespmem:$0x1000] =	vst v2  }
0x1d2: {  	[tilespmem:$0x1090] =	vst v5  }
0x1d3: {  	[tilespmem:$0x1010] =	vst v4  }
0x1d4: {  	[tilespmem:$0x10A0] =	vst v16  }
0x1d5: {  	[tilespmem:$0x1020] =	vst v17  }
0x1d6: {  	[tilespmem:$0x10B0] =	vst v10  }
0x1d7: {  	[tilespmem:$0x1030] =	vst v11  }
0x1d8: {  	[tilespmem:$0x10C0] =	vst v6  }
0x1d9: {  	[tilespmem:$0x1040] =	vst v12  }
0x1da: {  	[tilespmem:$0x10D0] =	vst v8  }
0x1db: {  	[tilespmem:$0x1050] =	vst v9;
	v2, v3, _ =	vpop (xrf1)  }
0x1dc: {  	[tilespmem:$0x10E0] =	vst v2  }
0x1dd: {  	[tilespmem:$0x1060] =	vst v3;
	v2, v63, _ =	vpop (xrf1)  }
0x1de: {  	[tilespmem:$0x10F0] =	vst v2  }
0x1df: {  	[tilespmem:$0x1070] =	vst v63  }
0x1e0: {  	[tilespmem:s17], [sflag:$0x1] =	stream.indirect.gather [hbm4b:s1+s15], $0x80, s16, s15, $0xb8;
	[tilespmem:$0x5100] =	vst v63  }
0x1e1: {  	_ =	swait.ge [sflag:s18], $0x4000  }
0x1e2: {  	[sflag:s18] =	ssyncset.done $0x0  }
0x1e3: {  	[sflag:s18] =	ssyncadd.s32 $0xFFFFC000  }
0x1e4: {  	[hbm4b:s2+s3] =	stream.linear.scatter [tilespmem:s17], [sflag:$0x2], $0x4000, $0x38;
	[tilespmem:$0x5100] =	vst v63  }
0x1e5: {  	_ =	swait.ge [sflag:s14], $0x4000  }
0x1e6: {  	[sflag:s14] =	ssyncset.done $0x0  }
0x1e7: {  	[sflag:s14] =	ssyncadd.s32 $0xFFFFC000  }
0x1e8: {  	[hbm4b:s6+s3] =	stream.linear.scatter [tilespmem:s19], [sflag:$0x2], $0x80, $0x38;
	[tilespmem:$0x5100] =	vst v63  }
0x1e9: {  	_ =	swait.ge [sflag:s14], $0x80  }
0x1ea: {  	[sflag:s14] =	ssyncset.done $0x0  }
0x1eb: {  	[sflag:s14] =	ssyncadd.s32 $0xFFFFFF80  }
.LBB2_5:
.Ltmp4:
0x1ec: {  	(pc) =	sbr.rel @!p0 .LBB2_9-.Ltmp4, $1  }
0x1ed: {  	_ =	sdelay $0x3  }
0x1ee: {  	s21 =	simm.s32 $0x0  }
0x1ef: {  	[tilespmem:s21], [sflag:$0x2] =	stream.linear.gather [hbm4b:s7+s21], $0x1000, $0x38;
	[tilespmem:$0x5100] =	vst v63  }
0x1f0: {  	_ =	swait.ge [sflag:s14], $0x1000  }
0x1f1: {  	[sflag:s14] =	ssyncset.done $0x0  }
0x1f2: {  	[sflag:s14] =	ssyncadd.s32 $0xFFFFF000  }
0x1f3: {  	v2 =	vld [tilespmem:s21+$0x0];
	_ =	sdelay $0x3  }
0x1f4: {  	v3 =	vor.u32 s21, v0  }
0x1f5: {  	(xrf1) =	vsort.dscd.msk.f32 $0xffff, v2, v3;
	_ =	sdelay $0xd  }
0x1f6: {  	v2, v3, _ =	vpop (xrf1)  }
0x1f7: {  	v4 =	vperm.xlane v2, v1  }
0x1f8: {  	v2 =	vimm.f32 $-Inf;
	v5 =	vperm.xlane v3, v1  }
0x1f9: {  	v3 =	vimm.s32 $0x0;
	vm0 =	vge.f32 v2, v4  }
0x1fa: {  	v6 =	vsel vm0, v4, v2;
	v7 =	vsel vm0, v5, v3  }
0x1fb: {  	(xrf1) =	vsort.dscd.msk.f32 $0xffff, v6, v7;
	_ =	sdelay $0x1  }
0x1fc: {  	s26 =	simm.s32 $0x10  }
0x1fd: {  	v6 =	vld [tilespmem:s26+$0x0];
	_ =	sdelay $0x2  }
0x1fe: {  	v4 =	vsel vm0, v2, v4;
	v5 =	vsel vm0, v3, v5  }
0x1ff: {  	(xrf1) =	vsort.dscd.msk.f32 $0xffff, v4, v5;
	v4 =	vor.u32 s26, v0  }
0x200: {  	(xrf1) =	vsort.dscd.msk.f32 $0xffff, v6, v4;
	_ =	sdelay $0x5  }
0x201: {  	v4, v5, _ =	vpop (xrf1)  }
0x202: {  	v4 =	vperm.xlane v4, v1  }
0x203: {  	v5 =	vperm.xlane v5, v1  }
0x204: {  	vm0 =	vge.f32 v2, v4  }
0x205: {  	v6 =	vsel vm0, v4, v2;
	v7 =	vsel vm0, v5, v3  }
0x206: {  	(xrf1) =	vsort.dscd.msk.f32 $0xffff, v6, v7;
	_ =	sdelay $0x1  }
0x207: {  	v8, v9, _ =	vpop (xrf1)  }
0x208: {  	v6, v7, _ =	vpop (xrf1)  }
0x209: {  	v6 =	vperm.xlane v6, v1  }
0x20a: {  	v7 =	vperm.xlane v7, v1  }
0x20b: {  	v4 =	vsel vm0, v2, v4;
	v5 =	vsel vm0, v3, v5;
	vm0 =	vge.f32 v8, v6  }
0x20c: {  	(xrf1) =	vsort.dscd.msk.f32 $0xffff, v4, v5;
	v4 =	vsel vm0, v6, v8;
	v5 =	vsel vm0, v7, v9  }
0x20d: {  	s28 =	simm.s32 $0x20;
	(xrf1) =	vsort.dscd.msk.f32 $0xffff, v4, v5  }
0x20e: {  	v4 =	vld [tilespmem:s28+$0x0];
	v5 =	vsel vm0, v8, v6;
	v6 =	vsel vm0, v9, v7  }
0x20f: {  	(xrf1) =	vsort.dscd.msk.f32 $0xffff, v5, v6;
	v5 =	vor.u32 s28, v0;
	_ =	sdelay $0x3  }
0x210: {  	(xrf1) =	vsort.dscd.msk.f32 $0xffff, v4, v5;
	v4, v5, _ =	vpop (xrf1)  }
0x211: {  	v4 =	vperm.xlane v4, v1  }
0x212: {  	v5 =	vperm.xlane v5, v1  }
0x213: {  	vm0 =	vge.f32 v2, v4  }
0x214: {  	v7 =	vsel vm0, v5, v3  }
0x215: {  	v6 =	vsel vm0, v4, v2;
	_ =	sdelay $0x1  }
0x216: {  	v8, v9, _ =	vpop (xrf1)  }
0x217: {  	(xrf1) =	vsort.dscd.msk.f32 $0xffff, v6, v7;
	v6, v7, _ =	vpop (xrf1)  }
0x218: {  	v6 =	vperm.xlane v6, v1  }
0x219: {  	v7 =	vperm.xlane v7, v1  }
0x21a: {  	v4 =	vsel vm0, v2, v4;
	v5 =	vsel vm0, v3, v5;
	vm0 =	vge.f32 v8, v6  }
0x21b: {  	(xrf1) =	vsort.dscd.msk.f32 $0xffff, v4, v5;
	v5 =	vsel vm0, v7, v9  }
0x21c: {  	v4 =	vsel vm0, v6, v8;
	_ =	sdelay $0x1  }
0x21d: {  	v10, v11, _ =	vpop (xrf1)  }
0x21e: {  	(xrf1) =	vsort.dscd.msk.f32 $0xffff, v4, v5;
	v4, v5, _ =	vpop (xrf1)  }
0x21f: {  	v4 =	vperm.xlane v4, v1  }
0x220: {  	v5 =	vperm.xlane v5, v1  }
0x221: {  	v6 =	vsel vm0, v8, v6;
	v7 =	vsel vm0, v9, v7;
	vm0 =	vge.f32 v10, v4  }
0x222: {  	(xrf1) =	vsort.dscd.msk.f32 $0xffff, v6, v7;
	v7 =	vsel vm0, v5, v11;
	_ =	sdelay $0x1  }
0x223: {  	s29 =	simm.s32 $0x30;
	v6 =	vsel vm0, v4, v10  }
0x224: {  	(xrf1) =	vsort.dscd.msk.f32 $0xffff, v6, v7;
	v6 =	vld [tilespmem:s29+$0x0];
	v7, v8, _ =	vpop (xrf1)  }
0x225: {  	v7 =	vperm.xlane v7, v1  }
0x226: {  	v8 =	vperm.xlane v8, v1  }
0x227: {  	v4 =	vsel vm0, v10, v4;
	v5 =	vsel vm0, v11, v5;
	vm0 =	vge.f32 v2, v7  }
0x228: {  	(xrf1) =	vsort.dscd.msk.f32 $0xffff, v4, v5;
	v4 =	vor.u32 s29, v0;
	v5 =	vsel vm0, v8, v3  }
0x229: {  	(xrf1) =	vsort.dscd.msk.f32 $0xffff, v6, v4;
	v4 =	vsel vm0, v7, v2;
	_ =	sdelay $0x1  }
0x22a: {  	v6, v9, _ =	vpop (xrf1)  }
0x22b: {  	(xrf1) =	vsort.dscd.msk.f32 $0xffff, v4, v5;
	v4, v5, _ =	vpop (xrf1)  }
0x22c: {  	v4 =	vperm.xlane v4, v1  }
0x22d: {  	v5 =	vperm.xlane v5, v1  }
0x22e: {  	v7 =	vsel vm0, v2, v7;
	v8 =	vsel vm0, v3, v8;
	vm0 =	vge.f32 v6, v4  }
0x22f: {  	(xrf1) =	vsort.dscd.msk.f32 $0xffff, v7, v8;
	v8 =	vsel vm0, v5, v9  }
0x230: {  	v7 =	vsel vm0, v4, v6;
	_ =	sdelay $0x1  }
0x231: {  	v10, v11, _ =	vpop (xrf1)  }
0x232: {  	(xrf1) =	vsort.dscd.msk.f32 $0xffff, v7, v8;
	v7, v8, _ =	vpop (xrf1)  }
0x233: {  	v7 =	vperm.xlane v7, v1  }
0x234: {  	v8 =	vperm.xlane v8, v1  }
0x235: {  	v4 =	vsel vm0, v6, v4;
	v5 =	vsel vm0, v9, v5;
	vm0 =	vge.f32 v10, v7  }
0x236: {  	(xrf1) =	vsort.dscd.msk.f32 $0xffff, v4, v5;
	v5 =	vsel vm0, v8, v11  }
0x237: {  	v4 =	vsel vm0, v7, v10;
	_ =	sdelay $0x1  }
0x238: {  	v6, v9, _ =	vpop (xrf1)  }
0x239: {  	(xrf1) =	vsort.dscd.msk.f32 $0xffff, v4, v5;
	v4, v5, _ =	vpop (xrf1)  }
0x23a: {  	v7 =	vsel vm0, v10, v7;
	v4 =	vperm.xlane v4, v1;
	v10, v12, _ =	vpop (xrf1)  }
0x23b: {  	v8 =	vsel vm0, v11, v8;
	v5 =	vperm.xlane v5, v1;
	v10 =	vperm.xlane v10, v1  }
0x23c: {  	(xrf1) =	vsort.dscd.msk.f32 $0xffff, v7, v8;
	vm0 =	vge.f32 v6, v4  }
0x23d: {  	v8 =	vsel vm0, v4, v6;
	v11 =	vsel vm0, v5, v9;
	vm1 =	vge.f32 v2, v10  }
0x23e: {  	(xrf1) =	vsort.dscd.msk.f32 $0xffff, v8, v11;
	v8 =	vsel vm1, v10, v2  }
0x23f: {  	v7 =	vperm.xlane v12, v1;
	_ =	sdelay $0x1  }
0x240: {  	s30 =	simm.s32 $0x40;
	v12, v13, _ =	vpop (xrf1);
	v11 =	vsel vm1, v7, v3  }
0x241: {  	v14 =	vld [tilespmem:s30+$0x0];
	v4 =	vsel vm0, v6, v4;
	v5 =	vsel vm0, v9, v5;
	(xrf1) =	vsort.dscd.msk.f32 $0xffff, v8, v11;
	v6, v8, _ =	vpop (xrf1)  }
0x242: {  	(xrf1) =	vsort.dscd.msk.f32 $0xffff, v4, v5;
	v4 =	vperm.xlane v6, v1  }
0x243: {  	v6 =	vsel vm1, v3, v7;
	v7 =	vperm.xlane v8, v1  }
0x244: {  	v5 =	vsel vm1, v2, v10;
	vm0 =	vge.f32 v12, v4  }
0x245: {  	(xrf1) =	vsort.dscd.msk.f32 $0xffff, v5, v6;
	v5 =	vor.u32 s30, v0;
	v6 =	vsel vm0, v7, v13  }
0x246: {  	(xrf1) =	vsort.dscd.msk.f32 $0xffff, v14, v5;
	v5 =	vsel vm0, v4, v12;
	_ =	sdelay $0x1  }
0x247: {  	v8, v9, _ =	vpop (xrf1)  }
0x248: {  	(xrf1) =	vsort.dscd.msk.f32 $0xffff, v5, v6;
	v5, v6, _ =	vpop (xrf1)  }
0x249: {  	v5 =	vperm.xlane v5, v1  }
0x24a: {  	v6 =	vperm.xlane v6, v1  }
0x24b: {  	v4 =	vsel vm0, v12, v4;
	v7 =	vsel vm0, v13, v7;
	vm0 =	vge.f32 v8, v5  }
0x24c: {  	(xrf1) =	vsort.dscd.msk.f32 $0xffff, v4, v7;
	v7 =	vsel vm0, v6, v9  }
0x24d: {  	v4 =	vsel vm0, v5, v8;
	_ =	sdelay $0x1  }
0x24e: {  	v10, v11, _ =	vpop (xrf1)  }
0x24f: {  	(xrf1) =	vsort.dscd.msk.f32 $0xffff, v4, v7;
	v4, v7, _ =	vpop (xrf1)  }
0x250: {  	v4 =	vperm.xlane v4, v1  }
0x251: {  	v5 =	vsel vm0, v8, v5;
	v6 =	vsel vm0, v9, v6;
	v8, v12, _ =	vpop (xrf1);
	v7 =	vperm.xlane v7, v1  }
0x252: {  	(xrf1) =	vsort.dscd.msk.f32 $0xffff, v5, v6;
	v8 =	vperm.xlane v8, v1;
	vm0 =	vge.f32 v10, v4  }
0x253: {  	v5 =	vperm.xlane v12, v1;
	v13 =	vsel vm0, v7, v11;
	v7 =	vsel vm0, v11, v7  }
0x254: {  	v6, v9, _ =	vpop (xrf1);
	v12 =	vsel vm0, v4, v10;
	vm1 =	vge.f32 v2, v8;
	v4 =	vsel vm0, v10, v4  }
0x255: {  	v14, v15, _ =	vpop (xrf1);
	(xrf1) =	vsort.dscd.msk.f32 $0xffff, v12, v13;
	v12 =	vsel vm1, v8, v2;
	v13 =	vsel vm1, v5, v3  }
0x256: {  	v16, v17, _ =	vpop (xrf1);
	(xrf1) =	vsort.dscd.msk.f32 $0xffff, v12, v13  }
0x257: {  	v10 =	vperm.xlane v16, v1;
	v8 =	vsel vm1, v2, v8;
	(xrf1) =	vsort.dscd.msk.f32 $0xffff, v4, v7;
	v4, v7, _ =	vpop (xrf1)  }
0x258: {  	v11 =	vperm.xlane v17, v1;
	v5 =	vsel vm1, v3, v5;
	v4 =	vperm.xlane v4, v1  }
0x259: {  	vm0 =	vge.f32 v6, v10;
	(xrf1) =	vsort.dscd.msk.f32 $0xffff, v8, v5;
	v7 =	vperm.xlane v7, v1  }
0x25a: {  	v5 =	vsel vm0, v10, v6;
	v8 =	vsel vm0, v11, v9;
	vm1 =	vge.f32 v14, v4  }
0x25b: {  	(xrf1) =	vsort.dscd.msk.f32 $0xffff, v5, v8;
	v8 =	vsel vm1, v7, v15;
	_ =	sdelay $0x1  }
0x25c: {  	s31 =	simm.s32 $0x50;
	v12, v13, _ =	vpop (xrf1);
	v5 =	vsel vm1, v4, v14  }
0x25d: {  	v59 =	vld [tilespmem:s31+$0x0];
	(xrf1) =	vsort.dscd.msk.f32 $0xffff, v5, v8;
	v5 =	vsel vm0, v6, v10;
	v6 =	vsel vm0, v9, v11;
	v8, v9, _ =	vpop (xrf1)  }
0x25e: {  	(xrf1) =	vsort.dscd.msk.f32 $0xffff, v5, v6;
	v5 =	vperm.xlane v8, v1  }
0x25f: {  	v6 =	vsel vm1, v15, v7;
	v7 =	vperm.xlane v9, v1  }
0x260: {  	v4 =	vsel vm1, v14, v4;
	vm0 =	vge.f32 v12, v5  }
0x261: {  	(xrf1) =	vsort.dscd.msk.f32 $0xffff, v4, v6;
	v4 =	vor.u32 s31, v0;
	v6 =	vsel vm0, v7, v13  }
0x262: {  	(xrf1) =	vsort.dscd.msk.f32 $0xffff, v59, v4;
	v4 =	vsel vm0, v5, v12;
	_ =	sdelay $0x1  }
0x263: {  	v8, v9, _ =	vpop (xrf1)  }
0x264: {  	(xrf1) =	vsort.dscd.msk.f32 $0xffff, v4, v6;
	v4, v6, _ =	vpop (xrf1)  }
0x265: {  	v4 =	vperm.xlane v4, v1  }
0x266: {  	v7 =	vsel vm0, v13, v7;
	v10, v11, _ =	vpop (xrf1);
	v6 =	vperm.xlane v6, v1  }
0x267: {  	v5 =	vsel vm0, v12, v5;
	v10 =	vperm.xlane v10, v1;
	vm0 =	vge.f32 v8, v4  }
0x268: {  	(xrf1) =	vsort.dscd.msk.f32 $0xffff, v5, v7;
	v13 =	vsel vm0, v6, v9  }
0x269: {  	v5 =	vperm.xlane v11, v1;
	v7, v11, _ =	vpop (xrf1);
	v12 =	vsel vm0, v4, v8;
	vm1 =	vge.f32 v2, v10  }
0x26a: {  	v14, v15, _ =	vpop (xrf1);
	v4 =	vsel vm0, v8, v4;
	v6 =	vsel vm0, v9, v6;
	(xrf1) =	vsort.dscd.msk.f32 $0xffff, v12, v13  }
0x26b: {  	v12 =	vsel vm1, v2, v10;
	v10 =	vsel vm1, v10, v2;
	v8 =	vsel vm1, v5, v3;
	v13, v60, _ =	vpop (xrf1)  }
0x26c: {  	v5 =	vsel vm1, v3, v5;
	(xrf1) =	vsort.dscd.msk.f32 $0xffff, v10, v8;
	v9 =	vperm.xlane v13, v1  }
0x26d: {  	(xrf1) =	vsort.dscd.msk.f32 $0xffff, v12, v5;
	v13, v61, _ =	vpop (xrf1)  }
0x26e: {  	v8 =	vperm.xlane v60, v1;
	v10 =	vperm.xlane v13, v1;
	vm0 =	vge.f32 v7, v9  }
0x26f: {  	(xrf1) =	vsort.dscd.msk.f32 $0xffff, v4, v6;
	v4 =	vperm.xlane v61, v1;
	v5 =	vsel vm0, v9, v7  }
0x270: {  	v6, v12, _ =	vpop (xrf1);
	v13 =	vsel vm0, v8, v11;
	vm1 =	vge.f32 v14, v10;
	v7 =	vsel vm0, v7, v9  }
0x271: {  	v62, v63, _ =	vpop (xrf1);
	(xrf1) =	vsort.dscd.msk.f32 $0xffff, v5, v13;
	v5 =	vsel vm1, v10, v14  }
0x272: {  	v18, v19, _ =	vpop (xrf1);
	v13 =	vsel vm1, v4, v15  }
0x273: {  	v8 =	vsel vm0, v11, v8;
	v9 =	vperm.xlane v18, v1;
	(xrf1) =	vsort.dscd.msk.f32 $0xffff, v5, v13  }
0x274: {  	(xrf1) =	vsort.dscd.msk.f32 $0xffff, v7, v8;
	v8 =	vsel vm1, v14, v10;
	v10 =	vperm.xlane v19, v1;
	v5, v7, _ =	vpop (xrf1)  }
0x275: {  	v4 =	vsel vm1, v15, v4;
	vm0 =	vge.f32 v6, v9;
	v11 =	vperm.xlane v5, v1  }
0x276: {  	(xrf1) =	vsort.dscd.msk.f32 $0xffff, v8, v4;
	v4 =	vsel vm0, v9, v6;
	v5 =	vsel vm0, v10, v12  }
0x277: {  	v6 =	vsel vm0, v6, v9;
	v7 =	vperm.xlane v7, v1;
	vm1 =	vge.f32 v62, v11  }
0x278: {  	s21 =	simm.s32 $0x60;
	(xrf1) =	vsort.dscd.msk.f32 $0xffff, v4, v5;
	v4 =	vsel vm1, v11, v62  }
0x279: {  	v14 =	vld [tilespmem:s21+$0x0];
	v8 =	vsel vm1, v7, v63  }
0x27a: {  	v9 =	vsel vm0, v12, v10;
	v13, v5, _ =	vpop (xrf1);
	(xrf1) =	vsort.dscd.msk.f32 $0xffff, v4, v8  }
0x27b: {  	(xrf1) =	vsort.dscd.msk.f32 $0xffff, v6, v9;
	v4, v6, _ =	vpop (xrf1)  }
0x27c: {  	v7 =	vsel vm1, v63, v7;
	v8 =	vsel vm1, v62, v11;
	v10 =	vperm.xlane v4, v1  }
0x27d: {  	(xrf1) =	vsort.dscd.msk.f32 $0xffff, v8, v7;
	v8 =	vor.u32 s21, v0;
	v9 =	vperm.xlane v6, v1;
	v4, v6, _ =	vpop (xrf1)  }
0x27e: {  	(xrf1) =	vsort.dscd.msk.f32 $0xffff, v14, v8;
	v11 =	vperm.xlane v4, v1;
	vm0 =	vge.f32 v13, v10  }
0x27f: {  	v12 =	vperm.xlane v6, v1;
	v7, v4, _ =	vpop (xrf1);
	v14 =	vsel vm0, v10, v13;
	v15 =	vsel vm0, v9, v5  }
0x280: {  	s22 =	simm.s32 $0x70;
	v8, v6, _ =	vpop (xrf1);
	v10 =	vsel vm0, v13, v10;
	vm1 =	vge.f32 v2, v11;
	(xrf1) =	vsort.dscd.msk.f32 $0xffff, v14, v15  }
.LBB2_7:
0x281: {  	p3 =	sne.s32 s22, $0xFF0;
	v13, v14, _ =	vpop (xrf1);
	v5 =	vsel vm0, v5, v9;
	v2 =	vsel vm1, v2, v11;
	v15 =	vsel vm1, v3, v12;
	s23 =	smov.u32 s22;
	s22 =	sadd.s32 $0x10, s22  }
0x282: {  	v9 =	vperm.xlane v13, v1;
	v11, v12, _ =	vpop (xrf1);
	(xrf1) =	vsort.dscd.msk.f32 $0xffff, v2, v15  }
0x283: {  	v2 =	vperm.xlane v14, v1;
	v3, v13, _ =	vpop (xrf1);
	(xrf1) =	vsort.dscd.msk.f32 $0xffff, v10, v5;
	v5 =	vperm.xlane v11, v1  }
0x284: {  	v10 =	vperm.xlane v12, v1;
	vm0 =	vge.f32 v8, v9  }
0x285: {  	v11 =	vsel vm0, v9, v8;
	v18 =	vsel vm0, v2, v6;
	vm1 =	vge.f32 v7, v5;
	v14, v15, _ =	vpop (xrf1)  }
0x286: {  	(xrf1) =	vsort.dscd.msk.f32 $0xffff, v11, v18;
	v11 =	vsel vm1, v7, v5;
	v5 =	vsel vm1, v5, v7  }
0x287: {  	v19 =	vsel vm0, v8, v9;
	v2 =	vsel vm0, v6, v2;
	v17 =	vsel vm1, v10, v4;
	v7, v12, _ =	vpop (xrf1)  }
0x288: {  	v18 =	vsel vm1, v4, v10;
	v7 =	vperm.xlane v7, v1;
	v9, v16, _ =	vpop (xrf1);
	(xrf1) =	vsort.dscd.msk.f32 $0xffff, v5, v17  }
0x289: {  	v5 =	vperm.xlane v12, v1;
	v6, v10, _ =	vpop (xrf1);
	v9 =	vperm.xlane v9, v1;
	(xrf1) =	vsort.dscd.msk.f32 $0xffff, v11, v18  }
0x28a: {  	vm0 =	vge.f32 v3, v7;
	(xrf1) =	vsort.dscd.msk.f32 $0xffff, v19, v2  }
0x28b: {  	v2 =	vperm.xlane v16, v1;
	v4, v8, _ =	vpop (xrf1);
	v11 =	vsel vm0, v7, v3;
	v12 =	vsel vm0, v5, v13  }
0x28c: {  	vm1 =	vge.f32 v14, v9;
	v3 =	vsel vm0, v3, v7;
	v5 =	vsel vm0, v13, v5  }
0x28d: {  	(xrf1) =	vsort.dscd.msk.f32 $0xffff, v11, v12;
	v11 =	vsel vm1, v9, v14;
	v12 =	vsel vm1, v2, v15  }
0x28e: {  	v16, v17, _ =	vpop (xrf1)  }
0x28f: {  	(xrf1) =	vsort.dscd.msk.f32 $0xffff, v11, v12;
	v7 =	vperm.xlane v16, v1  }
0x290: {  	v9 =	vsel vm1, v14, v9;
	v14 =	vsel vm1, v15, v2;
	(xrf1) =	vsort.dscd.msk.f32 $0xffff, v3, v5;
	v3, v5, _ =	vpop (xrf1)  }
0x291: {  	v11 =	vperm.xlane v17, v1;
	v12 =	vperm.xlane v3, v1;
	vm0 =	vge.f32 v6, v7  }
0x292: {  	v13 =	vperm.xlane v5, v1;
	(xrf1) =	vsort.dscd.msk.f32 $0xffff, v9, v14;
	v2, v3, _ =	vpop (xrf1);
	v9 =	vsel vm0, v7, v6  }
0x293: {  	v14 =	vsel vm0, v11, v10;
	v6 =	vsel vm0, v6, v7;
	vm1 =	vge.f32 v4, v12;
	v15, v5, _ =	vpop (xrf1)  }
0x294: {  	s21 =	sadd.s32 $0x10, s21;
	(xrf1) =	vsort.dscd.msk.f32 $0xffff, v9, v14;
	v9 =	vsel vm1, v12, v4;
	v14 =	vsel vm1, v13, v8  }
0x295: {  	v10 =	vsel vm0, v10, v11;
	v16 =	vld [tilespmem:s21+$0x0];
	(xrf1) =	vsort.dscd.msk.f32 $0xffff, v9, v14  }
0x296: {  	v11 =	vsel vm1, v8, v13;
	v14 =	vsel vm1, v4, v12;
	(xrf1) =	vsort.dscd.msk.f32 $0xffff, v6, v10;
	v6, v7, _ =	vpop (xrf1)  }
.Ltmp5:
0x297: {  	v10 =	vperm.xlane v6, v1;
	(xrf1) =	vsort.dscd.msk.f32 $0xffff, v14, v11;
	(pc) =	sbr.rel @p3 .LBB2_7-.Ltmp5, $4  }
0x298: {  	v17 =	vor.u32 s23, v0;
	v9 =	vperm.xlane v7, v1;
	v8, v7, _ =	vpop (xrf1)  }
0x299: {  	vm0 =	vge.f32 v15, v10;
	v11 =	vperm.xlane v8, v1;
	v12 =	vperm.xlane v7, v1;
	v7, v4, _ =	vpop (xrf1)  }
0x29a: {  	(xrf1) =	vsort.dscd.msk.f32 $0xffff, v16, v17;
	v13 =	vsel vm0, v10, v15;
	v14 =	vsel vm0, v9, v5;
	v8, v6, _ =	vpop (xrf1)  }
0x29b: {  	v10 =	vsel vm0, v15, v10;
	(xrf1) =	vsort.dscd.msk.f32 $0xffff, v13, v14;
	vm1 =	vge.f32 v2, v11  }
0x29c: {  	v13, v14, _ =	vpop (xrf1)  }
0x29d: {  	v2 =	vsel vm1, v2, v11;
	v3 =	vsel vm1, v3, v12;
	v46 =	vperm.xlane v13, v1;
	v47, v48, _ =	vpop (xrf1)  }
0x29e: {  	v5 =	vsel vm0, v5, v9;
	(xrf1) =	vsort.dscd.msk.f32 $0xffff, v2, v3;
	v3 =	vperm.xlane v47, v1  }
0x29f: {  	v2 =	vperm.xlane v14, v1;
	(xrf1) =	vsort.dscd.msk.f32 $0xffff, v10, v5;
	vm10 =	vge.f32 v8, v46  }
0x2a0: {  	v49 =	vperm.xlane v48, v1;
	v51, v50, _ =	vpop (xrf1);
	v52 =	vsel vm10, v46, v8;
	vm11 =	vge.f32 v7, v3  }
0x2a1: {  	v53 =	vsel vm10, v2, v6;
	v54, v15, _ =	vpop (xrf1);
	v55 =	vsel vm11, v7, v3;
	v3 =	vsel vm11, v3, v7  }
0x2a2: {  	v2 =	vsel vm10, v6, v2;
	(xrf1) =	vsort.dscd.msk.f32 $0xffff, v52, v53;
	v59 =	vsel vm11, v49, v4;
	v57, v56, _ =	vpop (xrf1)  }
0x2a3: {  	v60 =	vsel vm11, v4, v49;
	(xrf1) =	vsort.dscd.msk.f32 $0xffff, v3, v59;
	v7 =	vperm.xlane v57, v1  }
0x2a4: {  	v58 =	vsel vm10, v8, v46;
	v62 =	vperm.xlane v56, v1;
	(xrf1) =	vsort.dscd.msk.f32 $0xffff, v55, v60;
	v3, v61, _ =	vpop (xrf1)  }
0x2a5: {  	(xrf1) =	vsort.dscd.msk.f32 $0xffff, v58, v2;
	v3 =	vperm.xlane v3, v1;
	vm12 =	vge.f32 v51, v7  }
0x2a6: {  	v2, v63, _ =	vpop (xrf1);
	v5 =	vperm.xlane v61, v1;
	v19 =	vsel vm12, v7, v51;
	v7 =	vsel vm12, v51, v7  }
0x2a7: {  	v20 =	vsel vm12, v62, v50;
	v22, v21, _ =	vpop (xrf1);
	v6 =	vsel vm12, v50, v62;
	vm13 =	vge.f32 v54, v3  }
0x2a8: {  	(xrf1) =	vsort.dscd.msk.f32 $0xffff, v19, v20;
	v23 =	vsel vm13, v3, v54;
	v24 =	vsel vm13, v5, v15;
	v16, v17, _ =	vpop (xrf1)  }
0x2a9: {  	(xrf1) =	vsort.dscd.msk.f32 $0xffff, v23, v24;
	v25 =	vperm.xlane v16, v1  }
0x2aa: {  	v3 =	vsel vm13, v54, v3;
	v26 =	vperm.xlane v17, v1;
	(xrf1) =	vsort.dscd.msk.f32 $0xffff, v7, v6;
	v6, v7, _ =	vpop (xrf1)  }
0x2ab: {  	v5 =	vsel vm13, v15, v5;
	v6 =	vperm.xlane v6, v1;
	vm14 =	vge.f32 v2, v25  }
0x2ac: {  	(xrf1) =	vsort.dscd.msk.f32 $0xffff, v3, v5;
	v3 =	vsel vm14, v25, v2;
	v27 =	vsel vm14, v26, v63  }
0x2ad: {  	v7 =	vperm.xlane v7, v1;
	v4 =	vsel vm14, v63, v26;
	(xrf1) =	vsort.dscd.msk.f32 $0xffff, v3, v27  }
0x2ae: {  	v2 =	vsel vm14, v2, v25;
	vm15 =	vge.f32 v22, v6  }
0x2af: {  	v28 =	vsel vm15, v6, v22;
	v29 =	vsel vm15, v7, v21;
	v7 =	vsel vm15, v21, v7;
	v3, v5, _ =	vpop (xrf1)  }
0x2b0: {  	v6 =	vsel vm15, v22, v6;
	(xrf1) =	vsort.dscd.msk.f32 $0xffff, v28, v29;
	v30, v31, _ =	vpop (xrf1)  }
0x2b1: {  	(xrf1) =	vsort.dscd.msk.f32 $0xffff, v2, v4;
	v2, v4, _ =	vpop (xrf1)  }
0x2b2: {  	v2 =	vperm.xlane v2, v1  }
0x2b3: {  	(xrf1) =	vsort.dscd.msk.f32 $0xffff, v6, v7;
	v4 =	vperm.xlane v4, v1;
	v6, v7, _ =	vpop (xrf1)  }
0x2b4: {  	v6 =	vperm.xlane v6, v1;
	v32, v33, _ =	vpop (xrf1);
	vm4 =	vge.f32 v30, v2  }
0x2b5: {  	v7 =	vperm.xlane v7, v1;
	v36, v37, _ =	vpop (xrf1);
	v34 =	vsel vm4, v2, v30;
	v35 =	vsel vm4, v4, v31  }
0x2b6: {  	vm5 =	vge.f32 v3, v6;
	v10, v11, _ =	vpop (xrf1);
	(xrf1) =	vsort.dscd.msk.f32 $0xffff, v34, v35  }
0x2b7: {  	v3 =	vsel vm5, v3, v6;
	v5 =	vsel vm5, v5, v7;
	v38 =	vperm.xlane v10, v1  }
0x2b8: {  	v2 =	vsel vm4, v30, v2;
	v4 =	vsel vm4, v31, v4;
	v39, v40, _ =	vpop (xrf1);
	(xrf1) =	vsort.dscd.msk.f32 $0xffff, v3, v5  }
0x2b9: {  	v3 =	vperm.xlane v11, v1;
	v41 =	vperm.xlane v39, v1;
	v43, v42, _ =	vpop (xrf1);
	vm6 =	vge.f32 v36, v38  }
0x2ba: {  	(xrf1) =	vsort.dscd.msk.f32 $0xffff, v2, v4;
	v2 =	vperm.xlane v40, v1;
	v44 =	vsel vm6, v38, v36;
	v46, v47, _ =	vpop (xrf1)  }
0x2bb: {  	v45 =	vsel vm6, v3, v37;
	v6 =	vsel vm6, v36, v38;
	vm7 =	vge.f32 v32, v41;
	v50, v49, _ =	vpop (xrf1)  }
0x2bc: {  	(xrf1) =	vsort.dscd.msk.f32 $0xffff, v44, v45;
	v48 =	vsel vm7, v32, v41;
	v8 =	vperm.xlane v50, v1  }
0x2bd: {  	v5 =	vsel vm7, v41, v32;
	v51 =	vsel vm7, v2, v33;
	v2 =	vsel vm7, v33, v2  }
0x2be: {  	(xrf1) =	vsort.dscd.msk.f32 $0xffff, v5, v51;
	v52 =	vperm.xlane v49, v1;
	vm8 =	vge.f32 v43, v8  }
0x2bf: {  	v3 =	vsel vm6, v37, v3;
	(xrf1) =	vsort.dscd.msk.f32 $0xffff, v48, v2;
	v2 =	vsel vm8, v8, v43  }
0x2c0: {  	(xrf1) =	vsort.dscd.msk.f32 $0xffff, v6, v3;
	v3 =	vsel vm8, v52, v42  }
0x2c1: {  	(xrf1) =	vsort.dscd.msk.f32 $0xffff, v2, v3  }
0x2c2: {  	v2, v53, _ =	vpop (xrf1)  }
0x2c3: {  	v54 =	vperm.xlane v2, v1;
	_ =	sdelay $0x1  }
0x2c4: {  	v4 =	vperm.xlane v53, v1;
	v3, v2, _ =	vpop (xrf1);
	vm9 =	vge.f32 v46, v54  }
0x2c5: {  	v7 =	vsel vm8, v43, v8;
	v55, v56, _ =	vpop (xrf1);
	v6 =	vsel vm9, v46, v54  }
0x2c6: {  	v57 =	vsel vm9, v54, v46;
	v58 =	vsel vm9, v4, v47;
	v60, v59, _ =	vpop (xrf1);
	v4 =	vsel vm9, v47, v4  }
0x2c7: {  	v5 =	vsel vm8, v42, v52;
	(xrf1) =	vsort.dscd.msk.f32 $0xffff, v57, v58;
	v8 =	vperm.xlane v60, v1  }
0x2c8: {  	v61 =	vperm.xlane v59, v1;
	v63, v62, _ =	vpop (xrf1);
	(xrf1) =	vsort.dscd.msk.f32 $0xffff, v7, v5  }
0x2c9: {  	vm10 =	vge.f32 v55, v8;
	(xrf1) =	vsort.dscd.msk.f32 $0xffff, v6, v4;
	v4, v6, _ =	vpop (xrf1)  }
0x2ca: {  	v18 =	vsel vm10, v8, v55;
	v19 =	vsel vm10, v61, v56;
	v8 =	vsel vm10, v55, v8;
	v12, v13, _ =	vpop (xrf1)  }
0x2cb: {  	v5 =	vsel vm10, v56, v61;
	(xrf1) =	vsort.dscd.msk.f32 $0xffff, v18, v19;
	v20 =	vperm.xlane v12, v1;
	v21, v22, _ =	vpop (xrf1)  }
0x2cc: {  	(xrf1) =	vsort.dscd.msk.f32 $0xffff, v8, v5;
	v23 =	vperm.xlane v13, v1;
	v24, v25, _ =	vpop (xrf1)  }
0x2cd: {  	v10 =	vperm.xlane v21, v1;
	v12 =	vperm.xlane v22, v1;
	vm11 =	vge.f32 v4, v20;
	v26, v27, _ =	vpop (xrf1)  }
0x2ce: {  	v28 =	vsel vm11, v20, v4;
	v29 =	vsel vm11, v23, v6;
	v4 =	vsel vm11, v4, v20;
	v30, v18, _ =	vpop (xrf1)  }
0x2cf: {  	vm12 =	vge.f32 v63, v10;
	(xrf1) =	vsort.dscd.msk.f32 $0xffff, v28, v29;
	v9 =	vperm.xlane v30, v1  }
0x2d0: {  	v7 =	vsel vm12, v63, v10;
	v31 =	vsel vm12, v62, v12;
	v32 =	vperm.xlane v18, v1  }
0x2d1: {  	v5 =	vsel vm11, v6, v23;
	(xrf1) =	vsort.dscd.msk.f32 $0xffff, v7, v31;
	vm13 =	vge.f32 v26, v9  }
0x2d2: {  	(xrf1) =	vsort.dscd.msk.f32 $0xffff, v4, v5;
	v33 =	vsel vm13, v9, v26;
	v34 =	vsel vm13, v32, v27  }
0x2d3: {  	(xrf1) =	vsort.dscd.msk.f32 $0xffff, v33, v34;
	_ =	sdelay $0x2  }
0x2d4: {  	v36, v35, _ =	vpop (xrf1)  }
0x2d5: {  	v37 =	vperm.xlane v36, v1;
	v5, v4, _ =	vpop (xrf1)  }
0x2d6: {  	v38, v12, _ =	vpop (xrf1)  }
0x2d7: {  	v9 =	vsel vm13, v26, v9;
	v6 =	vperm.xlane v35, v1;
	vm14 =	vge.f32 v24, v37;
	v41, v40, _ =	vpop (xrf1)  }
0x2d8: {  	v11 =	vsel vm13, v27, v32;
	v39 =	vsel vm14, v24, v37;
	v8 =	vperm.xlane v41, v1  }
0x2d9: {  	v7 =	vsel vm14, v37, v24;
	v42 =	vsel vm14, v6, v25;
	v6 =	vsel vm14, v25, v6  }
0x2da: {  	(xrf1) =	vsort.dscd.msk.f32 $0xffff, v7, v42;
	v43 =	vperm.xlane v40, v1;
	vm15 =	vge.f32 v38, v8  }
0x2db: {  	v44, v13, _ =	vpop (xrf1);
	(xrf1) =	vsort.dscd.msk.f32 $0xffff, v39, v6;
	v45 =	vsel vm15, v8, v38;
	v8 =	vsel vm15, v38, v8  }
0x2dc: {  	(xrf1) =	vsort.dscd.msk.f32 $0xffff, v9, v11;
	v46 =	vsel vm15, v43, v12;
	v7 =	vsel vm15, v12, v43;
	v47, v48, _ =	vpop (xrf1)  }
0x2dd: {  	(xrf1) =	vsort.dscd.msk.f32 $0xffff, v45, v46;
	v49 =	vperm.xlane v47, v1;
	v50, v51, _ =	vpop (xrf1)  }
0x2de: {  	v52 =	vperm.xlane v48, v1;
	v53, v54, _ =	vpop (xrf1)  }
0x2df: {  	(xrf1) =	vsort.dscd.msk.f32 $0xffff, v8, v7;
	vm4 =	vge.f32 v44, v49;
	v7, v8, _ =	vpop (xrf1)  }
0x2e0: {  	v55 =	vsel vm4, v49, v44;
	v56 =	vsel vm4, v52, v13;
	v7 =	vperm.xlane v7, v1  }
0x2e1: {  	(xrf1) =	vsort.dscd.msk.f32 $0xffff, v55, v56;
	v8 =	vperm.xlane v8, v1  }
0x2e2: {  	v6 =	vsel vm4, v44, v49;
	v57 =	vsel vm4, v13, v52;
	vm5 =	vge.f32 v53, v7  }
0x2e3: {  	(xrf1) =	vsort.dscd.msk.f32 $0xffff, v6, v57;
	v58 =	vsel vm5, v7, v53;
	v59 =	vsel vm5, v8, v54  }
0x2e4: {  	(xrf1) =	vsort.dscd.msk.f32 $0xffff, v58, v59;
	_ =	sdelay $0x3  }
0x2e5: {  	v6, v9, _ =	vpop (xrf1)  }
0x2e6: {  	v10, v13, _ =	vpop (xrf1)  }
0x2e7: {  	v6 =	vperm.xlane v6, v1;
	v16, v17, _ =	vpop (xrf1)  }
0x2e8: {  	v9 =	vperm.xlane v9, v1;
	v60, v19, _ =	vpop (xrf1)  }
0x2e9: {  	v7 =	vsel vm5, v53, v7;
	vm6 =	vge.f32 v50, v6;
	v61 =	vperm.xlane v60, v1  }
0x2ea: {  	v6 =	vsel vm6, v50, v6;
	v9 =	vsel vm6, v51, v9;
	v62 =	vperm.xlane v19, v1  }
0x2eb: {  	v8 =	vsel vm5, v54, v8;
	(xrf1) =	vsort.dscd.msk.f32 $0xffff, v6, v9;
	v18, v63, _ =	vpop (xrf1);
	vm7 =	vge.f32 v10, v61  }
0x2ec: {  	(xrf1) =	vsort.dscd.msk.f32 $0xffff, v7, v8;
	v19 =	vsel vm7, v10, v61;
	v6 =	vsel vm7, v13, v62;
	v21, v20, _ =	vpop (xrf1)  }
0x2ed: {  	v10 =	vsel vm7, v61, v10;
	v22 =	vsel vm7, v62, v13;
	v8 =	vperm.xlane v21, v1  }
0x2ee: {  	(xrf1) =	vsort.dscd.msk.f32 $0xffff, v10, v22;
	v23 =	vperm.xlane v20, v1;
	v25, v24, _ =	vpop (xrf1)  }
0x2ef: {  	(xrf1) =	vsort.dscd.msk.f32 $0xffff, v19, v6;
	vm8 =	vge.f32 v18, v8;
	v6, v7, _ =	vpop (xrf1)  }
0x2f0: {  	v26 =	vsel vm8, v8, v18;
	v27 =	vsel vm8, v23, v63;
	v6 =	vperm.xlane v6, v1  }
0x2f1: {  	(xrf1) =	vsort.dscd.msk.f32 $0xffff, v26, v27;
	v7 =	vperm.xlane v7, v1  }
0x2f2: {  	v8 =	vsel vm8, v18, v8;
	v28 =	vsel vm8, v63, v23;
	vm9 =	vge.f32 v25, v6  }
0x2f3: {  	(xrf1) =	vsort.dscd.msk.f32 $0xffff, v8, v28;
	v29 =	vsel vm9, v6, v25;
	v30 =	vsel vm9, v7, v24  }
0x2f4: {  	(xrf1) =	vsort.dscd.msk.f32 $0xffff, v29, v30;
	_ =	sdelay $0x6  }
0x2f5: {  	v8, v9, _ =	vpop (xrf1)  }
0x2f6: {  	v10, v11, _ =	vpop (xrf1)  }
0x2f7: {  	v14, v15, _ =	vpop (xrf1)  }
0x2f8: {  	v14 =	vperm.xlane v14, v1;
	v31, v32, _ =	vpop (xrf1)  }
0x2f9: {  	v6 =	vsel vm9, v25, v6;
	v7 =	vsel vm9, v24, v7;
	v33, v34, _ =	vpop (xrf1)  }
0x2fa: {  	v15 =	vperm.xlane v15, v1;
	vm10 =	vge.f32 v8, v14;
	v12 =	vperm.xlane v33, v1  }
0x2fb: {  	(xrf1) =	vsort.dscd.msk.f32 $0xffff, v6, v7;
	v35 =	vsel vm10, v8, v14;
	v36, v37, _ =	vpop (xrf1)  }
0x2fc: {  	v9 =	vsel vm10, v9, v15;
	v13 =	vperm.xlane v34, v1;
	vm11 =	vge.f32 v31, v12;
	v38, v39, _ =	vpop (xrf1)  }
0x2fd: {  	(xrf1) =	vsort.dscd.msk.f32 $0xffff, v35, v9;
	v40 =	vsel vm11, v31, v12;
	v41 =	vperm.xlane v38, v1  }
0x2fe: {  	v12 =	vsel vm11, v12, v31;
	v42 =	vsel vm11, v13, v32;
	v15 =	vperm.xlane v39, v1  }
0x2ff: {  	v13 =	vsel vm11, v32, v13;
	(xrf1) =	vsort.dscd.msk.f32 $0xffff, v12, v42;
	vm12 =	vge.f32 v36, v41  }
0x300: {  	(xrf1) =	vsort.dscd.msk.f32 $0xffff, v40, v13;
	v43 =	vsel vm12, v41, v36;
	v44 =	vsel vm12, v15, v37  }
0x301: {  	(xrf1) =	vsort.dscd.msk.f32 $0xffff, v43, v44;
	_ =	sdelay $0x9  }
0x302: {  	v6, v12, _ =	vpop (xrf1)  }
0x303: {  	v46, v45, _ =	vpop (xrf1)  }
0x304: {  	v47, v48, _ =	vpop (xrf1)  }
0x305: {  	v20, v21, _ =	vpop (xrf1)  }
0x306: {  	v7 =	vsel vm12, v36, v41;
	v49 =	vperm.xlane v47, v1;
	v50, v22, _ =	vpop (xrf1)  }
0x307: {  	v8 =	vsel vm12, v37, v15;
	v51 =	vperm.xlane v48, v1;
	v18 =	vperm.xlane v50, v1  }
0x308: {  	(xrf1) =	vsort.dscd.msk.f32 $0xffff, v7, v8;
	vm13 =	vge.f32 v46, v49;
	v52 =	vperm.xlane v22, v1  }
0x309: {  	v53 =	vsel vm13, v46, v49;
	v54 =	vsel vm13, v45, v51;
	vm14 =	vge.f32 v20, v18  }
0x30a: {  	(xrf1) =	vsort.dscd.msk.f32 $0xffff, v53, v54;
	v55 =	vsel vm14, v18, v20;
	v56 =	vsel vm14, v52, v21  }
0x30b: {  	(xrf1) =	vsort.dscd.msk.f32 $0xffff, v55, v56;
	_ =	sdelay $0xb  }
0x30c: {  	v8, v9, _ =	vpop (xrf1)  }
0x30d: {  	v57, v58, _ =	vpop (xrf1)  }
0x30e: {  	v59, v19, _ =	vpop (xrf1)  }
0x30f: {  	v15 =	vperm.xlane v59, v1  }
0x310: {  	v18 =	vsel vm14, v20, v18;
	v7 =	vsel vm14, v21, v52;
	v19 =	vperm.xlane v19, v1  }
0x311: {  	(xrf1) =	vsort.dscd.msk.f32 $0xffff, v18, v7;
	vm15 =	vge.f32 v57, v15  }
0x312: {  	v60 =	vsel vm15, v57, v15;
	v61 =	vsel vm15, v58, v19  }
0x313: {  	(xrf1) =	vsort.dscd.msk.f32 $0xffff, v60, v61  }
0x314: {  	[tilespmem:$0x1080] =	vst v3;
	v2 =	vadd.s32 $0x1000, v2  }
0x315: {  	[tilespmem:$0x1000] =	vst v2  }
0x316: {  	[tilespmem:$0x1090] =	vst v5;
	v2 =	vadd.s32 $0x1000, v4  }
0x317: {  	[tilespmem:$0x1010] =	vst v2  }
0x318: {  	[tilespmem:$0x10A0] =	vst v16;
	v2 =	vadd.s32 $0x1000, v17  }
0x319: {  	[tilespmem:$0x1020] =	vst v2  }
0x31a: {  	[tilespmem:$0x10B0] =	vst v10;
	v2 =	vadd.s32 $0x1000, v11  }
0x31b: {  	[tilespmem:$0x1030] =	vst v2  }
0x31c: {  	[tilespmem:$0x10C0] =	vst v6;
	v2 =	vadd.s32 $0x1000, v12  }
0x31d: {  	[tilespmem:$0x1040] =	vst v2  }
0x31e: {  	[tilespmem:$0x10D0] =	vst v8;
	v2 =	vadd.s32 $0x1000, v9  }
0x31f: {  	[tilespmem:$0x1050] =	vst v2;
	v3, v62, _ =	vpop (xrf1)  }
0x320: {  	[tilespmem:$0x10E0] =	vst v3;
	v2 =	vadd.s32 $0x1000, v62  }
0x321: {  	[tilespmem:$0x1060] =	vst v2;
	v3, v63, _ =	vpop (xrf1)  }
0x322: {  	[tilespmem:$0x10F0] =	vst v3;
	v2 =	vadd.s32 $0x1000, v63  }
0x323: {  	[tilespmem:$0x1070] =	vst v2  }
0x324: {  	[tilespmem:s17], [sflag:$0x1] =	stream.indirect.gather [hbm4b:s1+s15], $0x80, s16, s15, $0xb8;
	[tilespmem:$0x5100] =	vst v63  }
0x325: {  	_ =	swait.ge [sflag:s18], $0x4000  }
0x326: {  	[sflag:s18] =	ssyncset.done $0x0  }
0x327: {  	[sflag:s18] =	ssyncadd.s32 $0xFFFFC000  }
0x328: {  	[hbm4b:s8+s3] =	stream.linear.scatter [tilespmem:s17], [sflag:$0x2], $0x4000, $0x38;
	[tilespmem:$0x5100] =	vst v63  }
0x329: {  	_ =	swait.ge [sflag:s14], $0x4000  }
0x32a: {  	[sflag:s14] =	ssyncset.done $0x0  }
0x32b: {  	[sflag:s14] =	ssyncadd.s32 $0xFFFFC000  }
0x32c: {  	[hbm4b:s9+s3] =	stream.linear.scatter [tilespmem:s19], [sflag:$0x2], $0x80, $0x38;
	[tilespmem:$0x5100] =	vst v63  }
0x32d: {  	_ =	swait.ge [sflag:s14], $0x80  }
0x32e: {  	[sflag:s14] =	ssyncset.done $0x0  }
0x32f: {  	[sflag:s14] =	ssyncadd.s32 $0xFFFFFF80  }
.LBB2_9:
.Ltmp6:
0x330: {  	(pc) =	sbr.rel @!p1 .LBB2_13-.Ltmp6, $1  }
0x331: {  	_ =	sdelay $0x3  }
0x332: {  	s21 =	simm.s32 $0x0  }
0x333: {  	[tilespmem:s21], [sflag:$0x2] =	stream.linear.gather [hbm4b:s10+s21], $0x1000, $0x38;
	[tilespmem:$0x5100] =	vst v63  }
0x334: {  	_ =	swait.ge [sflag:s14], $0x1000  }
0x335: {  	[sflag:s14] =	ssyncset.done $0x0  }
0x336: {  	[sflag:s14] =	ssyncadd.s32 $0xFFFFF000  }
0x337: {  	v2 =	vld [tilespmem:s21+$0x0];
	_ =	sdelay $0x3  }
0x338: {  	v3 =	vor.u32 s21, v0  }
0x339: {  	(xrf1) =	vsort.dscd.msk.f32 $0xffff, v2, v3;
	_ =	sdelay $0xd  }
0x33a: {  	v2, v3, _ =	vpop (xrf1)  }
0x33b: {  	v4 =	vperm.xlane v2, v1  }
0x33c: {  	v2 =	vimm.f32 $-Inf;
	v5 =	vperm.xlane v3, v1  }
0x33d: {  	v3 =	vimm.s32 $0x0;
	vm0 =	vge.f32 v2, v4  }
0x33e: {  	v6 =	vsel vm0, v4, v2;
	v7 =	vsel vm0, v5, v3  }
0x33f: {  	(xrf1) =	vsort.dscd.msk.f32 $0xffff, v6, v7;
	_ =	sdelay $0x1  }
0x340: {  	s26 =	simm.s32 $0x10  }
0x341: {  	v6 =	vld [tilespmem:s26+$0x0];
	_ =	sdelay $0x2  }
0x342: {  	v4 =	vsel vm0, v2, v4;
	v5 =	vsel vm0, v3, v5  }
0x343: {  	(xrf1) =	vsort.dscd.msk.f32 $0xffff, v4, v5;
	v4 =	vor.u32 s26, v0  }
0x344: {  	(xrf1) =	vsort.dscd.msk.f32 $0xffff, v6, v4;
	_ =	sdelay $0x5  }
0x345: {  	v4, v5, _ =	vpop (xrf1)  }
0x346: {  	v4 =	vperm.xlane v4, v1  }
0x347: {  	v5 =	vperm.xlane v5, v1  }
0x348: {  	vm0 =	vge.f32 v2, v4  }
0x349: {  	v6 =	vsel vm0, v4, v2;
	v7 =	vsel vm0, v5, v3  }
0x34a: {  	(xrf1) =	vsort.dscd.msk.f32 $0xffff, v6, v7;
	_ =	sdelay $0x1  }
0x34b: {  	v8, v9, _ =	vpop (xrf1)  }
0x34c: {  	v6, v7, _ =	vpop (xrf1)  }
0x34d: {  	v6 =	vperm.xlane v6, v1  }
0x34e: {  	v7 =	vperm.xlane v7, v1  }
0x34f: {  	v4 =	vsel vm0, v2, v4;
	v5 =	vsel vm0, v3, v5;
	vm0 =	vge.f32 v8, v6  }
0x350: {  	(xrf1) =	vsort.dscd.msk.f32 $0xffff, v4, v5;
	v4 =	vsel vm0, v6, v8;
	v5 =	vsel vm0, v7, v9  }
0x351: {  	s28 =	simm.s32 $0x20;
	(xrf1) =	vsort.dscd.msk.f32 $0xffff, v4, v5  }
0x352: {  	v4 =	vld [tilespmem:s28+$0x0];
	v5 =	vsel vm0, v8, v6;
	v6 =	vsel vm0, v9, v7  }
0x353: {  	(xrf1) =	vsort.dscd.msk.f32 $0xffff, v5, v6;
	v5 =	vor.u32 s28, v0;
	_ =	sdelay $0x3  }
0x354: {  	(xrf1) =	vsort.dscd.msk.f32 $0xffff, v4, v5;
	v4, v5, _ =	vpop (xrf1)  }
0x355: {  	v4 =	vperm.xlane v4, v1  }
0x356: {  	v5 =	vperm.xlane v5, v1  }
0x357: {  	vm0 =	vge.f32 v2, v4  }
0x358: {  	v7 =	vsel vm0, v5, v3  }
0x359: {  	v6 =	vsel vm0, v4, v2;
	_ =	sdelay $0x1  }
0x35a: {  	v8, v9, _ =	vpop (xrf1)  }
0x35b: {  	(xrf1) =	vsort.dscd.msk.f32 $0xffff, v6, v7;
	v6, v7, _ =	vpop (xrf1)  }
0x35c: {  	v6 =	vperm.xlane v6, v1  }
0x35d: {  	v7 =	vperm.xlane v7, v1  }
0x35e: {  	v4 =	vsel vm0, v2, v4;
	v5 =	vsel vm0, v3, v5;
	vm0 =	vge.f32 v8, v6  }
0x35f: {  	(xrf1) =	vsort.dscd.msk.f32 $0xffff, v4, v5;
	v5 =	vsel vm0, v7, v9  }
0x360: {  	v4 =	vsel vm0, v6, v8;
	_ =	sdelay $0x1  }
0x361: {  	v10, v11, _ =	vpop (xrf1)  }
0x362: {  	(xrf1) =	vsort.dscd.msk.f32 $0xffff, v4, v5;
	v4, v5, _ =	vpop (xrf1)  }
0x363: {  	v4 =	vperm.xlane v4, v1  }
0x364: {  	v5 =	vperm.xlane v5, v1  }
0x365: {  	v6 =	vsel vm0, v8, v6;
	v7 =	vsel vm0, v9, v7;
	vm0 =	vge.f32 v10, v4  }
0x366: {  	(xrf1) =	vsort.dscd.msk.f32 $0xffff, v6, v7;
	v7 =	vsel vm0, v5, v11;
	_ =	sdelay $0x1  }
0x367: {  	s29 =	simm.s32 $0x30;
	v6 =	vsel vm0, v4, v10  }
0x368: {  	(xrf1) =	vsort.dscd.msk.f32 $0xffff, v6, v7;
	v6 =	vld [tilespmem:s29+$0x0];
	v7, v8, _ =	vpop (xrf1)  }
0x369: {  	v7 =	vperm.xlane v7, v1  }
0x36a: {  	v8 =	vperm.xlane v8, v1  }
0x36b: {  	v4 =	vsel vm0, v10, v4;
	v5 =	vsel vm0, v11, v5;
	vm0 =	vge.f32 v2, v7  }
0x36c: {  	(xrf1) =	vsort.dscd.msk.f32 $0xffff, v4, v5;
	v4 =	vor.u32 s29, v0;
	v5 =	vsel vm0, v8, v3  }
0x36d: {  	(xrf1) =	vsort.dscd.msk.f32 $0xffff, v6, v4;
	v4 =	vsel vm0, v7, v2;
	_ =	sdelay $0x1  }
0x36e: {  	v6, v9, _ =	vpop (xrf1)  }
0x36f: {  	(xrf1) =	vsort.dscd.msk.f32 $0xffff, v4, v5;
	v4, v5, _ =	vpop (xrf1)  }
0x370: {  	v4 =	vperm.xlane v4, v1  }
0x371: {  	v5 =	vperm.xlane v5, v1  }
0x372: {  	v7 =	vsel vm0, v2, v7;
	v8 =	vsel vm0, v3, v8;
	vm0 =	vge.f32 v6, v4  }
0x373: {  	(xrf1) =	vsort.dscd.msk.f32 $0xffff, v7, v8;
	v8 =	vsel vm0, v5, v9  }
0x374: {  	v7 =	vsel vm0, v4, v6;
	_ =	sdelay $0x1  }
0x375: {  	v10, v11, _ =	vpop (xrf1)  }
0x376: {  	(xrf1) =	vsort.dscd.msk.f32 $0xffff, v7, v8;
	v7, v8, _ =	vpop (xrf1)  }
0x377: {  	v7 =	vperm.xlane v7, v1  }
0x378: {  	v8 =	vperm.xlane v8, v1  }
0x379: {  	v4 =	vsel vm0, v6, v4;
	v5 =	vsel vm0, v9, v5;
	vm0 =	vge.f32 v10, v7  }
0x37a: {  	(xrf1) =	vsort.dscd.msk.f32 $0xffff, v4, v5;
	v5 =	vsel vm0, v8, v11  }
0x37b: {  	v4 =	vsel vm0, v7, v10;
	_ =	sdelay $0x1  }
0x37c: {  	v6, v9, _ =	vpop (xrf1)  }
0x37d: {  	(xrf1) =	vsort.dscd.msk.f32 $0xffff, v4, v5;
	v4, v5, _ =	vpop (xrf1)  }
0x37e: {  	v7 =	vsel vm0, v10, v7;
	v4 =	vperm.xlane v4, v1;
	v10, v12, _ =	vpop (xrf1)  }
0x37f: {  	v8 =	vsel vm0, v11, v8;
	v5 =	vperm.xlane v5, v1;
	v10 =	vperm.xlane v10, v1  }
0x380: {  	(xrf1) =	vsort.dscd.msk.f32 $0xffff, v7, v8;
	vm0 =	vge.f32 v6, v4  }
0x381: {  	v8 =	vsel vm0, v4, v6;
	v11 =	vsel vm0, v5, v9;
	vm1 =	vge.f32 v2, v10  }
0x382: {  	(xrf1) =	vsort.dscd.msk.f32 $0xffff, v8, v11;
	v8 =	vsel vm1, v10, v2  }
0x383: {  	v7 =	vperm.xlane v12, v1;
	_ =	sdelay $0x1  }
0x384: {  	s30 =	simm.s32 $0x40;
	v12, v13, _ =	vpop (xrf1);
	v11 =	vsel vm1, v7, v3  }
0x385: {  	v14 =	vld [tilespmem:s30+$0x0];
	v4 =	vsel vm0, v6, v4;
	v5 =	vsel vm0, v9, v5;
	(xrf1) =	vsort.dscd.msk.f32 $0xffff, v8, v11;
	v6, v8, _ =	vpop (xrf1)  }
0x386: {  	(xrf1) =	vsort.dscd.msk.f32 $0xffff, v4, v5;
	v4 =	vperm.xlane v6, v1  }
0x387: {  	v6 =	vsel vm1, v3, v7;
	v7 =	vperm.xlane v8, v1  }
0x388: {  	v5 =	vsel vm1, v2, v10;
	vm0 =	vge.f32 v12, v4  }
0x389: {  	(xrf1) =	vsort.dscd.msk.f32 $0xffff, v5, v6;
	v5 =	vor.u32 s30, v0;
	v6 =	vsel vm0, v7, v13  }
0x38a: {  	(xrf1) =	vsort.dscd.msk.f32 $0xffff, v14, v5;
	v5 =	vsel vm0, v4, v12;
	_ =	sdelay $0x1  }
0x38b: {  	v8, v9, _ =	vpop (xrf1)  }
0x38c: {  	(xrf1) =	vsort.dscd.msk.f32 $0xffff, v5, v6;
	v5, v6, _ =	vpop (xrf1)  }
0x38d: {  	v5 =	vperm.xlane v5, v1  }
0x38e: {  	v6 =	vperm.xlane v6, v1  }
0x38f: {  	v4 =	vsel vm0, v12, v4;
	v7 =	vsel vm0, v13, v7;
	vm0 =	vge.f32 v8, v5  }
0x390: {  	(xrf1) =	vsort.dscd.msk.f32 $0xffff, v4, v7;
	v7 =	vsel vm0, v6, v9  }
0x391: {  	v4 =	vsel vm0, v5, v8;
	_ =	sdelay $0x1  }
0x392: {  	v10, v11, _ =	vpop (xrf1)  }
0x393: {  	(xrf1) =	vsort.dscd.msk.f32 $0xffff, v4, v7;
	v4, v7, _ =	vpop (xrf1)  }
0x394: {  	v4 =	vperm.xlane v4, v1  }
0x395: {  	v5 =	vsel vm0, v8, v5;
	v6 =	vsel vm0, v9, v6;
	v8, v12, _ =	vpop (xrf1);
	v7 =	vperm.xlane v7, v1  }
0x396: {  	(xrf1) =	vsort.dscd.msk.f32 $0xffff, v5, v6;
	v8 =	vperm.xlane v8, v1;
	vm0 =	vge.f32 v10, v4  }
0x397: {  	v5 =	vperm.xlane v12, v1;
	v13 =	vsel vm0, v7, v11;
	v7 =	vsel vm0, v11, v7  }
0x398: {  	v6, v9, _ =	vpop (xrf1);
	v12 =	vsel vm0, v4, v10;
	vm1 =	vge.f32 v2, v8;
	v4 =	vsel vm0, v10, v4  }
0x399: {  	v14, v15, _ =	vpop (xrf1);
	(xrf1) =	vsort.dscd.msk.f32 $0xffff, v12, v13;
	v12 =	vsel vm1, v8, v2;
	v13 =	vsel vm1, v5, v3  }
0x39a: {  	v16, v17, _ =	vpop (xrf1);
	(xrf1) =	vsort.dscd.msk.f32 $0xffff, v12, v13  }
0x39b: {  	v10 =	vperm.xlane v16, v1;
	v8 =	vsel vm1, v2, v8;
	(xrf1) =	vsort.dscd.msk.f32 $0xffff, v4, v7;
	v4, v7, _ =	vpop (xrf1)  }
0x39c: {  	v11 =	vperm.xlane v17, v1;
	v5 =	vsel vm1, v3, v5;
	v4 =	vperm.xlane v4, v1  }
0x39d: {  	vm0 =	vge.f32 v6, v10;
	(xrf1) =	vsort.dscd.msk.f32 $0xffff, v8, v5;
	v7 =	vperm.xlane v7, v1  }
0x39e: {  	v5 =	vsel vm0, v10, v6;
	v8 =	vsel vm0, v11, v9;
	vm1 =	vge.f32 v14, v4  }
0x39f: {  	(xrf1) =	vsort.dscd.msk.f32 $0xffff, v5, v8;
	v8 =	vsel vm1, v7, v15;
	_ =	sdelay $0x1  }
0x3a0: {  	s31 =	simm.s32 $0x50;
	v12, v13, _ =	vpop (xrf1);
	v5 =	vsel vm1, v4, v14  }
0x3a1: {  	v59 =	vld [tilespmem:s31+$0x0];
	(xrf1) =	vsort.dscd.msk.f32 $0xffff, v5, v8;
	v5 =	vsel vm0, v6, v10;
	v6 =	vsel vm0, v9, v11;
	v8, v9, _ =	vpop (xrf1)  }
0x3a2: {  	(xrf1) =	vsort.dscd.msk.f32 $0xffff, v5, v6;
	v5 =	vperm.xlane v8, v1  }
0x3a3: {  	v6 =	vsel vm1, v15, v7;
	v7 =	vperm.xlane v9, v1  }
0x3a4: {  	v4 =	vsel vm1, v14, v4;
	vm0 =	vge.f32 v12, v5  }
0x3a5: {  	(xrf1) =	vsort.dscd.msk.f32 $0xffff, v4, v6;
	v4 =	vor.u32 s31, v0;
	v6 =	vsel vm0, v7, v13  }
0x3a6: {  	(xrf1) =	vsort.dscd.msk.f32 $0xffff, v59, v4;
	v4 =	vsel vm0, v5, v12;
	_ =	sdelay $0x1  }
0x3a7: {  	v8, v9, _ =	vpop (xrf1)  }
0x3a8: {  	(xrf1) =	vsort.dscd.msk.f32 $0xffff, v4, v6;
	v4, v6, _ =	vpop (xrf1)  }
0x3a9: {  	v4 =	vperm.xlane v4, v1  }
0x3aa: {  	v7 =	vsel vm0, v13, v7;
	v10, v11, _ =	vpop (xrf1);
	v6 =	vperm.xlane v6, v1  }
0x3ab: {  	v5 =	vsel vm0, v12, v5;
	v10 =	vperm.xlane v10, v1;
	vm0 =	vge.f32 v8, v4  }
0x3ac: {  	(xrf1) =	vsort.dscd.msk.f32 $0xffff, v5, v7;
	v13 =	vsel vm0, v6, v9  }
0x3ad: {  	v5 =	vperm.xlane v11, v1;
	v7, v11, _ =	vpop (xrf1);
	v12 =	vsel vm0, v4, v8;
	vm1 =	vge.f32 v2, v10  }
0x3ae: {  	v14, v15, _ =	vpop (xrf1);
	v4 =	vsel vm0, v8, v4;
	v6 =	vsel vm0, v9, v6;
	(xrf1) =	vsort.dscd.msk.f32 $0xffff, v12, v13  }
0x3af: {  	v12 =	vsel vm1, v2, v10;
	v10 =	vsel vm1, v10, v2;
	v8 =	vsel vm1, v5, v3;
	v13, v60, _ =	vpop (xrf1)  }
0x3b0: {  	v5 =	vsel vm1, v3, v5;
	(xrf1) =	vsort.dscd.msk.f32 $0xffff, v10, v8;
	v9 =	vperm.xlane v13, v1  }
0x3b1: {  	(xrf1) =	vsort.dscd.msk.f32 $0xffff, v12, v5;
	v13, v61, _ =	vpop (xrf1)  }
0x3b2: {  	v8 =	vperm.xlane v60, v1;
	v10 =	vperm.xlane v13, v1;
	vm0 =	vge.f32 v7, v9  }
0x3b3: {  	(xrf1) =	vsort.dscd.msk.f32 $0xffff, v4, v6;
	v4 =	vperm.xlane v61, v1;
	v5 =	vsel vm0, v9, v7  }
0x3b4: {  	v6, v12, _ =	vpop (xrf1);
	v13 =	vsel vm0, v8, v11;
	vm1 =	vge.f32 v14, v10;
	v7 =	vsel vm0, v7, v9  }
0x3b5: {  	v62, v63, _ =	vpop (xrf1);
	(xrf1) =	vsort.dscd.msk.f32 $0xffff, v5, v13;
	v5 =	vsel vm1, v10, v14  }
0x3b6: {  	v18, v19, _ =	vpop (xrf1);
	v13 =	vsel vm1, v4, v15  }
0x3b7: {  	v8 =	vsel vm0, v11, v8;
	v9 =	vperm.xlane v18, v1;
	(xrf1) =	vsort.dscd.msk.f32 $0xffff, v5, v13  }
0x3b8: {  	(xrf1) =	vsort.dscd.msk.f32 $0xffff, v7, v8;
	v8 =	vsel vm1, v14, v10;
	v10 =	vperm.xlane v19, v1;
	v5, v7, _ =	vpop (xrf1)  }
0x3b9: {  	v4 =	vsel vm1, v15, v4;
	vm0 =	vge.f32 v6, v9;
	v11 =	vperm.xlane v5, v1  }
0x3ba: {  	(xrf1) =	vsort.dscd.msk.f32 $0xffff, v8, v4;
	v4 =	vsel vm0, v9, v6;
	v5 =	vsel vm0, v10, v12  }
0x3bb: {  	v6 =	vsel vm0, v6, v9;
	v7 =	vperm.xlane v7, v1;
	vm1 =	vge.f32 v62, v11  }
0x3bc: {  	s21 =	simm.s32 $0x60;
	(xrf1) =	vsort.dscd.msk.f32 $0xffff, v4, v5;
	v4 =	vsel vm1, v11, v62  }
0x3bd: {  	v14 =	vld [tilespmem:s21+$0x0];
	v8 =	vsel vm1, v7, v63  }
0x3be: {  	v9 =	vsel vm0, v12, v10;
	v13, v5, _ =	vpop (xrf1);
	(xrf1) =	vsort.dscd.msk.f32 $0xffff, v4, v8  }
0x3bf: {  	(xrf1) =	vsort.dscd.msk.f32 $0xffff, v6, v9;
	v4, v6, _ =	vpop (xrf1)  }
0x3c0: {  	v7 =	vsel vm1, v63, v7;
	v8 =	vsel vm1, v62, v11;
	v10 =	vperm.xlane v4, v1  }
0x3c1: {  	(xrf1) =	vsort.dscd.msk.f32 $0xffff, v8, v7;
	v8 =	vor.u32 s21, v0;
	v9 =	vperm.xlane v6, v1;
	v4, v6, _ =	vpop (xrf1)  }
0x3c2: {  	(xrf1) =	vsort.dscd.msk.f32 $0xffff, v14, v8;
	v11 =	vperm.xlane v4, v1;
	vm0 =	vge.f32 v13, v10  }
0x3c3: {  	v12 =	vperm.xlane v6, v1;
	v7, v4, _ =	vpop (xrf1);
	v14 =	vsel vm0, v10, v13;
	v15 =	vsel vm0, v9, v5  }
0x3c4: {  	s22 =	simm.s32 $0x70;
	v8, v6, _ =	vpop (xrf1);
	v10 =	vsel vm0, v13, v10;
	vm1 =	vge.f32 v2, v11;
	(xrf1) =	vsort.dscd.msk.f32 $0xffff, v14, v15  }
.LBB2_11:
0x3c5: {  	p3 =	sne.s32 s22, $0xFF0;
	v13, v14, _ =	vpop (xrf1);
	v5 =	vsel vm0, v5, v9;
	v2 =	vsel vm1, v2, v11;
	v15 =	vsel vm1, v3, v12;
	s23 =	smov.u32 s22;
	s22 =	sadd.s32 $0x10, s22  }
0x3c6: {  	v9 =	vperm.xlane v13, v1;
	v11, v12, _ =	vpop (xrf1);
	(xrf1) =	vsort.dscd.msk.f32 $0xffff, v2, v15  }
0x3c7: {  	v2 =	vperm.xlane v14, v1;
	v3, v13, _ =	vpop (xrf1);
	(xrf1) =	vsort.dscd.msk.f32 $0xffff, v10, v5;
	v5 =	vperm.xlane v11, v1  }
0x3c8: {  	v10 =	vperm.xlane v12, v1;
	vm0 =	vge.f32 v8, v9  }
0x3c9: {  	v11 =	vsel vm0, v9, v8;
	v18 =	vsel vm0, v2, v6;
	vm1 =	vge.f32 v7, v5;
	v14, v15, _ =	vpop (xrf1)  }
0x3ca: {  	(xrf1) =	vsort.dscd.msk.f32 $0xffff, v11, v18;
	v11 =	vsel vm1, v7, v5;
	v5 =	vsel vm1, v5, v7  }
0x3cb: {  	v19 =	vsel vm0, v8, v9;
	v2 =	vsel vm0, v6, v2;
	v17 =	vsel vm1, v10, v4;
	v7, v12, _ =	vpop (xrf1)  }
0x3cc: {  	v18 =	vsel vm1, v4, v10;
	v7 =	vperm.xlane v7, v1;
	v9, v16, _ =	vpop (xrf1);
	(xrf1) =	vsort.dscd.msk.f32 $0xffff, v5, v17  }
0x3cd: {  	v5 =	vperm.xlane v12, v1;
	v6, v10, _ =	vpop (xrf1);
	v9 =	vperm.xlane v9, v1;
	(xrf1) =	vsort.dscd.msk.f32 $0xffff, v11, v18  }
0x3ce: {  	vm0 =	vge.f32 v3, v7;
	(xrf1) =	vsort.dscd.msk.f32 $0xffff, v19, v2  }
0x3cf: {  	v2 =	vperm.xlane v16, v1;
	v4, v8, _ =	vpop (xrf1);
	v11 =	vsel vm0, v7, v3;
	v12 =	vsel vm0, v5, v13  }
0x3d0: {  	vm1 =	vge.f32 v14, v9;
	v3 =	vsel vm0, v3, v7;
	v5 =	vsel vm0, v13, v5  }
0x3d1: {  	(xrf1) =	vsort.dscd.msk.f32 $0xffff, v11, v12;
	v11 =	vsel vm1, v9, v14;
	v12 =	vsel vm1, v2, v15  }
0x3d2: {  	v16, v17, _ =	vpop (xrf1)  }
0x3d3: {  	(xrf1) =	vsort.dscd.msk.f32 $0xffff, v11, v12;
	v7 =	vperm.xlane v16, v1  }
0x3d4: {  	v9 =	vsel vm1, v14, v9;
	v14 =	vsel vm1, v15, v2;
	(xrf1) =	vsort.dscd.msk.f32 $0xffff, v3, v5;
	v3, v5, _ =	vpop (xrf1)  }
0x3d5: {  	v11 =	vperm.xlane v17, v1;
	v12 =	vperm.xlane v3, v1;
	vm0 =	vge.f32 v6, v7  }
0x3d6: {  	v13 =	vperm.xlane v5, v1;
	(xrf1) =	vsort.dscd.msk.f32 $0xffff, v9, v14;
	v2, v3, _ =	vpop (xrf1);
	v9 =	vsel vm0, v7, v6  }
0x3d7: {  	v14 =	vsel vm0, v11, v10;
	v6 =	vsel vm0, v6, v7;
	vm1 =	vge.f32 v4, v12;
	v15, v5, _ =	vpop (xrf1)  }
0x3d8: {  	s21 =	sadd.s32 $0x10, s21;
	(xrf1) =	vsort.dscd.msk.f32 $0xffff, v9, v14;
	v9 =	vsel vm1, v12, v4;
	v14 =	vsel vm1, v13, v8  }
0x3d9: {  	v10 =	vsel vm0, v10, v11;
	v16 =	vld [tilespmem:s21+$0x0];
	(xrf1) =	vsort.dscd.msk.f32 $0xffff, v9, v14  }
0x3da: {  	v11 =	vsel vm1, v8, v13;
	v14 =	vsel vm1, v4, v12;
	(xrf1) =	vsort.dscd.msk.f32 $0xffff, v6, v10;
	v6, v7, _ =	vpop (xrf1)  }
.Ltmp7:
0x3db: {  	v10 =	vperm.xlane v6, v1;
	(xrf1) =	vsort.dscd.msk.f32 $0xffff, v14, v11;
	(pc) =	sbr.rel @p3 .LBB2_11-.Ltmp7, $4  }
0x3dc: {  	v17 =	vor.u32 s23, v0;
	v9 =	vperm.xlane v7, v1;
	v8, v7, _ =	vpop (xrf1)  }
0x3dd: {  	vm0 =	vge.f32 v15, v10;
	v11 =	vperm.xlane v8, v1;
	v12 =	vperm.xlane v7, v1;
	v7, v4, _ =	vpop (xrf1)  }
0x3de: {  	(xrf1) =	vsort.dscd.msk.f32 $0xffff, v16, v17;
	v13 =	vsel vm0, v10, v15;
	v14 =	vsel vm0, v9, v5;
	v8, v6, _ =	vpop (xrf1)  }
0x3df: {  	v10 =	vsel vm0, v15, v10;
	(xrf1) =	vsort.dscd.msk.f32 $0xffff, v13, v14;
	vm1 =	vge.f32 v2, v11  }
.Ltmp8:
0x3e0: {  	_ = 	snop;
	(pc) =	sbr.rel .LBB2_12-.Ltmp8, $1  }
0x3e1: {  	_ =	sdelay $0x3  }
.LBB2_14:
0x3e2: {  	_ =	sfence.sel $0x180000  }
0x3e3: {  	[bflag:$0x0] =	sbarrier.arrive $0xFFFF  }
0x3e4: {  	p0 =	sne.s32 s4, $0x0;
	_ =	strace $0x90000047  }
0x3e5: {  	s0 =	sadd.s32 @!p0 $0x100000, s0;
	[bflag:$0x2] =	sbarrier.arrive $0xFFFF  }
0x3e6: {  	[sflag:s0] =	ssyncadd.tile.s32 @!p0 $0x1;
	_ =	shalt  }
.Lfunc_end2:
_tile_overlayer_lowered:
.L_overlay_start_2:
0x3e7: {  	(tag) =	ssettag $0x2  }
0x3e8: {  	s0 =	rddreg [dreg:$0x0];
	s2 =	stileid.u32  }
0x3e9: {  	s1 =	rddreg [dreg:$0x1];
	p0 =	sne.s32 s2, $0x0  }
0x3ea: {  	s3 =	rddreg [dreg:$0x2];
	[bflag:$0x3] =	sbarrier.arrive $0xFFFF;
	s2 =	simm.s32 @!p0 $0x1C02  }
0x3eb: {  	[timem:s3], [sflag:s2] =	dma.local @!p0 [hbm:s0], s1  }
0x3ec: {  	s0 =	simm.s32 @!p0 $0x2  }
0x3ed: {  	_ =	swait.ge @!p0 [sflag:s0], s1  }
0x3ee: {  	s1 =	ssub.s32 @!p0 $0x0, s1;
	[sflag:s0] =	ssyncset.done @!p0 $0x0  }
0x3ef: {  	[sflag:s0] =	ssyncadd.s32 @!p0 s1  }
0x3f0: {  	[bflag:$0x3] =	sbarrier.arrive $0xFFFF  }
0x3f1: {  	_ =	shalt  }

</sc_bundles>
